<compile_context>
chip_gen: v7x
topology: tpu7x:2x2x1
jax: 0.10.2.dev20260603
libtpu: 0.0.44.dev20260713+nightly
codegen_flags: <defaults>
</compile_context>

<pallas_src>
import functools

import jax
import jax.numpy as jnp
from jax import lax
from jax.experimental import pallas as pl
from jax.experimental.pallas import tpu as pltpu
from jax.experimental.pallas import tpu_sc as plsc

N = 10000
D = 128
E = 320000

NC = 2
NS = 16
NW = NC * NS
CH = 128
NCHUNK = 80
CHD = 256
NCHD = 40
E_PAD = NW * NCHUNK * CH
N_PAD = 10112
RPT = N_PAD // NS

_mesh = plsc.VectorSubcoreMesh(core_axis_name="c", subcore_axis_name="s")




@functools.partial(
    pl.kernel,
    out_type=jax.ShapeDtypeStruct((NC, N_PAD, D), jnp.float32),
    mesh=_mesh,
    scratch_types=(
        [pltpu.VMEM((NCHUNK, CH), jnp.int32)]
        + [pltpu.VMEM((CH,), jnp.int32)] * 2
        + [pltpu.VMEM((CH, D), jnp.float32)] * 2
        + [pltpu.VMEM_SHARED((N_PAD, D), jnp.float32)]
        + [pltpu.SemaphoreType.DMA] * 6
    ),
)
def _sc_scatter_rows(h_hbm, src_hbm, dst_hbm, zeros_hbm, out_hbm,
                     srcs_v, d0, d1, r0, r1, agg_sh,
                     si0, si1, sg0, sg1, ss0, ss1):
    dv = (d0, d1)
    rv = (r0, r1)
    si = (si0, si1)
    sg = (sg0, sg1)
    ss = (ss0, ss1)
    cid = lax.axis_index("c")
    sid = lax.axis_index("s")
    wid = cid * NS + sid
    pltpu.sync_copy(zeros_hbm, agg_sh.at[pl.ds(sid * RPT, RPT)])
    pltpu.sync_copy(src_hbm.at[wid], srcs_v)
    plsc.subcore_barrier()

    def _idx(c, b):
        pltpu.async_copy(dst_hbm.at[wid, c], dv[b], si[b])

    def _idx_wait(b):
        pltpu.make_async_copy(dst_hbm.at[0, 0], dv[b], si[b]).wait()

    def _gather(c, b):
        pltpu.async_copy(h_hbm.at[srcs_v.at[c]], rv[b], sg[b])

    def _gather_wait(b):
        pltpu.make_async_copy(h_hbm.at[srcs_v.at[0]], rv[b], sg[b]).wait()

    def _scatter(b):
        pltpu.async_copy(rv[b], agg_sh.at[dv[b]], ss[b], add=True)

    def _scatter_wait(b):
        pltpu.make_async_copy(rv[b], agg_sh.at[dv[b]], ss[b]).wait()

    for b in range(2):
        _idx(b, b)
        _gather(b, b)
    for b in range(2):
        _gather_wait(b)
        _idx_wait(b)
        _scatter(b)

    def body(i, carry):
        for b in range(2):
            c = 2 * i + b
            _scatter_wait(b)
            _idx(c, b)
            _gather(c, b)
            _gather_wait(b)
            _idx_wait(b)
            _scatter(b)
        return carry

    lax.fori_loop(1, NCHUNK // 2, body, 0)
    for b in range(2):
        _scatter_wait(b)
    plsc.subcore_barrier()
    pltpu.sync_copy(agg_sh.at[pl.ds(sid * RPT, RPT)],
                    out_hbm.at[cid, pl.ds(sid * RPT, RPT)])


@functools.partial(
    pl.kernel,
    out_type=jax.ShapeDtypeStruct((NC, N_PAD, D), jnp.float32),
    mesh=_mesh,
    scratch_types=(
        [pltpu.VMEM((CHD,), jnp.int32)]
        + [pltpu.VMEM((CHD, D), jnp.float32)]
        + [pltpu.VMEM_SHARED((N_PAD, D), jnp.float32)]
    ),
)
def _sc_degree_rows(dst_hbm, ones_hbm, zeros_hbm, out_hbm, dst_v, ones_v,
                    deg_sh):
    cid = lax.axis_index("c")
    sid = lax.axis_index("s")
    wid = cid * NS + sid
    pltpu.sync_copy(zeros_hbm, deg_sh.at[pl.ds(sid * RPT, RPT)])
    pltpu.sync_copy(ones_hbm, ones_v)
    plsc.subcore_barrier()

    def body(j, carry):
        pltpu.sync_copy(dst_hbm.at[wid, j], dst_v)
        pltpu.sync_copy(ones_v, deg_sh.at[dst_v], add=True)
        return carry

    lax.fori_loop(0, NCHD, body, 0)
    plsc.subcore_barrier()
    pltpu.sync_copy(deg_sh.at[pl.ds(sid * RPT, RPT)],
                    out_hbm.at[cid, pl.ds(sid * RPT, RPT)])



def _dinv_from_partials(degp):
    deg = 1.0 + degp[0, :N, 0] + degp[1, :N, 0]
    return lax.rsqrt(deg)


def _tc_first_body(x_ref, degp_ref, w_ref, out_ref):
    dinv = _dinv_from_partials(degp_ref[...])
    h = jnp.dot(x_ref[...], w_ref[...], preferred_element_type=jnp.float32)
    out_ref[...] = dinv[:, None] * h


def _tc_mid_body(p_ref, hp_ref, degp_ref, b_ref, g_ref, be_ref, w_ref, out_ref):
    dinv = _dinv_from_partials(degp_ref[...])
    agg = p_ref[0, :N, :] + p_ref[1, :N, :] + hp_ref[...]
    z = dinv[:, None] * agg + b_ref[...]
    m = jnp.mean(z, axis=0)
    v = jnp.mean((z - m) ** 2, axis=0)
    y = g_ref[...] * (z - m) / jnp.sqrt(v + 1e-5) + be_ref[...]
    y = jnp.maximum(y, 0.0)
    h = jnp.dot(y, w_ref[...], preferred_element_type=jnp.float32)
    out_ref[...] = dinv[:, None] * h


def _tc_last_body(p_ref, hp_ref, degp_ref, b_ref, out_ref):
    dinv = _dinv_from_partials(degp_ref[...])
    agg = p_ref[0, :N, :] + p_ref[1, :N, :] + hp_ref[...]
    out_ref[...] = dinv[:, None] * agg + b_ref[...]


_out_nd = jax.ShapeDtypeStruct((N, D), jnp.float32)
_tc_first = pl.pallas_call(_tc_first_body, out_shape=_out_nd)
_tc_mid = pl.pallas_call(_tc_mid_body, out_shape=_out_nd)
_tc_last = pl.pallas_call(_tc_last_body, out_shape=_out_nd)



def kernel(x, edge_index, W1, b1, g1, be1, W2, b2, g2, be2, W3, b3, g3, be3,
           W4, b4):
    src = edge_index[0].astype(jnp.int32)
    dst = edge_index[1].astype(jnp.int32)
    pad = E_PAD - E
    pid = jnp.arange(pad, dtype=jnp.int32)
    src3 = jnp.concatenate([src, pid % N])
    dst3 = jnp.concatenate([dst, N + pid % (N_PAD - N)])
    src3 = src3.reshape(NW, NCHUNK, CH)
    dst3 = dst3.reshape(NW, NCHUNK, CH)

    zrows = jnp.zeros((RPT, D), jnp.float32)

    degp = _sc_degree_rows(dst3.reshape(NW, NCHD, CHD),
                           jnp.ones((CHD, D), jnp.float32), zrows)

    hp = _tc_first(x, degp, W1)
    p = _sc_scatter_rows(hp, src3, dst3, zrows)
    hp = _tc_mid(p, hp, degp, b1, g1, be1, W2)
    p = _sc_scatter_rows(hp, src3, dst3, zrows)
    hp = _tc_mid(p, hp, degp, b2, g2, be2, W3)
    p = _sc_scatter_rows(hp, src3, dst3, zrows)
    hp = _tc_mid(p, hp, degp, b3, g3, be3, W4)
    p = _sc_scatter_rows(hp, src3, dst3, zrows)
    return _tc_last(p, hp, degp, b4)

# --- scband reference (transcript-rebuilt; emitter-appended) ---
"""Pipeline reference for scband-gnnmodel-67104569033231 (READ-ONLY COPY).

The authoritative reference and input builder live on the scoring server;
editing this copy changes nothing except your own understanding.
"""

import jax, jax.numpy as jnp
import numpy as np

N = 10000
D_IN = 128
D_H = 128
D_OUT = 128
E = 320000


def gcn_conv(x, edge_index, W, b):
    n = x.shape[0]
    src = edge_index[0]
    dst = edge_index[1]
    loop = jnp.arange(n, dtype=src.dtype)
    src = jnp.concatenate([src, loop])
    dst = jnp.concatenate([dst, loop])
    deg = jnp.zeros((n,), dtype=x.dtype).at[dst].add(1.0)
    dinv = jnp.where(deg > 0, 1.0 / jnp.sqrt(deg), 0.0)
    norm = dinv[src] * dinv[dst]
    h = x @ W
    msg = h[src] * norm[:, None]
    out = jnp.zeros((n, h.shape[1]), dtype=x.dtype).at[dst].add(msg)
    return out + b


def batch_norm(x, gamma, beta, eps=1e-5):
    m = jnp.mean(x, axis=0)
    v = jnp.var(x, axis=0)
    return gamma * (x - m) / jnp.sqrt(v + eps) + beta


def setup_inputs(seed: int = 0) -> dict:
    key = jax.random.key(seed)
    ks = jax.random.split(key, 16)
    x = jax.random.normal(ks[0], (N, D_IN), dtype=jnp.float32)
    edge_index = jax.random.randint(ks[1], (2, E), 0, N, dtype=jnp.int64)
    def glorot(k, fi, fo):
        s = jnp.sqrt(6.0 / (fi + fo))
        return jax.random.uniform(k, (fi, fo), dtype=jnp.float32, minval=-s, maxval=s)
    inp = {
        "x": x,
        "edge_index": edge_index,
        "W1": glorot(ks[2], D_IN, D_H), "b1": jnp.zeros((D_H,), jnp.float32),
        "g1": jnp.ones((D_H,), jnp.float32), "be1": jnp.zeros((D_H,), jnp.float32),
        "W2": glorot(ks[3], D_H, D_H), "b2": jnp.zeros((D_H,), jnp.float32),
        "g2": jnp.ones((D_H,), jnp.float32), "be2": jnp.zeros((D_H,), jnp.float32),
        "W3": glorot(ks[4], D_H, D_H), "b3": jnp.zeros((D_H,), jnp.float32),
        "g3": jnp.ones((D_H,), jnp.float32), "be3": jnp.zeros((D_H,), jnp.float32),
        "W4": glorot(ks[5], D_H, D_OUT), "b4": jnp.zeros((D_OUT,), jnp.float32),
    }
    return inp


def reference(x, edge_index, W1, b1, g1, be1, W2, b2, g2, be2, W3, b3, g3, be3, W4, b4):
    h = gcn_conv(x, edge_index, W1, b1)
    h = jax.nn.relu(batch_norm(h, g1, be1))
    h = gcn_conv(h, edge_index, W2, b2)
    h = jax.nn.relu(batch_norm(h, g2, be2))
    h = gcn_conv(h, edge_index, W3, b3)
    h = jax.nn.relu(batch_norm(h, g3, be3))
    h = gcn_conv(h, edge_index, W4, b4)
    return h

if __name__ == "__main__":
    import jax
    _d = setup_inputs()
    print(jax.jit(kernel)(*tuple(_d.values())))

</pallas_src>

<mosaic_0001>
#map = affine_map<(d0, d1) -> (0, 0)>
#map1 = affine_map<(d0, d1) -> (0, 0, 0)>
module attributes {stable_mosaic.version = 14 : i64} {
  func.func @_sc_scatter_rows(%arg0: i32, %arg1: i32, %arg2: memref<10000x128xf32, #tpu.memory_space<hbm>>, %arg3: memref<32x80x128xi32, #tpu.memory_space<hbm>>, %arg4: memref<32x80x128xi32, #tpu.memory_space<hbm>>, %arg5: memref<632x128xf32, #tpu.memory_space<hbm>>, %arg6: memref<2x10112x128xf32, #tpu.memory_space<hbm>>, %arg7: memref<80x128xi32, #tpu.memory_space<vmem>>, %arg8: memref<128xi32, #tpu.memory_space<vmem>>, %arg9: memref<128xi32, #tpu.memory_space<vmem>>, %arg10: memref<128x128xf32, #tpu.memory_space<vmem>>, %arg11: memref<128x128xf32, #tpu.memory_space<vmem>>, %arg12: memref<10112x128xf32, #tpu.memory_space<vmem_shared>>, %arg13: memref<!tpu.dma_semaphore, #tpu.memory_space<semaphore_mem>>, %arg14: memref<!tpu.dma_semaphore, #tpu.memory_space<semaphore_mem>>, %arg15: memref<!tpu.dma_semaphore, #tpu.memory_space<semaphore_mem>>, %arg16: memref<!tpu.dma_semaphore, #tpu.memory_space<semaphore_mem>>, %arg17: memref<!tpu.dma_semaphore, #tpu.memory_space<semaphore_mem>>, %arg18: memref<!tpu.dma_semaphore, #tpu.memory_space<semaphore_mem>>) attributes {dimension_semantics = [#tpu.dimension_semantics<core_parallel>, #tpu.dimension_semantics<subcore_parallel>], iteration_bounds = array<i64: 2, 16>, scalar_prefetch = 0 : i64, scratch_operands = 12 : i64, tpu.core_type = #tpu.core_type<sc_vector_subcore>, window_params = [{transform_indices = #map}, {transform_indices = #map1}, {transform_indices = #map1}, {transform_indices = #map}, {transform_indices = #map1}]} {
    %mul3A = arith.constant 16 : i32
    %mul3A_0 = arith.muli %arg0, %mul3A : i32
    %add3A = arith.addi %mul3A_0, %arg1 : i32
    %mul3A_1 = arith.constant 632 : i32
    %mul3A_2 = arith.muli %arg1, %mul3A_1 : i32
    "tpu.region"() ({
      %run_scoped3A = tpu.sem_alloc : memref<!tpu.dma_semaphore, #tpu.memory_space<semaphore_mem>>
      %dma_start3A_81 = arith.constant 0 : i32
      %dma_start3A_82 = tpu.memref_slice %arg12[%mul3A_2, %dma_start3A_81] : memref<10112x128xf32, #tpu.memory_space<vmem_shared>> -> memref<632x128xf32, #tpu.memory_space<vmem_shared>>
      tpu.enqueue_dma source(%arg5 : memref<632x128xf32, #tpu.memory_space<hbm>>) target(%dma_start3A_82 : memref<632x128xf32, #tpu.memory_space<vmem_shared>>) target_semaphore(%run_scoped3A : memref<!tpu.dma_semaphore, #tpu.memory_space<semaphore_mem>>)
      %dma_wait3A_83 = arith.constant 0 : i32
      %dma_wait3A_84 = tpu.memref_slice %arg12[%mul3A_2, %dma_wait3A_83] : memref<10112x128xf32, #tpu.memory_space<vmem_shared>> -> memref<632x128xf32, #tpu.memory_space<vmem_shared>>
      tpu.wait_dma2 semaphore(%run_scoped3A : memref<!tpu.dma_semaphore, #tpu.memory_space<semaphore_mem>>) src(%arg5 : memref<632x128xf32, #tpu.memory_space<hbm>>) dst(%dma_wait3A_84 : memref<632x128xf32, #tpu.memory_space<vmem_shared>>)
      tpu.yield
    }) : () -> ()
    "tpu.region"() ({
      %run_scoped3A = tpu.sem_alloc : memref<!tpu.dma_semaphore, #tpu.memory_space<semaphore_mem>>
      %dma_start3A_81 = arith.constant 0 : i32
      %dma_start3A_82 = arith.constant 0 : i32
      %dma_start3A_83 = tpu.memref_slice %arg3[%add3A, %dma_start3A_81, %dma_start3A_82] : memref<32x80x128xi32, #tpu.memory_space<hbm>> -> memref<1x80x128xi32, #tpu.memory_space<hbm>>
      %dma_start3A_84 = tpu.memref_squeeze %dma_start3A_83 : memref<1x80x128xi32, #tpu.memory_space<hbm>> -> memref<80x128xi32, #tpu.memory_space<hbm>>
      %dma_start3A_85 = arith.constant 0 : i32
      %dma_start3A_86 = arith.constant 0 : i32
      %dma_start3A_87 = tpu.memref_slice %arg3[%add3A, %dma_start3A_85, %dma_start3A_86] : memref<32x80x128xi32, #tpu.memory_space<hbm>> -> memref<1x80x128xi32, #tpu.memory_space<hbm>>
      %dma_start3A_88 = tpu.memref_squeeze %dma_start3A_87 : memref<1x80x128xi32, #tpu.memory_space<hbm>> -> memref<80x128xi32, #tpu.memory_space<hbm>>
      tpu.enqueue_dma source(%dma_start3A_88 : memref<80x128xi32, #tpu.memory_space<hbm>>) target(%arg7 : memref<80x128xi32, #tpu.memory_space<vmem>>) target_semaphore(%run_scoped3A : memref<!tpu.dma_semaphore, #tpu.memory_space<semaphore_mem>>)
      %dma_wait3A_89 = arith.constant 0 : i32
      %dma_wait3A_90 = arith.constant 0 : i32
      %dma_wait3A_91 = tpu.memref_slice %arg3[%add3A, %dma_wait3A_89, %dma_wait3A_90] : memref<32x80x128xi32, #tpu.memory_space<hbm>> -> memref<1x80x128xi32, #tpu.memory_space<hbm>>
      %dma_wait3A_92 = tpu.memref_squeeze %dma_wait3A_91 : memref<1x80x128xi32, #tpu.memory_space<hbm>> -> memref<80x128xi32, #tpu.memory_space<hbm>>
      %dma_wait3A_93 = arith.constant 0 : i32
      %dma_wait3A_94 = arith.constant 0 : i32
      %dma_wait3A_95 = tpu.memref_slice %arg3[%add3A, %dma_wait3A_93, %dma_wait3A_94] : memref<32x80x128xi32, #tpu.memory_space<hbm>> -> memref<1x80x128xi32, #tpu.memory_space<hbm>>
      %dma_wait3A_96 = tpu.memref_squeeze %dma_wait3A_95 : memref<1x80x128xi32, #tpu.memory_space<hbm>> -> memref<80x128xi32, #tpu.memory_space<hbm>>
      tpu.wait_dma2 semaphore(%run_scoped3A : memref<!tpu.dma_semaphore, #tpu.memory_space<semaphore_mem>>) src(%dma_wait3A_96 : memref<80x128xi32, #tpu.memory_space<hbm>>) dst(%arg7 : memref<80x128xi32, #tpu.memory_space<vmem>>)
      tpu.yield
    }) : () -> ()
    %barrier3A = arith.constant 0 : index
    tpu.barrier barrier_id(%barrier3A)
    %dma_start3A = arith.constant 0 : i32
    %dma_start3A_3 = arith.constant 0 : i32
    %dma_start3A_4 = tpu.memref_slice %arg4[%add3A, %dma_start3A, %dma_start3A_3] : memref<32x80x128xi32, #tpu.memory_space<hbm>> -> memref<1x1x128xi32, #tpu.memory_space<hbm>>
    %dma_start3A_5 = tpu.memref_squeeze %dma_start3A_4 : memref<1x1x128xi32, #tpu.memory_space<hbm>> -> memref<128xi32, #tpu.memory_space<hbm>>
    %dma_start3A_6 = arith.constant 0 : i32
    %dma_start3A_7 = tpu.memref_slice %arg4[%add3A, %dma_start3A, %dma_start3A_6] : memref<32x80x128xi32, #tpu.memory_space<hbm>> -> memref<1x1x128xi32, #tpu.memory_space<hbm>>
    %dma_start3A_8 = tpu.memref_squeeze %dma_start3A_7 : memref<1x1x128xi32, #tpu.memory_space<hbm>> -> memref<128xi32, #tpu.memory_space<hbm>>
    tpu.enqueue_dma source(%dma_start3A_8 : memref<128xi32, #tpu.memory_space<hbm>>) target(%arg8 : memref<128xi32, #tpu.memory_space<vmem>>) target_semaphore(%arg13 : memref<!tpu.dma_semaphore, #tpu.memory_space<semaphore_mem>>)
    %dma_start3A_9 = arith.constant 0 : i32
    %dma_start3A_10 = arith.constant 0 : i32
    %dma_start3A_11 = tpu.memref_slice %arg7[%dma_start3A_9, %dma_start3A_10] : memref<80x128xi32, #tpu.memory_space<vmem>> -> memref<1x128xi32, #tpu.memory_space<vmem>>
    %dma_start3A_12 = tpu.memref_squeeze %dma_start3A_11 : memref<1x128xi32, #tpu.memory_space<vmem>> -> memref<128xi32, #tpu.memory_space<vmem>>
    %dma_start3A_13 = arith.constant 0 : i32
    %dma_start3A_14 = arith.constant 0 : i32
    %dma_start3A_15 = tpu.memref_slice %arg2[%dma_start3A_13, %dma_start3A_14] : memref<10000x128xf32, #tpu.memory_space<hbm>> -> memref<10000x128xf32, #tpu.memory_space<hbm>>
    tpu.enqueue_indirect_dma source(%dma_start3A_15 : memref<10000x128xf32, #tpu.memory_space<hbm>>) target(%arg10 : memref<128x128xf32, #tpu.memory_space<vmem>>) offsets(%dma_start3A_12 : memref<128xi32, #tpu.memory_space<vmem>>) semaphore(%arg15 : memref<!tpu.dma_semaphore, #tpu.memory_space<semaphore_mem>>)
    %dma_start3A_16 = arith.constant 1 : i32
    %dma_start3A_17 = arith.constant 0 : i32
    %dma_start3A_18 = tpu.memref_slice %arg4[%add3A, %dma_start3A_16, %dma_start3A_17] : memref<32x80x128xi32, #tpu.memory_space<hbm>> -> memref<1x1x128xi32, #tpu.memory_space<hbm>>
    %dma_start3A_19 = tpu.memref_squeeze %dma_start3A_18 : memref<1x1x128xi32, #tpu.memory_space<hbm>> -> memref<128xi32, #tpu.memory_space<hbm>>
    %dma_start3A_20 = arith.constant 0 : i32
    %dma_start3A_21 = tpu.memref_slice %arg4[%add3A, %dma_start3A_16, %dma_start3A_20] : memref<32x80x128xi32, #tpu.memory_space<hbm>> -> memref<1x1x128xi32, #tpu.memory_space<hbm>>
    %dma_start3A_22 = tpu.memref_squeeze %dma_start3A_21 : memref<1x1x128xi32, #tpu.memory_space<hbm>> -> memref<128xi32, #tpu.memory_space<hbm>>
    tpu.enqueue_dma source(%dma_start3A_22 : memref<128xi32, #tpu.memory_space<hbm>>) target(%arg9 : memref<128xi32, #tpu.memory_space<vmem>>) target_semaphore(%arg14 : memref<!tpu.dma_semaphore, #tpu.memory_space<semaphore_mem>>)
    %dma_start3A_23 = arith.constant 1 : i32
    %dma_start3A_24 = arith.constant 0 : i32
    %dma_start3A_25 = tpu.memref_slice %arg7[%dma_start3A_23, %dma_start3A_24] : memref<80x128xi32, #tpu.memory_space<vmem>> -> memref<1x128xi32, #tpu.memory_space<vmem>>
    %dma_start3A_26 = tpu.memref_squeeze %dma_start3A_25 : memref<1x128xi32, #tpu.memory_space<vmem>> -> memref<128xi32, #tpu.memory_space<vmem>>
    %dma_start3A_27 = arith.constant 0 : i32
    %dma_start3A_28 = arith.constant 0 : i32
    %dma_start3A_29 = tpu.memref_slice %arg2[%dma_start3A_27, %dma_start3A_28] : memref<10000x128xf32, #tpu.memory_space<hbm>> -> memref<10000x128xf32, #tpu.memory_space<hbm>>
    tpu.enqueue_indirect_dma source(%dma_start3A_29 : memref<10000x128xf32, #tpu.memory_space<hbm>>) target(%arg11 : memref<128x128xf32, #tpu.memory_space<vmem>>) offsets(%dma_start3A_26 : memref<128xi32, #tpu.memory_space<vmem>>) semaphore(%arg16 : memref<!tpu.dma_semaphore, #tpu.memory_space<semaphore_mem>>)
    %dma_wait3A = arith.constant 0 : i32
    %dma_wait3A_30 = arith.constant 0 : i32
    %dma_wait3A_31 = tpu.memref_slice %arg7[%dma_wait3A, %dma_wait3A_30] : memref<80x128xi32, #tpu.memory_space<vmem>> -> memref<1x128xi32, #tpu.memory_space<vmem>>
    %dma_wait3A_32 = tpu.memref_squeeze %dma_wait3A_31 : memref<1x128xi32, #tpu.memory_space<vmem>> -> memref<128xi32, #tpu.memory_space<vmem>>
    %dma_wait3A_33 = arith.constant 0 : i32
    %dma_wait3A_34 = arith.constant 0 : i32
    %dma_wait3A_35 = tpu.memref_slice %arg2[%dma_wait3A_33, %dma_wait3A_34] : memref<10000x128xf32, #tpu.memory_space<hbm>> -> memref<10000x128xf32, #tpu.memory_space<hbm>>
    tpu.wait_indirect_dma semaphore(%arg15 : memref<!tpu.dma_semaphore, #tpu.memory_space<semaphore_mem>>) src(%dma_wait3A_35 : memref<10000x128xf32, #tpu.memory_space<hbm>>) dst(%arg10 : memref<128x128xf32, #tpu.memory_space<vmem>>)
    %dma_wait3A_36 = arith.constant 0 : i32
    %dma_wait3A_37 = arith.constant 0 : i32
    %dma_wait3A_38 = arith.constant 0 : i32
    %dma_wait3A_39 = tpu.memref_slice %arg4[%dma_wait3A_36, %dma_wait3A_37, %dma_wait3A_38] : memref<32x80x128xi32, #tpu.memory_space<hbm>> -> memref<1x1x128xi32, #tpu.memory_space<hbm>>
    %dma_wait3A_40 = tpu.memref_squeeze %dma_wait3A_39 : memref<1x1x128xi32, #tpu.memory_space<hbm>> -> memref<128xi32, #tpu.memory_space<hbm>>
    %dma_wait3A_41 = arith.constant 0 : i32
    %dma_wait3A_42 = tpu.memref_slice %arg4[%dma_wait3A_36, %dma_wait3A_37, %dma_wait3A_41] : memref<32x80x128xi32, #tpu.memory_space<hbm>> -> memref<1x1x128xi32, #tpu.memory_space<hbm>>
    %dma_wait3A_43 = tpu.memref_squeeze %dma_wait3A_42 : memref<1x1x128xi32, #tpu.memory_space<hbm>> -> memref<128xi32, #tpu.memory_space<hbm>>
    tpu.wait_dma2 semaphore(%arg13 : memref<!tpu.dma_semaphore, #tpu.memory_space<semaphore_mem>>) src(%dma_wait3A_43 : memref<128xi32, #tpu.memory_space<hbm>>) dst(%arg8 : memref<128xi32, #tpu.memory_space<vmem>>)
    %dma_start3A_44 = arith.constant 0 : i32
    %dma_start3A_45 = arith.constant 0 : i32
    %dma_start3A_46 = tpu.memref_slice %arg12[%dma_start3A_44, %dma_start3A_45] : memref<10112x128xf32, #tpu.memory_space<vmem_shared>> -> memref<10112x128xf32, #tpu.memory_space<vmem_shared>>
    tpu.enqueue_indirect_dma source(%arg10 : memref<128x128xf32, #tpu.memory_space<vmem>>) target(%dma_start3A_46 : memref<10112x128xf32, #tpu.memory_space<vmem_shared>>) offsets(%arg8 : memref<128xi32, #tpu.memory_space<vmem>>) semaphore(%arg17 : memref<!tpu.dma_semaphore, #tpu.memory_space<semaphore_mem>>) {add = true}
    %dma_wait3A_47 = arith.constant 0 : i32
    %dma_wait3A_48 = arith.constant 0 : i32
    %dma_wait3A_49 = tpu.memref_slice %arg7[%dma_wait3A_47, %dma_wait3A_48] : memref<80x128xi32, #tpu.memory_space<vmem>> -> memref<1x128xi32, #tpu.memory_space<vmem>>
    %dma_wait3A_50 = tpu.memref_squeeze %dma_wait3A_49 : memref<1x128xi32, #tpu.memory_space<vmem>> -> memref<128xi32, #tpu.memory_space<vmem>>
    %dma_wait3A_51 = arith.constant 0 : i32
    %dma_wait3A_52 = arith.constant 0 : i32
    %dma_wait3A_53 = tpu.memref_slice %arg2[%dma_wait3A_51, %dma_wait3A_52] : memref<10000x128xf32, #tpu.memory_space<hbm>> -> memref<10000x128xf32, #tpu.memory_space<hbm>>
    tpu.wait_indirect_dma semaphore(%arg16 : memref<!tpu.dma_semaphore, #tpu.memory_space<semaphore_mem>>) src(%dma_wait3A_53 : memref<10000x128xf32, #tpu.memory_space<hbm>>) dst(%arg11 : memref<128x128xf32, #tpu.memory_space<vmem>>)
    %dma_wait3A_54 = arith.constant 0 : i32
    %dma_wait3A_55 = arith.constant 0 : i32
    %dma_wait3A_56 = arith.constant 0 : i32
    %dma_wait3A_57 = tpu.memref_slice %arg4[%dma_wait3A_54, %dma_wait3A_55, %dma_wait3A_56] : memref<32x80x128xi32, #tpu.memory_space<hbm>> -> memref<1x1x128xi32, #tpu.memory_space<hbm>>
    %dma_wait3A_58 = tpu.memref_squeeze %dma_wait3A_57 : memref<1x1x128xi32, #tpu.memory_space<hbm>> -> memref<128xi32, #tpu.memory_space<hbm>>
    %dma_wait3A_59 = arith.constant 0 : i32
    %dma_wait3A_60 = tpu.memref_slice %arg4[%dma_wait3A_54, %dma_wait3A_55, %dma_wait3A_59] : memref<32x80x128xi32, #tpu.memory_space<hbm>> -> memref<1x1x128xi32, #tpu.memory_space<hbm>>
    %dma_wait3A_61 = tpu.memref_squeeze %dma_wait3A_60 : memref<1x1x128xi32, #tpu.memory_space<hbm>> -> memref<128xi32, #tpu.memory_space<hbm>>
    tpu.wait_dma2 semaphore(%arg14 : memref<!tpu.dma_semaphore, #tpu.memory_space<semaphore_mem>>) src(%dma_wait3A_61 : memref<128xi32, #tpu.memory_space<hbm>>) dst(%arg9 : memref<128xi32, #tpu.memory_space<vmem>>)
    %dma_start3A_62 = arith.constant 0 : i32
    %dma_start3A_63 = arith.constant 0 : i32
    %dma_start3A_64 = tpu.memref_slice %arg12[%dma_start3A_62, %dma_start3A_63] : memref<10112x128xf32, #tpu.memory_space<vmem_shared>> -> memref<10112x128xf32, #tpu.memory_space<vmem_shared>>
    tpu.enqueue_indirect_dma source(%arg11 : memref<128x128xf32, #tpu.memory_space<vmem>>) target(%dma_start3A_64 : memref<10112x128xf32, #tpu.memory_space<vmem_shared>>) offsets(%arg9 : memref<128xi32, #tpu.memory_space<vmem>>) semaphore(%arg18 : memref<!tpu.dma_semaphore, #tpu.memory_space<semaphore_mem>>) {add = true}
    %scan3A = arith.constant 0 : i32
    %scan3A_65 = arith.constant 1 : i32
    %scan3A_66 = arith.constant 39 : i32
    %scan3A_67 = arith.addi %scan3A_65, %scan3A_66 : i32
    %scan3A_68 = arith.constant 1 : i32
    scf.for %scan3A_81 = %scan3A_65 to %scan3A_67 step %scan3A_68  : i32 {
      %mul3A_82 = arith.constant 2 : i32
      %mul3A_83 = arith.muli %mul3A_82, %scan3A_81 : i32
      %add3A_84 = arith.constant 0 : i32
      %add3A_85 = arith.addi %mul3A_83, %add3A_84 : i32
      %dma_wait3A_86 = arith.constant 0 : i32
      %dma_wait3A_87 = arith.constant 0 : i32
      %dma_wait3A_88 = tpu.memref_slice %arg12[%dma_wait3A_86, %dma_wait3A_87] : memref<10112x128xf32, #tpu.memory_space<vmem_shared>> -> memref<10112x128xf32, #tpu.memory_space<vmem_shared>>
      tpu.wait_indirect_dma semaphore(%arg17 : memref<!tpu.dma_semaphore, #tpu.memory_space<semaphore_mem>>) src(%arg10 : memref<128x128xf32, #tpu.memory_space<vmem>>) dst(%dma_wait3A_88 : memref<10112x128xf32, #tpu.memory_space<vmem_shared>>)
      %dma_start3A_89 = arith.constant 0 : i32
      %dma_start3A_90 = tpu.memref_slice %arg4[%add3A, %add3A_85, %dma_start3A_89] : memref<32x80x128xi32, #tpu.memory_space<hbm>> -> memref<1x1x128xi32, #tpu.memory_space<hbm>>
      %dma_start3A_91 = tpu.memref_squeeze %dma_start3A_90 : memref<1x1x128xi32, #tpu.memory_space<hbm>> -> memref<128xi32, #tpu.memory_space<hbm>>
      %dma_start3A_92 = arith.constant 0 : i32
      %dma_start3A_93 = tpu.memref_slice %arg4[%add3A, %add3A_85, %dma_start3A_92] : memref<32x80x128xi32, #tpu.memory_space<hbm>> -> memref<1x1x128xi32, #tpu.memory_space<hbm>>
      %dma_start3A_94 = tpu.memref_squeeze %dma_start3A_93 : memref<1x1x128xi32, #tpu.memory_space<hbm>> -> memref<128xi32, #tpu.memory_space<hbm>>
      tpu.enqueue_dma source(%dma_start3A_94 : memref<128xi32, #tpu.memory_space<hbm>>) target(%arg8 : memref<128xi32, #tpu.memory_space<vmem>>) target_semaphore(%arg13 : memref<!tpu.dma_semaphore, #tpu.memory_space<semaphore_mem>>)
      %dma_start3A_95 = arith.constant 0 : i32
      %dma_start3A_96 = tpu.memref_slice %arg7[%add3A_85, %dma_start3A_95] : memref<80x128xi32, #tpu.memory_space<vmem>> -> memref<1x128xi32, #tpu.memory_space<vmem>>
      %dma_start3A_97 = tpu.memref_squeeze %dma_start3A_96 : memref<1x128xi32, #tpu.memory_space<vmem>> -> memref<128xi32, #tpu.memory_space<vmem>>
      %dma_start3A_98 = arith.constant 0 : i32
      %dma_start3A_99 = arith.constant 0 : i32
      %dma_start3A_100 = tpu.memref_slice %arg2[%dma_start3A_98, %dma_start3A_99] : memref<10000x128xf32, #tpu.memory_space<hbm>> -> memref<10000x128xf32, #tpu.memory_space<hbm>>
      tpu.enqueue_indirect_dma source(%dma_start3A_100 : memref<10000x128xf32, #tpu.memory_space<hbm>>) target(%arg10 : memref<128x128xf32, #tpu.memory_space<vmem>>) offsets(%dma_start3A_97 : memref<128xi32, #tpu.memory_space<vmem>>) semaphore(%arg15 : memref<!tpu.dma_semaphore, #tpu.memory_space<semaphore_mem>>)
      %dma_wait3A_101 = arith.constant 0 : i32
      %dma_wait3A_102 = arith.constant 0 : i32
      %dma_wait3A_103 = tpu.memref_slice %arg7[%dma_wait3A_101, %dma_wait3A_102] : memref<80x128xi32, #tpu.memory_space<vmem>> -> memref<1x128xi32, #tpu.memory_space<vmem>>
      %dma_wait3A_104 = tpu.memref_squeeze %dma_wait3A_103 : memref<1x128xi32, #tpu.memory_space<vmem>> -> memref<128xi32, #tpu.memory_space<vmem>>
      %dma_wait3A_105 = arith.constant 0 : i32
      %dma_wait3A_106 = arith.constant 0 : i32
      %dma_wait3A_107 = tpu.memref_slice %arg2[%dma_wait3A_105, %dma_wait3A_106] : memref<10000x128xf32, #tpu.memory_space<hbm>> -> memref<10000x128xf32, #tpu.memory_space<hbm>>
      tpu.wait_indirect_dma semaphore(%arg15 : memref<!tpu.dma_semaphore, #tpu.memory_space<semaphore_mem>>) src(%dma_wait3A_107 : memref<10000x128xf32, #tpu.memory_space<hbm>>) dst(%arg10 : memref<128x128xf32, #tpu.memory_space<vmem>>)
      %dma_wait3A_108 = arith.constant 0 : i32
      %dma_wait3A_109 = arith.constant 0 : i32
      %dma_wait3A_110 = arith.constant 0 : i32
      %dma_wait3A_111 = tpu.memref_slice %arg4[%dma_wait3A_108, %dma_wait3A_109, %dma_wait3A_110] : memref<32x80x128xi32, #tpu.memory_space<hbm>> -> memref<1x1x128xi32, #tpu.memory_space<hbm>>
      %dma_wait3A_112 = tpu.memref_squeeze %dma_wait3A_111 : memref<1x1x128xi32, #tpu.memory_space<hbm>> -> memref<128xi32, #tpu.memory_space<hbm>>
      %dma_wait3A_113 = arith.constant 0 : i32
      %dma_wait3A_114 = tpu.memref_slice %arg4[%dma_wait3A_108, %dma_wait3A_109, %dma_wait3A_113] : memref<32x80x128xi32, #tpu.memory_space<hbm>> -> memref<1x1x128xi32, #tpu.memory_space<hbm>>
      %dma_wait3A_115 = tpu.memref_squeeze %dma_wait3A_114 : memref<1x1x128xi32, #tpu.memory_space<hbm>> -> memref<128xi32, #tpu.memory_space<hbm>>
      tpu.wait_dma2 semaphore(%arg13 : memref<!tpu.dma_semaphore, #tpu.memory_space<semaphore_mem>>) src(%dma_wait3A_115 : memref<128xi32, #tpu.memory_space<hbm>>) dst(%arg8 : memref<128xi32, #tpu.memory_space<vmem>>)
      %dma_start3A_116 = arith.constant 0 : i32
      %dma_start3A_117 = arith.constant 0 : i32
      %dma_start3A_118 = tpu.memref_slice %arg12[%dma_start3A_116, %dma_start3A_117] : memref<10112x128xf32, #tpu.memory_space<vmem_shared>> -> memref<10112x128xf32, #tpu.memory_space<vmem_shared>>
      tpu.enqueue_indirect_dma source(%arg10 : memref<128x128xf32, #tpu.memory_space<vmem>>) target(%dma_start3A_118 : memref<10112x128xf32, #tpu.memory_space<vmem_shared>>) offsets(%arg8 : memref<128xi32, #tpu.memory_space<vmem>>) semaphore(%arg17 : memref<!tpu.dma_semaphore, #tpu.memory_space<semaphore_mem>>) {add = true}
      %mul3A_119 = arith.constant 2 : i32
      %mul3A_120 = arith.muli %mul3A_119, %scan3A_81 : i32
      %add3A_121 = arith.constant 1 : i32
      %add3A_122 = arith.addi %mul3A_120, %add3A_121 : i32
      %dma_wait3A_123 = arith.constant 0 : i32
      %dma_wait3A_124 = arith.constant 0 : i32
      %dma_wait3A_125 = tpu.memref_slice %arg12[%dma_wait3A_123, %dma_wait3A_124] : memref<10112x128xf32, #tpu.memory_space<vmem_shared>> -> memref<10112x128xf32, #tpu.memory_space<vmem_shared>>
      tpu.wait_indirect_dma semaphore(%arg18 : memref<!tpu.dma_semaphore, #tpu.memory_space<semaphore_mem>>) src(%arg11 : memref<128x128xf32, #tpu.memory_space<vmem>>) dst(%dma_wait3A_125 : memref<10112x128xf32, #tpu.memory_space<vmem_shared>>)
      %dma_start3A_126 = arith.constant 0 : i32
      %dma_start3A_127 = tpu.memref_slice %arg4[%add3A, %add3A_122, %dma_start3A_126] : memref<32x80x128xi32, #tpu.memory_space<hbm>> -> memref<1x1x128xi32, #tpu.memory_space<hbm>>
      %dma_start3A_128 = tpu.memref_squeeze %dma_start3A_127 : memref<1x1x128xi32, #tpu.memory_space<hbm>> -> memref<128xi32, #tpu.memory_space<hbm>>
      %dma_start3A_129 = arith.constant 0 : i32
      %dma_start3A_130 = tpu.memref_slice %arg4[%add3A, %add3A_122, %dma_start3A_129] : memref<32x80x128xi32, #tpu.memory_space<hbm>> -> memref<1x1x128xi32, #tpu.memory_space<hbm>>
      %dma_start3A_131 = tpu.memref_squeeze %dma_start3A_130 : memref<1x1x128xi32, #tpu.memory_space<hbm>> -> memref<128xi32, #tpu.memory_space<hbm>>
      tpu.enqueue_dma source(%dma_start3A_131 : memref<128xi32, #tpu.memory_space<hbm>>) target(%arg9 : memref<128xi32, #tpu.memory_space<vmem>>) target_semaphore(%arg14 : memref<!tpu.dma_semaphore, #tpu.memory_space<semaphore_mem>>)
      %dma_start3A_132 = arith.constant 0 : i32
      %dma_start3A_133 = tpu.memref_slice %arg7[%add3A_122, %dma_start3A_132] : memref<80x128xi32, #tpu.memory_space<vmem>> -> memref<1x128xi32, #tpu.memory_space<vmem>>
      %dma_start3A_134 = tpu.memref_squeeze %dma_start3A_133 : memref<1x128xi32, #tpu.memory_space<vmem>> -> memref<128xi32, #tpu.memory_space<vmem>>
      %dma_start3A_135 = arith.constant 0 : i32
      %dma_start3A_136 = arith.constant 0 : i32
      %dma_start3A_137 = tpu.memref_slice %arg2[%dma_start3A_135, %dma_start3A_136] : memref<10000x128xf32, #tpu.memory_space<hbm>> -> memref<10000x128xf32, #tpu.memory_space<hbm>>
      tpu.enqueue_indirect_dma source(%dma_start3A_137 : memref<10000x128xf32, #tpu.memory_space<hbm>>) target(%arg11 : memref<128x128xf32, #tpu.memory_space<vmem>>) offsets(%dma_start3A_134 : memref<128xi32, #tpu.memory_space<vmem>>) semaphore(%arg16 : memref<!tpu.dma_semaphore, #tpu.memory_space<semaphore_mem>>)
      %dma_wait3A_138 = arith.constant 0 : i32
      %dma_wait3A_139 = arith.constant 0 : i32
      %dma_wait3A_140 = tpu.memref_slice %arg7[%dma_wait3A_138, %dma_wait3A_139] : memref<80x128xi32, #tpu.memory_space<vmem>> -> memref<1x128xi32, #tpu.memory_space<vmem>>
      %dma_wait3A_141 = tpu.memref_squeeze %dma_wait3A_140 : memref<1x128xi32, #tpu.memory_space<vmem>> -> memref<128xi32, #tpu.memory_space<vmem>>
      %dma_wait3A_142 = arith.constant 0 : i32
      %dma_wait3A_143 = arith.constant 0 : i32
      %dma_wait3A_144 = tpu.memref_slice %arg2[%dma_wait3A_142, %dma_wait3A_143] : memref<10000x128xf32, #tpu.memory_space<hbm>> -> memref<10000x128xf32, #tpu.memory_space<hbm>>
      tpu.wait_indirect_dma semaphore(%arg16 : memref<!tpu.dma_semaphore, #tpu.memory_space<semaphore_mem>>) src(%dma_wait3A_144 : memref<10000x128xf32, #tpu.memory_space<hbm>>) dst(%arg11 : memref<128x128xf32, #tpu.memory_space<vmem>>)
      %dma_wait3A_145 = arith.constant 0 : i32
      %dma_wait3A_146 = arith.constant 0 : i32
      %dma_wait3A_147 = arith.constant 0 : i32
      %dma_wait3A_148 = tpu.memref_slice %arg4[%dma_wait3A_145, %dma_wait3A_146, %dma_wait3A_147] : memref<32x80x128xi32, #tpu.memory_space<hbm>> -> memref<1x1x128xi32, #tpu.memory_space<hbm>>
      %dma_wait3A_149 = tpu.memref_squeeze %dma_wait3A_148 : memref<1x1x128xi32, #tpu.memory_space<hbm>> -> memref<128xi32, #tpu.memory_space<hbm>>
      %dma_wait3A_150 = arith.constant 0 : i32
      %dma_wait3A_151 = tpu.memref_slice %arg4[%dma_wait3A_145, %dma_wait3A_146, %dma_wait3A_150] : memref<32x80x128xi32, #tpu.memory_space<hbm>> -> memref<1x1x128xi32, #tpu.memory_space<hbm>>
      %dma_wait3A_152 = tpu.memref_squeeze %dma_wait3A_151 : memref<1x1x128xi32, #tpu.memory_space<hbm>> -> memref<128xi32, #tpu.memory_space<hbm>>
      tpu.wait_dma2 semaphore(%arg14 : memref<!tpu.dma_semaphore, #tpu.memory_space<semaphore_mem>>) src(%dma_wait3A_152 : memref<128xi32, #tpu.memory_space<hbm>>) dst(%arg9 : memref<128xi32, #tpu.memory_space<vmem>>)
      %dma_start3A_153 = arith.constant 0 : i32
      %dma_start3A_154 = arith.constant 0 : i32
      %dma_start3A_155 = tpu.memref_slice %arg12[%dma_start3A_153, %dma_start3A_154] : memref<10112x128xf32, #tpu.memory_space<vmem_shared>> -> memref<10112x128xf32, #tpu.memory_space<vmem_shared>>
      tpu.enqueue_indirect_dma source(%arg11 : memref<128x128xf32, #tpu.memory_space<vmem>>) target(%dma_start3A_155 : memref<10112x128xf32, #tpu.memory_space<vmem_shared>>) offsets(%arg9 : memref<128xi32, #tpu.memory_space<vmem>>) semaphore(%arg18 : memref<!tpu.dma_semaphore, #tpu.memory_space<semaphore_mem>>) {add = true}
    }
    %scan3A_69 = arith.constant 39 : i32
    %dma_wait3A_70 = arith.constant 0 : i32
    %dma_wait3A_71 = arith.constant 0 : i32
    %dma_wait3A_72 = tpu.memref_slice %arg12[%dma_wait3A_70, %dma_wait3A_71] : memref<10112x128xf32, #tpu.memory_space<vmem_shared>> -> memref<10112x128xf32, #tpu.memory_space<vmem_shared>>
    tpu.wait_indirect_dma semaphore(%arg17 : memref<!tpu.dma_semaphore, #tpu.memory_space<semaphore_mem>>) src(%arg10 : memref<128x128xf32, #tpu.memory_space<vmem>>) dst(%dma_wait3A_72 : memref<10112x128xf32, #tpu.memory_space<vmem_shared>>)
    %dma_wait3A_73 = arith.constant 0 : i32
    %dma_wait3A_74 = arith.constant 0 : i32
    %dma_wait3A_75 = tpu.memref_slice %arg12[%dma_wait3A_73, %dma_wait3A_74] : memref<10112x128xf32, #tpu.memory_space<vmem_shared>> -> memref<10112x128xf32, #tpu.memory_space<vmem_shared>>
    tpu.wait_indirect_dma semaphore(%arg18 : memref<!tpu.dma_semaphore, #tpu.memory_space<semaphore_mem>>) src(%arg11 : memref<128x128xf32, #tpu.memory_space<vmem>>) dst(%dma_wait3A_75 : memref<10112x128xf32, #tpu.memory_space<vmem_shared>>)
    %barrier3A_76 = arith.constant 0 : index
    tpu.barrier barrier_id(%barrier3A_76)
    %mul3A_77 = arith.constant 632 : i32
    %mul3A_78 = arith.muli %arg1, %mul3A_77 : i32
    %mul3A_79 = arith.constant 632 : i32
    %mul3A_80 = arith.muli %arg1, %mul3A_79 : i32
    "tpu.region"() ({
      %run_scoped3A = tpu.sem_alloc : memref<!tpu.dma_semaphore, #tpu.memory_space<semaphore_mem>>
      %dma_start3A_81 = arith.constant 0 : i32
      %dma_start3A_82 = tpu.memref_slice %arg6[%arg0, %mul3A_80, %dma_start3A_81] : memref<2x10112x128xf32, #tpu.memory_space<hbm>> -> memref<1x632x128xf32, #tpu.memory_space<hbm>>
      %dma_start3A_83 = tpu.memref_squeeze %dma_start3A_82 : memref<1x632x128xf32, #tpu.memory_space<hbm>> -> memref<632x128xf32, #tpu.memory_space<hbm>>
      %dma_start3A_84 = arith.constant 0 : i32
      %dma_start3A_85 = tpu.memref_slice %arg12[%mul3A_78, %dma_start3A_84] : memref<10112x128xf32, #tpu.memory_space<vmem_shared>> -> memref<632x128xf32, #tpu.memory_space<vmem_shared>>
      tpu.enqueue_dma source(%dma_start3A_85 : memref<632x128xf32, #tpu.memory_space<vmem_shared>>) target(%dma_start3A_83 : memref<632x128xf32, #tpu.memory_space<hbm>>) target_semaphore(%run_scoped3A : memref<!tpu.dma_semaphore, #tpu.memory_space<semaphore_mem>>)
      %dma_wait3A_86 = arith.constant 0 : i32
      %dma_wait3A_87 = tpu.memref_slice %arg6[%arg0, %mul3A_80, %dma_wait3A_86] : memref<2x10112x128xf32, #tpu.memory_space<hbm>> -> memref<1x632x128xf32, #tpu.memory_space<hbm>>
      %dma_wait3A_88 = tpu.memref_squeeze %dma_wait3A_87 : memref<1x632x128xf32, #tpu.memory_space<hbm>> -> memref<632x128xf32, #tpu.memory_space<hbm>>
      %dma_wait3A_89 = arith.constant 0 : i32
      %dma_wait3A_90 = tpu.memref_slice %arg12[%mul3A_78, %dma_wait3A_89] : memref<10112x128xf32, #tpu.memory_space<vmem_shared>> -> memref<632x128xf32, #tpu.memory_space<vmem_shared>>
      tpu.wait_dma2 semaphore(%run_scoped3A : memref<!tpu.dma_semaphore, #tpu.memory_space<semaphore_mem>>) src(%dma_wait3A_90 : memref<632x128xf32, #tpu.memory_space<vmem_shared>>) dst(%dma_wait3A_88 : memref<632x128xf32, #tpu.memory_space<hbm>>)
      tpu.yield
    }) : () -> ()
    return
  }
}

#map = affine_map<(d0, d1) -> (0, 0, 0)>
#map1 = affine_map<(d0, d1) -> (0, 0)>
module attributes {stable_mosaic.version = 14 : i64} {
  func.func @_sc_degree_rows(%arg0: i32, %arg1: i32, %arg2: memref<32x40x256xi32, #tpu.memory_space<hbm>>, %arg3: memref<256x128xf32, #tpu.memory_space<hbm>>, %arg4: memref<632x128xf32, #tpu.memory_space<hbm>>, %arg5: memref<2x10112x128xf32, #tpu.memory_space<hbm>>, %arg6: memref<256xi32, #tpu.memory_space<vmem>>, %arg7: memref<256x128xf32, #tpu.memory_space<vmem>>, %arg8: memref<10112x128xf32, #tpu.memory_space<vmem_shared>>) attributes {dimension_semantics = [#tpu.dimension_semantics<core_parallel>, #tpu.dimension_semantics<subcore_parallel>], iteration_bounds = array<i64: 2, 16>, scalar_prefetch = 0 : i64, scratch_operands = 3 : i64, tpu.core_type = #tpu.core_type<sc_vector_subcore>, window_params = [{transform_indices = #map}, {transform_indices = #map1}, {transform_indices = #map1}, {transform_indices = #map}]} {
    %mul3A = arith.constant 16 : i32
    %mul3A_0 = arith.muli %arg0, %mul3A : i32
    %add3A = arith.addi %mul3A_0, %arg1 : i32
    %mul3A_1 = arith.constant 632 : i32
    %mul3A_2 = arith.muli %arg1, %mul3A_1 : i32
    "tpu.region"() ({
      %run_scoped3A = tpu.sem_alloc : memref<!tpu.dma_semaphore, #tpu.memory_space<semaphore_mem>>
      %dma_start3A = arith.constant 0 : i32
      %dma_start3A_13 = tpu.memref_slice %arg8[%mul3A_2, %dma_start3A] : memref<10112x128xf32, #tpu.memory_space<vmem_shared>> -> memref<632x128xf32, #tpu.memory_space<vmem_shared>>
      tpu.enqueue_dma source(%arg4 : memref<632x128xf32, #tpu.memory_space<hbm>>) target(%dma_start3A_13 : memref<632x128xf32, #tpu.memory_space<vmem_shared>>) target_semaphore(%run_scoped3A : memref<!tpu.dma_semaphore, #tpu.memory_space<semaphore_mem>>)
      %dma_wait3A = arith.constant 0 : i32
      %dma_wait3A_14 = tpu.memref_slice %arg8[%mul3A_2, %dma_wait3A] : memref<10112x128xf32, #tpu.memory_space<vmem_shared>> -> memref<632x128xf32, #tpu.memory_space<vmem_shared>>
      tpu.wait_dma2 semaphore(%run_scoped3A : memref<!tpu.dma_semaphore, #tpu.memory_space<semaphore_mem>>) src(%arg4 : memref<632x128xf32, #tpu.memory_space<hbm>>) dst(%dma_wait3A_14 : memref<632x128xf32, #tpu.memory_space<vmem_shared>>)
      tpu.yield
    }) : () -> ()
    "tpu.region"() ({
      %run_scoped3A = tpu.sem_alloc : memref<!tpu.dma_semaphore, #tpu.memory_space<semaphore_mem>>
      tpu.enqueue_dma source(%arg3 : memref<256x128xf32, #tpu.memory_space<hbm>>) target(%arg7 : memref<256x128xf32, #tpu.memory_space<vmem>>) target_semaphore(%run_scoped3A : memref<!tpu.dma_semaphore, #tpu.memory_space<semaphore_mem>>)
      tpu.wait_dma2 semaphore(%run_scoped3A : memref<!tpu.dma_semaphore, #tpu.memory_space<semaphore_mem>>) src(%arg3 : memref<256x128xf32, #tpu.memory_space<hbm>>) dst(%arg7 : memref<256x128xf32, #tpu.memory_space<vmem>>)
      tpu.yield
    }) : () -> ()
    %barrier3A = arith.constant 0 : index
    tpu.barrier barrier_id(%barrier3A)
    %scan3A = arith.constant 0 : i32
    %scan3A_3 = arith.constant 0 : i32
    %scan3A_4 = arith.constant 40 : i32
    %scan3A_5 = arith.addi %scan3A_3, %scan3A_4 : i32
    %scan3A_6 = arith.constant 1 : i32
    scf.for %scan3A_13 = %scan3A_3 to %scan3A_5 step %scan3A_6  : i32 {
      "tpu.region"() ({
        %run_scoped3A = tpu.sem_alloc : memref<!tpu.dma_semaphore, #tpu.memory_space<semaphore_mem>>
        %dma_start3A = arith.constant 0 : i32
        %dma_start3A_14 = tpu.memref_slice %arg2[%add3A, %scan3A_13, %dma_start3A] : memref<32x40x256xi32, #tpu.memory_space<hbm>> -> memref<1x1x256xi32, #tpu.memory_space<hbm>>
        %dma_start3A_15 = tpu.memref_squeeze %dma_start3A_14 : memref<1x1x256xi32, #tpu.memory_space<hbm>> -> memref<256xi32, #tpu.memory_space<hbm>>
        %dma_start3A_16 = arith.constant 0 : i32
        %dma_start3A_17 = tpu.memref_slice %arg2[%add3A, %scan3A_13, %dma_start3A_16] : memref<32x40x256xi32, #tpu.memory_space<hbm>> -> memref<1x1x256xi32, #tpu.memory_space<hbm>>
        %dma_start3A_18 = tpu.memref_squeeze %dma_start3A_17 : memref<1x1x256xi32, #tpu.memory_space<hbm>> -> memref<256xi32, #tpu.memory_space<hbm>>
        tpu.enqueue_dma source(%dma_start3A_18 : memref<256xi32, #tpu.memory_space<hbm>>) target(%arg6 : memref<256xi32, #tpu.memory_space<vmem>>) target_semaphore(%run_scoped3A : memref<!tpu.dma_semaphore, #tpu.memory_space<semaphore_mem>>)
        %dma_wait3A = arith.constant 0 : i32
        %dma_wait3A_19 = tpu.memref_slice %arg2[%add3A, %scan3A_13, %dma_wait3A] : memref<32x40x256xi32, #tpu.memory_space<hbm>> -> memref<1x1x256xi32, #tpu.memory_space<hbm>>
        %dma_wait3A_20 = tpu.memref_squeeze %dma_wait3A_19 : memref<1x1x256xi32, #tpu.memory_space<hbm>> -> memref<256xi32, #tpu.memory_space<hbm>>
        %dma_wait3A_21 = arith.constant 0 : i32
        %dma_wait3A_22 = tpu.memref_slice %arg2[%add3A, %scan3A_13, %dma_wait3A_21] : memref<32x40x256xi32, #tpu.memory_space<hbm>> -> memref<1x1x256xi32, #tpu.memory_space<hbm>>
        %dma_wait3A_23 = tpu.memref_squeeze %dma_wait3A_22 : memref<1x1x256xi32, #tpu.memory_space<hbm>> -> memref<256xi32, #tpu.memory_space<hbm>>
        tpu.wait_dma2 semaphore(%run_scoped3A : memref<!tpu.dma_semaphore, #tpu.memory_space<semaphore_mem>>) src(%dma_wait3A_23 : memref<256xi32, #tpu.memory_space<hbm>>) dst(%arg6 : memref<256xi32, #tpu.memory_space<vmem>>)
        tpu.yield
      }) : () -> ()
      "tpu.region"() ({
        %run_scoped3A = tpu.sem_alloc : memref<!tpu.dma_semaphore, #tpu.memory_space<semaphore_mem>>
        %dma_start3A = arith.constant 0 : i32
        %dma_start3A_14 = arith.constant 0 : i32
        %dma_start3A_15 = tpu.memref_slice %arg8[%dma_start3A, %dma_start3A_14] : memref<10112x128xf32, #tpu.memory_space<vmem_shared>> -> memref<10112x128xf32, #tpu.memory_space<vmem_shared>>
        tpu.enqueue_indirect_dma source(%arg7 : memref<256x128xf32, #tpu.memory_space<vmem>>) target(%dma_start3A_15 : memref<10112x128xf32, #tpu.memory_space<vmem_shared>>) offsets(%arg6 : memref<256xi32, #tpu.memory_space<vmem>>) semaphore(%run_scoped3A : memref<!tpu.dma_semaphore, #tpu.memory_space<semaphore_mem>>) {add = true}
        %dma_wait3A = arith.constant 0 : i32
        %dma_wait3A_16 = arith.constant 0 : i32
        %dma_wait3A_17 = tpu.memref_slice %arg8[%dma_wait3A, %dma_wait3A_16] : memref<10112x128xf32, #tpu.memory_space<vmem_shared>> -> memref<10112x128xf32, #tpu.memory_space<vmem_shared>>
        tpu.wait_indirect_dma semaphore(%run_scoped3A : memref<!tpu.dma_semaphore, #tpu.memory_space<semaphore_mem>>) src(%arg7 : memref<256x128xf32, #tpu.memory_space<vmem>>) dst(%dma_wait3A_17 : memref<10112x128xf32, #tpu.memory_space<vmem_shared>>)
        tpu.yield
      }) : () -> ()
    }
    %scan3A_7 = arith.constant 40 : i32
    %barrier3A_8 = arith.constant 0 : index
    tpu.barrier barrier_id(%barrier3A_8)
    %mul3A_9 = arith.constant 632 : i32
    %mul3A_10 = arith.muli %arg1, %mul3A_9 : i32
    %mul3A_11 = arith.constant 632 : i32
    %mul3A_12 = arith.muli %arg1, %mul3A_11 : i32
    "tpu.region"() ({
      %run_scoped3A = tpu.sem_alloc : memref<!tpu.dma_semaphore, #tpu.memory_space<semaphore_mem>>
      %dma_start3A = arith.constant 0 : i32
      %dma_start3A_13 = tpu.memref_slice %arg5[%arg0, %mul3A_12, %dma_start3A] : memref<2x10112x128xf32, #tpu.memory_space<hbm>> -> memref<1x632x128xf32, #tpu.memory_space<hbm>>
      %dma_start3A_14 = tpu.memref_squeeze %dma_start3A_13 : memref<1x632x128xf32, #tpu.memory_space<hbm>> -> memref<632x128xf32, #tpu.memory_space<hbm>>
      %dma_start3A_15 = arith.constant 0 : i32
      %dma_start3A_16 = tpu.memref_slice %arg8[%mul3A_10, %dma_start3A_15] : memref<10112x128xf32, #tpu.memory_space<vmem_shared>> -> memref<632x128xf32, #tpu.memory_space<vmem_shared>>
      tpu.enqueue_dma source(%dma_start3A_16 : memref<632x128xf32, #tpu.memory_space<vmem_shared>>) target(%dma_start3A_14 : memref<632x128xf32, #tpu.memory_space<hbm>>) target_semaphore(%run_scoped3A : memref<!tpu.dma_semaphore, #tpu.memory_space<semaphore_mem>>)
      %dma_wait3A = arith.constant 0 : i32
      %dma_wait3A_17 = tpu.memref_slice %arg5[%arg0, %mul3A_12, %dma_wait3A] : memref<2x10112x128xf32, #tpu.memory_space<hbm>> -> memref<1x632x128xf32, #tpu.memory_space<hbm>>
      %dma_wait3A_18 = tpu.memref_squeeze %dma_wait3A_17 : memref<1x632x128xf32, #tpu.memory_space<hbm>> -> memref<632x128xf32, #tpu.memory_space<hbm>>
      %dma_wait3A_19 = arith.constant 0 : i32
      %dma_wait3A_20 = tpu.memref_slice %arg8[%mul3A_10, %dma_wait3A_19] : memref<10112x128xf32, #tpu.memory_space<vmem_shared>> -> memref<632x128xf32, #tpu.memory_space<vmem_shared>>
      tpu.wait_dma2 semaphore(%run_scoped3A : memref<!tpu.dma_semaphore, #tpu.memory_space<semaphore_mem>>) src(%dma_wait3A_20 : memref<632x128xf32, #tpu.memory_space<vmem_shared>>) dst(%dma_wait3A_18 : memref<632x128xf32, #tpu.memory_space<hbm>>)
      tpu.yield
    }) : () -> ()
    return
  }
}

#map = affine_map<(d0, d1) -> (0, 0)>
#map1 = affine_map<(d0, d1) -> (0, 0, 0)>
module attributes {stable_mosaic.version = 14 : i64} {
  func.func @_sc_scatter_rows(%arg0: i32, %arg1: i32, %arg2: memref<10000x128xf32, #tpu.memory_space<hbm>>, %arg3: memref<32x80x128xi32, #tpu.memory_space<hbm>>, %arg4: memref<32x80x128xi32, #tpu.memory_space<hbm>>, %arg5: memref<632x128xf32, #tpu.memory_space<hbm>>, %arg6: memref<2x10112x128xf32, #tpu.memory_space<hbm>>, %arg7: memref<80x128xi32, #tpu.memory_space<vmem>>, %arg8: memref<128xi32, #tpu.memory_space<vmem>>, %arg9: memref<128xi32, #tpu.memory_space<vmem>>, %arg10: memref<128x128xf32, #tpu.memory_space<vmem>>, %arg11: memref<128x128xf32, #tpu.memory_space<vmem>>, %arg12: memref<10112x128xf32, #tpu.memory_space<vmem_shared>>, %arg13: memref<!tpu.dma_semaphore, #tpu.memory_space<semaphore_mem>>, %arg14: memref<!tpu.dma_semaphore, #tpu.memory_space<semaphore_mem>>, %arg15: memref<!tpu.dma_semaphore, #tpu.memory_space<semaphore_mem>>, %arg16: memref<!tpu.dma_semaphore, #tpu.memory_space<semaphore_mem>>, %arg17: memref<!tpu.dma_semaphore, #tpu.memory_space<semaphore_mem>>, %arg18: memref<!tpu.dma_semaphore, #tpu.memory_space<semaphore_mem>>) attributes {dimension_semantics = [#tpu.dimension_semantics<core_parallel>, #tpu.dimension_semantics<subcore_parallel>], iteration_bounds = array<i64: 2, 16>, scalar_prefetch = 0 : i64, scratch_operands = 12 : i64, tpu.core_type = #tpu.core_type<sc_vector_subcore>, window_params = [{transform_indices = #map}, {transform_indices = #map1}, {transform_indices = #map1}, {transform_indices = #map}, {transform_indices = #map1}]} {
    %mul3A = arith.constant 16 : i32
    %mul3A_0 = arith.muli %arg0, %mul3A : i32
    %add3A = arith.addi %mul3A_0, %arg1 : i32
    %mul3A_1 = arith.constant 632 : i32
    %mul3A_2 = arith.muli %arg1, %mul3A_1 : i32
    "tpu.region"() ({
      %run_scoped3A = tpu.sem_alloc : memref<!tpu.dma_semaphore, #tpu.memory_space<semaphore_mem>>
      %dma_start3A_81 = arith.constant 0 : i32
      %dma_start3A_82 = tpu.memref_slice %arg12[%mul3A_2, %dma_start3A_81] : memref<10112x128xf32, #tpu.memory_space<vmem_shared>> -> memref<632x128xf32, #tpu.memory_space<vmem_shared>>
      tpu.enqueue_dma source(%arg5 : memref<632x128xf32, #tpu.memory_space<hbm>>) target(%dma_start3A_82 : memref<632x128xf32, #tpu.memory_space<vmem_shared>>) target_semaphore(%run_scoped3A : memref<!tpu.dma_semaphore, #tpu.memory_space<semaphore_mem>>)
      %dma_wait3A_83 = arith.constant 0 : i32
      %dma_wait3A_84 = tpu.memref_slice %arg12[%mul3A_2, %dma_wait3A_83] : memref<10112x128xf32, #tpu.memory_space<vmem_shared>> -> memref<632x128xf32, #tpu.memory_space<vmem_shared>>
      tpu.wait_dma2 semaphore(%run_scoped3A : memref<!tpu.dma_semaphore, #tpu.memory_space<semaphore_mem>>) src(%arg5 : memref<632x128xf32, #tpu.memory_space<hbm>>) dst(%dma_wait3A_84 : memref<632x128xf32, #tpu.memory_space<vmem_shared>>)
      tpu.yield
    }) : () -> ()
    "tpu.region"() ({
      %run_scoped3A = tpu.sem_alloc : memref<!tpu.dma_semaphore, #tpu.memory_space<semaphore_mem>>
      %dma_start3A_81 = arith.constant 0 : i32
      %dma_start3A_82 = arith.constant 0 : i32
      %dma_start3A_83 = tpu.memref_slice %arg3[%add3A, %dma_start3A_81, %dma_start3A_82] : memref<32x80x128xi32, #tpu.memory_space<hbm>> -> memref<1x80x128xi32, #tpu.memory_space<hbm>>
      %dma_start3A_84 = tpu.memref_squeeze %dma_start3A_83 : memref<1x80x128xi32, #tpu.memory_space<hbm>> -> memref<80x128xi32, #tpu.memory_space<hbm>>
      %dma_start3A_85 = arith.constant 0 : i32
      %dma_start3A_86 = arith.constant 0 : i32
      %dma_start3A_87 = tpu.memref_slice %arg3[%add3A, %dma_start3A_85, %dma_start3A_86] : memref<32x80x128xi32, #tpu.memory_space<hbm>> -> memref<1x80x128xi32, #tpu.memory_space<hbm>>
      %dma_start3A_88 = tpu.memref_squeeze %dma_start3A_87 : memref<1x80x128xi32, #tpu.memory_space<hbm>> -> memref<80x128xi32, #tpu.memory_space<hbm>>
      tpu.enqueue_dma source(%dma_start3A_88 : memref<80x128xi32, #tpu.memory_space<hbm>>) target(%arg7 : memref<80x128xi32, #tpu.memory_space<vmem>>) target_semaphore(%run_scoped3A : memref<!tpu.dma_semaphore, #tpu.memory_space<semaphore_mem>>)
      %dma_wait3A_89 = arith.constant 0 : i32
      %dma_wait3A_90 = arith.constant 0 : i32
      %dma_wait3A_91 = tpu.memref_slice %arg3[%add3A, %dma_wait3A_89, %dma_wait3A_90] : memref<32x80x128xi32, #tpu.memory_space<hbm>> -> memref<1x80x128xi32, #tpu.memory_space<hbm>>
      %dma_wait3A_92 = tpu.memref_squeeze %dma_wait3A_91 : memref<1x80x128xi32, #tpu.memory_space<hbm>> -> memref<80x128xi32, #tpu.memory_space<hbm>>
      %dma_wait3A_93 = arith.constant 0 : i32
      %dma_wait3A_94 = arith.constant 0 : i32
      %dma_wait3A_95 = tpu.memref_slice %arg3[%add3A, %dma_wait3A_93, %dma_wait3A_94] : memref<32x80x128xi32, #tpu.memory_space<hbm>> -> memref<1x80x128xi32, #tpu.memory_space<hbm>>
      %dma_wait3A_96 = tpu.memref_squeeze %dma_wait3A_95 : memref<1x80x128xi32, #tpu.memory_space<hbm>> -> memref<80x128xi32, #tpu.memory_space<hbm>>
      tpu.wait_dma2 semaphore(%run_scoped3A : memref<!tpu.dma_semaphore, #tpu.memory_space<semaphore_mem>>) src(%dma_wait3A_96 : memref<80x128xi32, #tpu.memory_space<hbm>>) dst(%arg7 : memref<80x128xi32, #tpu.memory_space<vmem>>)
      tpu.yield
    }) : () -> ()
    %barrier3A = arith.constant 0 : index
    tpu.barrier barrier_id(%barrier3A)
    %dma_start3A = arith.constant 0 : i32
    %dma_start3A_3 = arith.constant 0 : i32
    %dma_start3A_4 = tpu.memref_slice %arg4[%add3A, %dma_start3A, %dma_start3A_3] : memref<32x80x128xi32, #tpu.memory_space<hbm>> -> memref<1x1x128xi32, #tpu.memory_space<hbm>>
    %dma_start3A_5 = tpu.memref_squeeze %dma_start3A_4 : memref<1x1x128xi32, #tpu.memory_space<hbm>> -> memref<128xi32, #tpu.memory_space<hbm>>
    %dma_start3A_6 = arith.constant 0 : i32
    %dma_start3A_7 = tpu.memref_slice %arg4[%add3A, %dma_start3A, %dma_start3A_6] : memref<32x80x128xi32, #tpu.memory_space<hbm>> -> memref<1x1x128xi32, #tpu.memory_space<hbm>>
    %dma_start3A_8 = tpu.memref_squeeze %dma_start3A_7 : memref<1x1x128xi32, #tpu.memory_space<hbm>> -> memref<128xi32, #tpu.memory_space<hbm>>
    tpu.enqueue_dma source(%dma_start3A_8 : memref<128xi32, #tpu.memory_space<hbm>>) target(%arg8 : memref<128xi32, #tpu.memory_space<vmem>>) target_semaphore(%arg13 : memref<!tpu.dma_semaphore, #tpu.memory_space<semaphore_mem>>)
    %dma_start3A_9 = arith.constant 0 : i32
    %dma_start3A_10 = arith.constant 0 : i32
    %dma_start3A_11 = tpu.memref_slice %arg7[%dma_start3A_9, %dma_start3A_10] : memref<80x128xi32, #tpu.memory_space<vmem>> -> memref<1x128xi32, #tpu.memory_space<vmem>>
    %dma_start3A_12 = tpu.memref_squeeze %dma_start3A_11 : memref<1x128xi32, #tpu.memory_space<vmem>> -> memref<128xi32, #tpu.memory_space<vmem>>
    %dma_start3A_13 = arith.constant 0 : i32
    %dma_start3A_14 = arith.constant 0 : i32
    %dma_start3A_15 = tpu.memref_slice %arg2[%dma_start3A_13, %dma_start3A_14] : memref<10000x128xf32, #tpu.memory_space<hbm>> -> memref<10000x128xf32, #tpu.memory_space<hbm>>
    tpu.enqueue_indirect_dma source(%dma_start3A_15 : memref<10000x128xf32, #tpu.memory_space<hbm>>) target(%arg10 : memref<128x128xf32, #tpu.memory_space<vmem>>) offsets(%dma_start3A_12 : memref<128xi32, #tpu.memory_space<vmem>>) semaphore(%arg15 : memref<!tpu.dma_semaphore, #tpu.memory_space<semaphore_mem>>)
    %dma_start3A_16 = arith.constant 1 : i32
    %dma_start3A_17 = arith.constant 0 : i32
    %dma_start3A_18 = tpu.memref_slice %arg4[%add3A, %dma_start3A_16, %dma_start3A_17] : memref<32x80x128xi32, #tpu.memory_space<hbm>> -> memref<1x1x128xi32, #tpu.memory_space<hbm>>
    %dma_start3A_19 = tpu.memref_squeeze %dma_start3A_18 : memref<1x1x128xi32, #tpu.memory_space<hbm>> -> memref<128xi32, #tpu.memory_space<hbm>>
    %dma_start3A_20 = arith.constant 0 : i32
    %dma_start3A_21 = tpu.memref_slice %arg4[%add3A, %dma_start3A_16, %dma_start3A_20] : memref<32x80x128xi32, #tpu.memory_space<hbm>> -> memref<1x1x128xi32, #tpu.memory_space<hbm>>
    %dma_start3A_22 = tpu.memref_squeeze %dma_start3A_21 : memref<1x1x128xi32, #tpu.memory_space<hbm>> -> memref<128xi32, #tpu.memory_space<hbm>>
    tpu.enqueue_dma source(%dma_start3A_22 : memref<128xi32, #tpu.memory_space<hbm>>) target(%arg9 : memref<128xi32, #tpu.memory_space<vmem>>) target_semaphore(%arg14 : memref<!tpu.dma_semaphore, #tpu.memory_space<semaphore_mem>>)
    %dma_start3A_23 = arith.constant 1 : i32
    %dma_start3A_24 = arith.constant 0 : i32
    %dma_start3A_25 = tpu.memref_slice %arg7[%dma_start3A_23, %dma_start3A_24] : memref<80x128xi32, #tpu.memory_space<vmem>> -> memref<1x128xi32, #tpu.memory_space<vmem>>
    %dma_start3A_26 = tpu.memref_squeeze %dma_start3A_25 : memref<1x128xi32, #tpu.memory_space<vmem>> -> memref<128xi32, #tpu.memory_space<vmem>>
    %dma_start3A_27 = arith.constant 0 : i32
    %dma_start3A_28 = arith.constant 0 : i32
    %dma_start3A_29 = tpu.memref_slice %arg2[%dma_start3A_27, %dma_start3A_28] : memref<10000x128xf32, #tpu.memory_space<hbm>> -> memref<10000x128xf32, #tpu.memory_space<hbm>>
    tpu.enqueue_indirect_dma source(%dma_start3A_29 : memref<10000x128xf32, #tpu.memory_space<hbm>>) target(%arg11 : memref<128x128xf32, #tpu.memory_space<vmem>>) offsets(%dma_start3A_26 : memref<128xi32, #tpu.memory_space<vmem>>) semaphore(%arg16 : memref<!tpu.dma_semaphore, #tpu.memory_space<semaphore_mem>>)
    %dma_wait3A = arith.constant 0 : i32
    %dma_wait3A_30 = arith.constant 0 : i32
    %dma_wait3A_31 = tpu.memref_slice %arg7[%dma_wait3A, %dma_wait3A_30] : memref<80x128xi32, #tpu.memory_space<vmem>> -> memref<1x128xi32, #tpu.memory_space<vmem>>
    %dma_wait3A_32 = tpu.memref_squeeze %dma_wait3A_31 : memref<1x128xi32, #tpu.memory_space<vmem>> -> memref<128xi32, #tpu.memory_space<vmem>>
    %dma_wait3A_33 = arith.constant 0 : i32
    %dma_wait3A_34 = arith.constant 0 : i32
    %dma_wait3A_35 = tpu.memref_slice %arg2[%dma_wait3A_33, %dma_wait3A_34] : memref<10000x128xf32, #tpu.memory_space<hbm>> -> memref<10000x128xf32, #tpu.memory_space<hbm>>
    tpu.wait_indirect_dma semaphore(%arg15 : memref<!tpu.dma_semaphore, #tpu.memory_space<semaphore_mem>>) src(%dma_wait3A_35 : memref<10000x128xf32, #tpu.memory_space<hbm>>) dst(%arg10 : memref<128x128xf32, #tpu.memory_space<vmem>>)
    %dma_wait3A_36 = arith.constant 0 : i32
    %dma_wait3A_37 = arith.constant 0 : i32
    %dma_wait3A_38 = arith.constant 0 : i32
    %dma_wait3A_39 = tpu.memref_slice %arg4[%dma_wait3A_36, %dma_wait3A_37, %dma_wait3A_38] : memref<32x80x128xi32, #tpu.memory_space<hbm>> -> memref<1x1x128xi32, #tpu.memory_space<hbm>>
    %dma_wait3A_40 = tpu.memref_squeeze %dma_wait3A_39 : memref<1x1x128xi32, #tpu.memory_space<hbm>> -> memref<128xi32, #tpu.memory_space<hbm>>
    %dma_wait3A_41 = arith.constant 0 : i32
    %dma_wait3A_42 = tpu.memref_slice %arg4[%dma_wait3A_36, %dma_wait3A_37, %dma_wait3A_41] : memref<32x80x128xi32, #tpu.memory_space<hbm>> -> memref<1x1x128xi32, #tpu.memory_space<hbm>>
    %dma_wait3A_43 = tpu.memref_squeeze %dma_wait3A_42 : memref<1x1x128xi32, #tpu.memory_space<hbm>> -> memref<128xi32, #tpu.memory_space<hbm>>
    tpu.wait_dma2 semaphore(%arg13 : memref<!tpu.dma_semaphore, #tpu.memory_space<semaphore_mem>>) src(%dma_wait3A_43 : memref<128xi32, #tpu.memory_space<hbm>>) dst(%arg8 : memref<128xi32, #tpu.memory_space<vmem>>)
    %dma_start3A_44 = arith.constant 0 : i32
    %dma_start3A_45 = arith.constant 0 : i32
    %dma_start3A_46 = tpu.memref_slice %arg12[%dma_start3A_44, %dma_start3A_45] : memref<10112x128xf32, #tpu.memory_space<vmem_shared>> -> memref<10112x128xf32, #tpu.memory_space<vmem_shared>>
    tpu.enqueue_indirect_dma source(%arg10 : memref<128x128xf32, #tpu.memory_space<vmem>>) target(%dma_start3A_46 : memref<10112x128xf32, #tpu.memory_space<vmem_shared>>) offsets(%arg8 : memref<128xi32, #tpu.memory_space<vmem>>) semaphore(%arg17 : memref<!tpu.dma_semaphore, #tpu.memory_space<semaphore_mem>>) {add = true}
    %dma_wait3A_47 = arith.constant 0 : i32
    %dma_wait3A_48 = arith.constant 0 : i32
    %dma_wait3A_49 = tpu.memref_slice %arg7[%dma_wait3A_47, %dma_wait3A_48] : memref<80x128xi32, #tpu.memory_space<vmem>> -> memref<1x128xi32, #tpu.memory_space<vmem>>
    %dma_wait3A_50 = tpu.memref_squeeze %dma_wait3A_49 : memref<1x128xi32, #tpu.memory_space<vmem>> -> memref<128xi32, #tpu.memory_space<vmem>>
    %dma_wait3A_51 = arith.constant 0 : i32
    %dma_wait3A_52 = arith.constant 0 : i32
    %dma_wait3A_53 = tpu.memref_slice %arg2[%dma_wait3A_51, %dma_wait3A_52] : memref<10000x128xf32, #tpu.memory_space<hbm>> -> memref<10000x128xf32, #tpu.memory_space<hbm>>
    tpu.wait_indirect_dma semaphore(%arg16 : memref<!tpu.dma_semaphore, #tpu.memory_space<semaphore_mem>>) src(%dma_wait3A_53 : memref<10000x128xf32, #tpu.memory_space<hbm>>) dst(%arg11 : memref<128x128xf32, #tpu.memory_space<vmem>>)
    %dma_wait3A_54 = arith.constant 0 : i32
    %dma_wait3A_55 = arith.constant 0 : i32
    %dma_wait3A_56 = arith.constant 0 : i32
    %dma_wait3A_57 = tpu.memref_slice %arg4[%dma_wait3A_54, %dma_wait3A_55, %dma_wait3A_56] : memref<32x80x128xi32, #tpu.memory_space<hbm>> -> memref<1x1x128xi32, #tpu.memory_space<hbm>>
    %dma_wait3A_58 = tpu.memref_squeeze %dma_wait3A_57 : memref<1x1x128xi32, #tpu.memory_space<hbm>> -> memref<128xi32, #tpu.memory_space<hbm>>
    %dma_wait3A_59 = arith.constant 0 : i32
    %dma_wait3A_60 = tpu.memref_slice %arg4[%dma_wait3A_54, %dma_wait3A_55, %dma_wait3A_59] : memref<32x80x128xi32, #tpu.memory_space<hbm>> -> memref<1x1x128xi32, #tpu.memory_space<hbm>>
    %dma_wait3A_61 = tpu.memref_squeeze %dma_wait3A_60 : memref<1x1x128xi32, #tpu.memory_space<hbm>> -> memref<128xi32, #tpu.memory_space<hbm>>
    tpu.wait_dma2 semaphore(%arg14 : memref<!tpu.dma_semaphore, #tpu.memory_space<semaphore_mem>>) src(%dma_wait3A_61 : memref<128xi32, #tpu.memory_space<hbm>>) dst(%arg9 : memref<128xi32, #tpu.memory_space<vmem>>)
    %dma_start3A_62 = arith.constant 0 : i32
    %dma_start3A_63 = arith.constant 0 : i32
    %dma_start3A_64 = tpu.memref_slice %arg12[%dma_start3A_62, %dma_start3A_63] : memref<10112x128xf32, #tpu.memory_space<vmem_shared>> -> memref<10112x128xf32, #tpu.memory_space<vmem_shared>>
    tpu.enqueue_indirect_dma source(%arg11 : memref<128x128xf32, #tpu.memory_space<vmem>>) target(%dma_start3A_64 : memref<10112x128xf32, #tpu.memory_space<vmem_shared>>) offsets(%arg9 : memref<128xi32, #tpu.memory_space<vmem>>) semaphore(%arg18 : memref<!tpu.dma_semaphore, #tpu.memory_space<semaphore_mem>>) {add = true}
    %scan3A = arith.constant 0 : i32
    %scan3A_65 = arith.constant 1 : i32
    %scan3A_66 = arith.constant 39 : i32
    %scan3A_67 = arith.addi %scan3A_65, %scan3A_66 : i32
    %scan3A_68 = arith.constant 1 : i32
    scf.for %scan3A_81 = %scan3A_65 to %scan3A_67 step %scan3A_68  : i32 {
      %mul3A_82 = arith.constant 2 : i32
      %mul3A_83 = arith.muli %mul3A_82, %scan3A_81 : i32
      %add3A_84 = arith.constant 0 : i32
      %add3A_85 = arith.addi %mul3A_83, %add3A_84 : i32
      %dma_wait3A_86 = arith.constant 0 : i32
      %dma_wait3A_87 = arith.constant 0 : i32
      %dma_wait3A_88 = tpu.memref_slice %arg12[%dma_wait3A_86, %dma_wait3A_87] : memref<10112x128xf32, #tpu.memory_space<vmem_shared>> -> memref<10112x128xf32, #tpu.memory_space<vmem_shared>>
      tpu.wait_indirect_dma semaphore(%arg17 : memref<!tpu.dma_semaphore, #tpu.memory_space<semaphore_mem>>) src(%arg10 : memref<128x128xf32, #tpu.memory_space<vmem>>) dst(%dma_wait3A_88 : memref<10112x128xf32, #tpu.memory_space<vmem_shared>>)
      %dma_start3A_89 = arith.constant 0 : i32
      %dma_start3A_90 = tpu.memref_slice %arg4[%add3A, %add3A_85, %dma_start3A_89] : memref<32x80x128xi32, #tpu.memory_space<hbm>> -> memref<1x1x128xi32, #tpu.memory_space<hbm>>
      %dma_start3A_91 = tpu.memref_squeeze %dma_start3A_90 : memref<1x1x128xi32, #tpu.memory_space<hbm>> -> memref<128xi32, #tpu.memory_space<hbm>>
      %dma_start3A_92 = arith.constant 0 : i32
      %dma_start3A_93 = tpu.memref_slice %arg4[%add3A, %add3A_85, %dma_start3A_92] : memref<32x80x128xi32, #tpu.memory_space<hbm>> -> memref<1x1x128xi32, #tpu.memory_space<hbm>>
      %dma_start3A_94 = tpu.memref_squeeze %dma_start3A_93 : memref<1x1x128xi32, #tpu.memory_space<hbm>> -> memref<128xi32, #tpu.memory_space<hbm>>
      tpu.enqueue_dma source(%dma_start3A_94 : memref<128xi32, #tpu.memory_space<hbm>>) target(%arg8 : memref<128xi32, #tpu.memory_space<vmem>>) target_semaphore(%arg13 : memref<!tpu.dma_semaphore, #tpu.memory_space<semaphore_mem>>)
      %dma_start3A_95 = arith.constant 0 : i32
      %dma_start3A_96 = tpu.memref_slice %arg7[%add3A_85, %dma_start3A_95] : memref<80x128xi32, #tpu.memory_space<vmem>> -> memref<1x128xi32, #tpu.memory_space<vmem>>
      %dma_start3A_97 = tpu.memref_squeeze %dma_start3A_96 : memref<1x128xi32, #tpu.memory_space<vmem>> -> memref<128xi32, #tpu.memory_space<vmem>>
      %dma_start3A_98 = arith.constant 0 : i32
      %dma_start3A_99 = arith.constant 0 : i32
      %dma_start3A_100 = tpu.memref_slice %arg2[%dma_start3A_98, %dma_start3A_99] : memref<10000x128xf32, #tpu.memory_space<hbm>> -> memref<10000x128xf32, #tpu.memory_space<hbm>>
      tpu.enqueue_indirect_dma source(%dma_start3A_100 : memref<10000x128xf32, #tpu.memory_space<hbm>>) target(%arg10 : memref<128x128xf32, #tpu.memory_space<vmem>>) offsets(%dma_start3A_97 : memref<128xi32, #tpu.memory_space<vmem>>) semaphore(%arg15 : memref<!tpu.dma_semaphore, #tpu.memory_space<semaphore_mem>>)
      %dma_wait3A_101 = arith.constant 0 : i32
      %dma_wait3A_102 = arith.constant 0 : i32
      %dma_wait3A_103 = tpu.memref_slice %arg7[%dma_wait3A_101, %dma_wait3A_102] : memref<80x128xi32, #tpu.memory_space<vmem>> -> memref<1x128xi32, #tpu.memory_space<vmem>>
      %dma_wait3A_104 = tpu.memref_squeeze %dma_wait3A_103 : memref<1x128xi32, #tpu.memory_space<vmem>> -> memref<128xi32, #tpu.memory_space<vmem>>
      %dma_wait3A_105 = arith.constant 0 : i32
      %dma_wait3A_106 = arith.constant 0 : i32
      %dma_wait3A_107 = tpu.memref_slice %arg2[%dma_wait3A_105, %dma_wait3A_106] : memref<10000x128xf32, #tpu.memory_space<hbm>> -> memref<10000x128xf32, #tpu.memory_space<hbm>>
      tpu.wait_indirect_dma semaphore(%arg15 : memref<!tpu.dma_semaphore, #tpu.memory_space<semaphore_mem>>) src(%dma_wait3A_107 : memref<10000x128xf32, #tpu.memory_space<hbm>>) dst(%arg10 : memref<128x128xf32, #tpu.memory_space<vmem>>)
      %dma_wait3A_108 = arith.constant 0 : i32
      %dma_wait3A_109 = arith.constant 0 : i32
      %dma_wait3A_110 = arith.constant 0 : i32
      %dma_wait3A_111 = tpu.memref_slice %arg4[%dma_wait3A_108, %dma_wait3A_109, %dma_wait3A_110] : memref<32x80x128xi32, #tpu.memory_space<hbm>> -> memref<1x1x128xi32, #tpu.memory_space<hbm>>
      %dma_wait3A_112 = tpu.memref_squeeze %dma_wait3A_111 : memref<1x1x128xi32, #tpu.memory_space<hbm>> -> memref<128xi32, #tpu.memory_space<hbm>>
      %dma_wait3A_113 = arith.constant 0 : i32
      %dma_wait3A_114 = tpu.memref_slice %arg4[%dma_wait3A_108, %dma_wait3A_109, %dma_wait3A_113] : memref<32x80x128xi32, #tpu.memory_space<hbm>> -> memref<1x1x128xi32, #tpu.memory_space<hbm>>
      %dma_wait3A_115 = tpu.memref_squeeze %dma_wait3A_114 : memref<1x1x128xi32, #tpu.memory_space<hbm>> -> memref<128xi32, #tpu.memory_space<hbm>>
      tpu.wait_dma2 semaphore(%arg13 : memref<!tpu.dma_semaphore, #tpu.memory_space<semaphore_mem>>) src(%dma_wait3A_115 : memref<128xi32, #tpu.memory_space<hbm>>) dst(%arg8 : memref<128xi32, #tpu.memory_space<vmem>>)
      %dma_start3A_116 = arith.constant 0 : i32
      %dma_start3A_117 = arith.constant 0 : i32
      %dma_start3A_118 = tpu.memref_slice %arg12[%dma_start3A_116, %dma_start3A_117] : memref<10112x128xf32, #tpu.memory_space<vmem_shared>> -> memref<10112x128xf32, #tpu.memory_space<vmem_shared>>
      tpu.enqueue_indirect_dma source(%arg10 : memref<128x128xf32, #tpu.memory_space<vmem>>) target(%dma_start3A_118 : memref<10112x128xf32, #tpu.memory_space<vmem_shared>>) offsets(%arg8 : memref<128xi32, #tpu.memory_space<vmem>>) semaphore(%arg17 : memref<!tpu.dma_semaphore, #tpu.memory_space<semaphore_mem>>) {add = true}
      %mul3A_119 = arith.constant 2 : i32
      %mul3A_120 = arith.muli %mul3A_119, %scan3A_81 : i32
      %add3A_121 = arith.constant 1 : i32
      %add3A_122 = arith.addi %mul3A_120, %add3A_121 : i32
      %dma_wait3A_123 = arith.constant 0 : i32
      %dma_wait3A_124 = arith.constant 0 : i32
      %dma_wait3A_125 = tpu.memref_slice %arg12[%dma_wait3A_123, %dma_wait3A_124] : memref<10112x128xf32, #tpu.memory_space<vmem_shared>> -> memref<10112x128xf32, #tpu.memory_space<vmem_shared>>
      tpu.wait_indirect_dma semaphore(%arg18 : memref<!tpu.dma_semaphore, #tpu.memory_space<semaphore_mem>>) src(%arg11 : memref<128x128xf32, #tpu.memory_space<vmem>>) dst(%dma_wait3A_125 : memref<10112x128xf32, #tpu.memory_space<vmem_shared>>)
      %dma_start3A_126 = arith.constant 0 : i32
      %dma_start3A_127 = tpu.memref_slice %arg4[%add3A, %add3A_122, %dma_start3A_126] : memref<32x80x128xi32, #tpu.memory_space<hbm>> -> memref<1x1x128xi32, #tpu.memory_space<hbm>>
      %dma_start3A_128 = tpu.memref_squeeze %dma_start3A_127 : memref<1x1x128xi32, #tpu.memory_space<hbm>> -> memref<128xi32, #tpu.memory_space<hbm>>
      %dma_start3A_129 = arith.constant 0 : i32
      %dma_start3A_130 = tpu.memref_slice %arg4[%add3A, %add3A_122, %dma_start3A_129] : memref<32x80x128xi32, #tpu.memory_space<hbm>> -> memref<1x1x128xi32, #tpu.memory_space<hbm>>
      %dma_start3A_131 = tpu.memref_squeeze %dma_start3A_130 : memref<1x1x128xi32, #tpu.memory_space<hbm>> -> memref<128xi32, #tpu.memory_space<hbm>>
      tpu.enqueue_dma source(%dma_start3A_131 : memref<128xi32, #tpu.memory_space<hbm>>) target(%arg9 : memref<128xi32, #tpu.memory_space<vmem>>) target_semaphore(%arg14 : memref<!tpu.dma_semaphore, #tpu.memory_space<semaphore_mem>>)
      %dma_start3A_132 = arith.constant 0 : i32
      %dma_start3A_133 = tpu.memref_slice %arg7[%add3A_122, %dma_start3A_132] : memref<80x128xi32, #tpu.memory_space<vmem>> -> memref<1x128xi32, #tpu.memory_space<vmem>>
      %dma_start3A_134 = tpu.memref_squeeze %dma_start3A_133 : memref<1x128xi32, #tpu.memory_space<vmem>> -> memref<128xi32, #tpu.memory_space<vmem>>
      %dma_start3A_135 = arith.constant 0 : i32
      %dma_start3A_136 = arith.constant 0 : i32
      %dma_start3A_137 = tpu.memref_slice %arg2[%dma_start3A_135, %dma_start3A_136] : memref<10000x128xf32, #tpu.memory_space<hbm>> -> memref<10000x128xf32, #tpu.memory_space<hbm>>
      tpu.enqueue_indirect_dma source(%dma_start3A_137 : memref<10000x128xf32, #tpu.memory_space<hbm>>) target(%arg11 : memref<128x128xf32, #tpu.memory_space<vmem>>) offsets(%dma_start3A_134 : memref<128xi32, #tpu.memory_space<vmem>>) semaphore(%arg16 : memref<!tpu.dma_semaphore, #tpu.memory_space<semaphore_mem>>)
      %dma_wait3A_138 = arith.constant 0 : i32
      %dma_wait3A_139 = arith.constant 0 : i32
      %dma_wait3A_140 = tpu.memref_slice %arg7[%dma_wait3A_138, %dma_wait3A_139] : memref<80x128xi32, #tpu.memory_space<vmem>> -> memref<1x128xi32, #tpu.memory_space<vmem>>
      %dma_wait3A_141 = tpu.memref_squeeze %dma_wait3A_140 : memref<1x128xi32, #tpu.memory_space<vmem>> -> memref<128xi32, #tpu.memory_space<vmem>>
      %dma_wait3A_142 = arith.constant 0 : i32
      %dma_wait3A_143 = arith.constant 0 : i32
      %dma_wait3A_144 = tpu.memref_slice %arg2[%dma_wait3A_142, %dma_wait3A_143] : memref<10000x128xf32, #tpu.memory_space<hbm>> -> memref<10000x128xf32, #tpu.memory_space<hbm>>
      tpu.wait_indirect_dma semaphore(%arg16 : memref<!tpu.dma_semaphore, #tpu.memory_space<semaphore_mem>>) src(%dma_wait3A_144 : memref<10000x128xf32, #tpu.memory_space<hbm>>) dst(%arg11 : memref<128x128xf32, #tpu.memory_space<vmem>>)
      %dma_wait3A_145 = arith.constant 0 : i32
      %dma_wait3A_146 = arith.constant 0 : i32
      %dma_wait3A_147 = arith.constant 0 : i32
      %dma_wait3A_148 = tpu.memref_slice %arg4[%dma_wait3A_145, %dma_wait3A_146, %dma_wait3A_147] : memref<32x80x128xi32, #tpu.memory_space<hbm>> -> memref<1x1x128xi32, #tpu.memory_space<hbm>>
      %dma_wait3A_149 = tpu.memref_squeeze %dma_wait3A_148 : memref<1x1x128xi32, #tpu.memory_space<hbm>> -> memref<128xi32, #tpu.memory_space<hbm>>
      %dma_wait3A_150 = arith.constant 0 : i32
      %dma_wait3A_151 = tpu.memref_slice %arg4[%dma_wait3A_145, %dma_wait3A_146, %dma_wait3A_150] : memref<32x80x128xi32, #tpu.memory_space<hbm>> -> memref<1x1x128xi32, #tpu.memory_space<hbm>>
      %dma_wait3A_152 = tpu.memref_squeeze %dma_wait3A_151 : memref<1x1x128xi32, #tpu.memory_space<hbm>> -> memref<128xi32, #tpu.memory_space<hbm>>
      tpu.wait_dma2 semaphore(%arg14 : memref<!tpu.dma_semaphore, #tpu.memory_space<semaphore_mem>>) src(%dma_wait3A_152 : memref<128xi32, #tpu.memory_space<hbm>>) dst(%arg9 : memref<128xi32, #tpu.memory_space<vmem>>)
      %dma_start3A_153 = arith.constant 0 : i32
      %dma_start3A_154 = arith.constant 0 : i32
      %dma_start3A_155 = tpu.memref_slice %arg12[%dma_start3A_153, %dma_start3A_154] : memref<10112x128xf32, #tpu.memory_space<vmem_shared>> -> memref<10112x128xf32, #tpu.memory_space<vmem_shared>>
      tpu.enqueue_indirect_dma source(%arg11 : memref<128x128xf32, #tpu.memory_space<vmem>>) target(%dma_start3A_155 : memref<10112x128xf32, #tpu.memory_space<vmem_shared>>) offsets(%arg9 : memref<128xi32, #tpu.memory_space<vmem>>) semaphore(%arg18 : memref<!tpu.dma_semaphore, #tpu.memory_space<semaphore_mem>>) {add = true}
    }
    %scan3A_69 = arith.constant 39 : i32
    %dma_wait3A_70 = arith.constant 0 : i32
    %dma_wait3A_71 = arith.constant 0 : i32
    %dma_wait3A_72 = tpu.memref_slice %arg12[%dma_wait3A_70, %dma_wait3A_71] : memref<10112x128xf32, #tpu.memory_space<vmem_shared>> -> memref<10112x128xf32, #tpu.memory_space<vmem_shared>>
    tpu.wait_indirect_dma semaphore(%arg17 : memref<!tpu.dma_semaphore, #tpu.memory_space<semaphore_mem>>) src(%arg10 : memref<128x128xf32, #tpu.memory_space<vmem>>) dst(%dma_wait3A_72 : memref<10112x128xf32, #tpu.memory_space<vmem_shared>>)
    %dma_wait3A_73 = arith.constant 0 : i32
    %dma_wait3A_74 = arith.constant 0 : i32
    %dma_wait3A_75 = tpu.memref_slice %arg12[%dma_wait3A_73, %dma_wait3A_74] : memref<10112x128xf32, #tpu.memory_space<vmem_shared>> -> memref<10112x128xf32, #tpu.memory_space<vmem_shared>>
    tpu.wait_indirect_dma semaphore(%arg18 : memref<!tpu.dma_semaphore, #tpu.memory_space<semaphore_mem>>) src(%arg11 : memref<128x128xf32, #tpu.memory_space<vmem>>) dst(%dma_wait3A_75 : memref<10112x128xf32, #tpu.memory_space<vmem_shared>>)
    %barrier3A_76 = arith.constant 0 : index
    tpu.barrier barrier_id(%barrier3A_76)
    %mul3A_77 = arith.constant 632 : i32
    %mul3A_78 = arith.muli %arg1, %mul3A_77 : i32
    %mul3A_79 = arith.constant 632 : i32
    %mul3A_80 = arith.muli %arg1, %mul3A_79 : i32
    "tpu.region"() ({
      %run_scoped3A = tpu.sem_alloc : memref<!tpu.dma_semaphore, #tpu.memory_space<semaphore_mem>>
      %dma_start3A_81 = arith.constant 0 : i32
      %dma_start3A_82 = tpu.memref_slice %arg6[%arg0, %mul3A_80, %dma_start3A_81] : memref<2x10112x128xf32, #tpu.memory_space<hbm>> -> memref<1x632x128xf32, #tpu.memory_space<hbm>>
      %dma_start3A_83 = tpu.memref_squeeze %dma_start3A_82 : memref<1x632x128xf32, #tpu.memory_space<hbm>> -> memref<632x128xf32, #tpu.memory_space<hbm>>
      %dma_start3A_84 = arith.constant 0 : i32
      %dma_start3A_85 = tpu.memref_slice %arg12[%mul3A_78, %dma_start3A_84] : memref<10112x128xf32, #tpu.memory_space<vmem_shared>> -> memref<632x128xf32, #tpu.memory_space<vmem_shared>>
      tpu.enqueue_dma source(%dma_start3A_85 : memref<632x128xf32, #tpu.memory_space<vmem_shared>>) target(%dma_start3A_83 : memref<632x128xf32, #tpu.memory_space<hbm>>) target_semaphore(%run_scoped3A : memref<!tpu.dma_semaphore, #tpu.memory_space<semaphore_mem>>)
      %dma_wait3A_86 = arith.constant 0 : i32
      %dma_wait3A_87 = tpu.memref_slice %arg6[%arg0, %mul3A_80, %dma_wait3A_86] : memref<2x10112x128xf32, #tpu.memory_space<hbm>> -> memref<1x632x128xf32, #tpu.memory_space<hbm>>
      %dma_wait3A_88 = tpu.memref_squeeze %dma_wait3A_87 : memref<1x632x128xf32, #tpu.memory_space<hbm>> -> memref<632x128xf32, #tpu.memory_space<hbm>>
      %dma_wait3A_89 = arith.constant 0 : i32
      %dma_wait3A_90 = tpu.memref_slice %arg12[%mul3A_78, %dma_wait3A_89] : memref<10112x128xf32, #tpu.memory_space<vmem_shared>> -> memref<632x128xf32, #tpu.memory_space<vmem_shared>>
      tpu.wait_dma2 semaphore(%run_scoped3A : memref<!tpu.dma_semaphore, #tpu.memory_space<semaphore_mem>>) src(%dma_wait3A_90 : memref<632x128xf32, #tpu.memory_space<vmem_shared>>) dst(%dma_wait3A_88 : memref<632x128xf32, #tpu.memory_space<hbm>>)
      tpu.yield
    }) : () -> ()
    return
  }
}

#map = affine_map<(d0, d1) -> (0, 0)>
#map1 = affine_map<(d0, d1) -> (0, 0, 0)>
module attributes {stable_mosaic.version = 14 : i64} {
  func.func @_sc_scatter_rows(%arg0: i32, %arg1: i32, %arg2: memref<10000x128xf32, #tpu.memory_space<hbm>>, %arg3: memref<32x80x128xi32, #tpu.memory_space<hbm>>, %arg4: memref<32x80x128xi32, #tpu.memory_space<hbm>>, %arg5: memref<632x128xf32, #tpu.memory_space<hbm>>, %arg6: memref<2x10112x128xf32, #tpu.memory_space<hbm>>, %arg7: memref<80x128xi32, #tpu.memory_space<vmem>>, %arg8: memref<128xi32, #tpu.memory_space<vmem>>, %arg9: memref<128xi32, #tpu.memory_space<vmem>>, %arg10: memref<128x128xf32, #tpu.memory_space<vmem>>, %arg11: memref<128x128xf32, #tpu.memory_space<vmem>>, %arg12: memref<10112x128xf32, #tpu.memory_space<vmem_shared>>, %arg13: memref<!tpu.dma_semaphore, #tpu.memory_space<semaphore_mem>>, %arg14: memref<!tpu.dma_semaphore, #tpu.memory_space<semaphore_mem>>, %arg15: memref<!tpu.dma_semaphore, #tpu.memory_space<semaphore_mem>>, %arg16: memref<!tpu.dma_semaphore, #tpu.memory_space<semaphore_mem>>, %arg17: memref<!tpu.dma_semaphore, #tpu.memory_space<semaphore_mem>>, %arg18: memref<!tpu.dma_semaphore, #tpu.memory_space<semaphore_mem>>) attributes {dimension_semantics = [#tpu.dimension_semantics<core_parallel>, #tpu.dimension_semantics<subcore_parallel>], iteration_bounds = array<i64: 2, 16>, scalar_prefetch = 0 : i64, scratch_operands = 12 : i64, tpu.core_type = #tpu.core_type<sc_vector_subcore>, window_params = [{transform_indices = #map}, {transform_indices = #map1}, {transform_indices = #map1}, {transform_indices = #map}, {transform_indices = #map1}]} {
    %mul3A = arith.constant 16 : i32
    %mul3A_0 = arith.muli %arg0, %mul3A : i32
    %add3A = arith.addi %mul3A_0, %arg1 : i32
    %mul3A_1 = arith.constant 632 : i32
    %mul3A_2 = arith.muli %arg1, %mul3A_1 : i32
    "tpu.region"() ({
      %run_scoped3A = tpu.sem_alloc : memref<!tpu.dma_semaphore, #tpu.memory_space<semaphore_mem>>
      %dma_start3A_81 = arith.constant 0 : i32
      %dma_start3A_82 = tpu.memref_slice %arg12[%mul3A_2, %dma_start3A_81] : memref<10112x128xf32, #tpu.memory_space<vmem_shared>> -> memref<632x128xf32, #tpu.memory_space<vmem_shared>>
      tpu.enqueue_dma source(%arg5 : memref<632x128xf32, #tpu.memory_space<hbm>>) target(%dma_start3A_82 : memref<632x128xf32, #tpu.memory_space<vmem_shared>>) target_semaphore(%run_scoped3A : memref<!tpu.dma_semaphore, #tpu.memory_space<semaphore_mem>>)
      %dma_wait3A_83 = arith.constant 0 : i32
      %dma_wait3A_84 = tpu.memref_slice %arg12[%mul3A_2, %dma_wait3A_83] : memref<10112x128xf32, #tpu.memory_space<vmem_shared>> -> memref<632x128xf32, #tpu.memory_space<vmem_shared>>
      tpu.wait_dma2 semaphore(%run_scoped3A : memref<!tpu.dma_semaphore, #tpu.memory_space<semaphore_mem>>) src(%arg5 : memref<632x128xf32, #tpu.memory_space<hbm>>) dst(%dma_wait3A_84 : memref<632x128xf32, #tpu.memory_space<vmem_shared>>)
      tpu.yield
    }) : () -> ()
    "tpu.region"() ({
      %run_scoped3A = tpu.sem_alloc : memref<!tpu.dma_semaphore, #tpu.memory_space<semaphore_mem>>
      %dma_start3A_81 = arith.constant 0 : i32
      %dma_start3A_82 = arith.constant 0 : i32
      %dma_start3A_83 = tpu.memref_slice %arg3[%add3A, %dma_start3A_81, %dma_start3A_82] : memref<32x80x128xi32, #tpu.memory_space<hbm>> -> memref<1x80x128xi32, #tpu.memory_space<hbm>>
      %dma_start3A_84 = tpu.memref_squeeze %dma_start3A_83 : memref<1x80x128xi32, #tpu.memory_space<hbm>> -> memref<80x128xi32, #tpu.memory_space<hbm>>
      %dma_start3A_85 = arith.constant 0 : i32
      %dma_start3A_86 = arith.constant 0 : i32
      %dma_start3A_87 = tpu.memref_slice %arg3[%add3A, %dma_start3A_85, %dma_start3A_86] : memref<32x80x128xi32, #tpu.memory_space<hbm>> -> memref<1x80x128xi32, #tpu.memory_space<hbm>>
      %dma_start3A_88 = tpu.memref_squeeze %dma_start3A_87 : memref<1x80x128xi32, #tpu.memory_space<hbm>> -> memref<80x128xi32, #tpu.memory_space<hbm>>
      tpu.enqueue_dma source(%dma_start3A_88 : memref<80x128xi32, #tpu.memory_space<hbm>>) target(%arg7 : memref<80x128xi32, #tpu.memory_space<vmem>>) target_semaphore(%run_scoped3A : memref<!tpu.dma_semaphore, #tpu.memory_space<semaphore_mem>>)
      %dma_wait3A_89 = arith.constant 0 : i32
      %dma_wait3A_90 = arith.constant 0 : i32
      %dma_wait3A_91 = tpu.memref_slice %arg3[%add3A, %dma_wait3A_89, %dma_wait3A_90] : memref<32x80x128xi32, #tpu.memory_space<hbm>> -> memref<1x80x128xi32, #tpu.memory_space<hbm>>
      %dma_wait3A_92 = tpu.memref_squeeze %dma_wait3A_91 : memref<1x80x128xi32, #tpu.memory_space<hbm>> -> memref<80x128xi32, #tpu.memory_space<hbm>>
      %dma_wait3A_93 = arith.constant 0 : i32
      %dma_wait3A_94 = arith.constant 0 : i32
      %dma_wait3A_95 = tpu.memref_slice %arg3[%add3A, %dma_wait3A_93, %dma_wait3A_94] : memref<32x80x128xi32, #tpu.memory_space<hbm>> -> memref<1x80x128xi32, #tpu.memory_space<hbm>>
      %dma_wait3A_96 = tpu.memref_squeeze %dma_wait3A_95 : memref<1x80x128xi32, #tpu.memory_space<hbm>> -> memref<80x128xi32, #tpu.memory_space<hbm>>
      tpu.wait_dma2 semaphore(%run_scoped3A : memref<!tpu.dma_semaphore, #tpu.memory_space<semaphore_mem>>) src(%dma_wait3A_96 : memref<80x128xi32, #tpu.memory_space<hbm>>) dst(%arg7 : memref<80x128xi32, #tpu.memory_space<vmem>>)
      tpu.yield
    }) : () -> ()
    %barrier3A = arith.constant 0 : index
    tpu.barrier barrier_id(%barrier3A)
    %dma_start3A = arith.constant 0 : i32
    %dma_start3A_3 = arith.constant 0 : i32
    %dma_start3A_4 = tpu.memref_slice %arg4[%add3A, %dma_start3A, %dma_start3A_3] : memref<32x80x128xi32, #tpu.memory_space<hbm>> -> memref<1x1x128xi32, #tpu.memory_space<hbm>>
    %dma_start3A_5 = tpu.memref_squeeze %dma_start3A_4 : memref<1x1x128xi32, #tpu.memory_space<hbm>> -> memref<128xi32, #tpu.memory_space<hbm>>
    %dma_start3A_6 = arith.constant 0 : i32
    %dma_start3A_7 = tpu.memref_slice %arg4[%add3A, %dma_start3A, %dma_start3A_6] : memref<32x80x128xi32, #tpu.memory_space<hbm>> -> memref<1x1x128xi32, #tpu.memory_space<hbm>>
    %dma_start3A_8 = tpu.memref_squeeze %dma_start3A_7 : memref<1x1x128xi32, #tpu.memory_space<hbm>> -> memref<128xi32, #tpu.memory_space<hbm>>
    tpu.enqueue_dma source(%dma_start3A_8 : memref<128xi32, #tpu.memory_space<hbm>>) target(%arg8 : memref<128xi32, #tpu.memory_space<vmem>>) target_semaphore(%arg13 : memref<!tpu.dma_semaphore, #tpu.memory_space<semaphore_mem>>)
    %dma_start3A_9 = arith.constant 0 : i32
    %dma_start3A_10 = arith.constant 0 : i32
    %dma_start3A_11 = tpu.memref_slice %arg7[%dma_start3A_9, %dma_start3A_10] : memref<80x128xi32, #tpu.memory_space<vmem>> -> memref<1x128xi32, #tpu.memory_space<vmem>>
    %dma_start3A_12 = tpu.memref_squeeze %dma_start3A_11 : memref<1x128xi32, #tpu.memory_space<vmem>> -> memref<128xi32, #tpu.memory_space<vmem>>
    %dma_start3A_13 = arith.constant 0 : i32
    %dma_start3A_14 = arith.constant 0 : i32
    %dma_start3A_15 = tpu.memref_slice %arg2[%dma_start3A_13, %dma_start3A_14] : memref<10000x128xf32, #tpu.memory_space<hbm>> -> memref<10000x128xf32, #tpu.memory_space<hbm>>
    tpu.enqueue_indirect_dma source(%dma_start3A_15 : memref<10000x128xf32, #tpu.memory_space<hbm>>) target(%arg10 : memref<128x128xf32, #tpu.memory_space<vmem>>) offsets(%dma_start3A_12 : memref<128xi32, #tpu.memory_space<vmem>>) semaphore(%arg15 : memref<!tpu.dma_semaphore, #tpu.memory_space<semaphore_mem>>)
    %dma_start3A_16 = arith.constant 1 : i32
    %dma_start3A_17 = arith.constant 0 : i32
    %dma_start3A_18 = tpu.memref_slice %arg4[%add3A, %dma_start3A_16, %dma_start3A_17] : memref<32x80x128xi32, #tpu.memory_space<hbm>> -> memref<1x1x128xi32, #tpu.memory_space<hbm>>
    %dma_start3A_19 = tpu.memref_squeeze %dma_start3A_18 : memref<1x1x128xi32, #tpu.memory_space<hbm>> -> memref<128xi32, #tpu.memory_space<hbm>>
    %dma_start3A_20 = arith.constant 0 : i32
    %dma_start3A_21 = tpu.memref_slice %arg4[%add3A, %dma_start3A_16, %dma_start3A_20] : memref<32x80x128xi32, #tpu.memory_space<hbm>> -> memref<1x1x128xi32, #tpu.memory_space<hbm>>
    %dma_start3A_22 = tpu.memref_squeeze %dma_start3A_21 : memref<1x1x128xi32, #tpu.memory_space<hbm>> -> memref<128xi32, #tpu.memory_space<hbm>>
    tpu.enqueue_dma source(%dma_start3A_22 : memref<128xi32, #tpu.memory_space<hbm>>) target(%arg9 : memref<128xi32, #tpu.memory_space<vmem>>) target_semaphore(%arg14 : memref<!tpu.dma_semaphore, #tpu.memory_space<semaphore_mem>>)
    %dma_start3A_23 = arith.constant 1 : i32
    %dma_start3A_24 = arith.constant 0 : i32
    %dma_start3A_25 = tpu.memref_slice %arg7[%dma_start3A_23, %dma_start3A_24] : memref<80x128xi32, #tpu.memory_space<vmem>> -> memref<1x128xi32, #tpu.memory_space<vmem>>
    %dma_start3A_26 = tpu.memref_squeeze %dma_start3A_25 : memref<1x128xi32, #tpu.memory_space<vmem>> -> memref<128xi32, #tpu.memory_space<vmem>>
    %dma_start3A_27 = arith.constant 0 : i32
    %dma_start3A_28 = arith.constant 0 : i32
    %dma_start3A_29 = tpu.memref_slice %arg2[%dma_start3A_27, %dma_start3A_28] : memref<10000x128xf32, #tpu.memory_space<hbm>> -> memref<10000x128xf32, #tpu.memory_space<hbm>>
    tpu.enqueue_indirect_dma source(%dma_start3A_29 : memref<10000x128xf32, #tpu.memory_space<hbm>>) target(%arg11 : memref<128x128xf32, #tpu.memory_space<vmem>>) offsets(%dma_start3A_26 : memref<128xi32, #tpu.memory_space<vmem>>) semaphore(%arg16 : memref<!tpu.dma_semaphore, #tpu.memory_space<semaphore_mem>>)
    %dma_wait3A = arith.constant 0 : i32
    %dma_wait3A_30 = arith.constant 0 : i32
    %dma_wait3A_31 = tpu.memref_slice %arg7[%dma_wait3A, %dma_wait3A_30] : memref<80x128xi32, #tpu.memory_space<vmem>> -> memref<1x128xi32, #tpu.memory_space<vmem>>
    %dma_wait3A_32 = tpu.memref_squeeze %dma_wait3A_31 : memref<1x128xi32, #tpu.memory_space<vmem>> -> memref<128xi32, #tpu.memory_space<vmem>>
    %dma_wait3A_33 = arith.constant 0 : i32
    %dma_wait3A_34 = arith.constant 0 : i32
    %dma_wait3A_35 = tpu.memref_slice %arg2[%dma_wait3A_33, %dma_wait3A_34] : memref<10000x128xf32, #tpu.memory_space<hbm>> -> memref<10000x128xf32, #tpu.memory_space<hbm>>
    tpu.wait_indirect_dma semaphore(%arg15 : memref<!tpu.dma_semaphore, #tpu.memory_space<semaphore_mem>>) src(%dma_wait3A_35 : memref<10000x128xf32, #tpu.memory_space<hbm>>) dst(%arg10 : memref<128x128xf32, #tpu.memory_space<vmem>>)
    %dma_wait3A_36 = arith.constant 0 : i32
    %dma_wait3A_37 = arith.constant 0 : i32
    %dma_wait3A_38 = arith.constant 0 : i32
    %dma_wait3A_39 = tpu.memref_slice %arg4[%dma_wait3A_36, %dma_wait3A_37, %dma_wait3A_38] : memref<32x80x128xi32, #tpu.memory_space<hbm>> -> memref<1x1x128xi32, #tpu.memory_space<hbm>>
    %dma_wait3A_40 = tpu.memref_squeeze %dma_wait3A_39 : memref<1x1x128xi32, #tpu.memory_space<hbm>> -> memref<128xi32, #tpu.memory_space<hbm>>
    %dma_wait3A_41 = arith.constant 0 : i32
    %dma_wait3A_42 = tpu.memref_slice %arg4[%dma_wait3A_36, %dma_wait3A_37, %dma_wait3A_41] : memref<32x80x128xi32, #tpu.memory_space<hbm>> -> memref<1x1x128xi32, #tpu.memory_space<hbm>>
    %dma_wait3A_43 = tpu.memref_squeeze %dma_wait3A_42 : memref<1x1x128xi32, #tpu.memory_space<hbm>> -> memref<128xi32, #tpu.memory_space<hbm>>
    tpu.wait_dma2 semaphore(%arg13 : memref<!tpu.dma_semaphore, #tpu.memory_space<semaphore_mem>>) src(%dma_wait3A_43 : memref<128xi32, #tpu.memory_space<hbm>>) dst(%arg8 : memref<128xi32, #tpu.memory_space<vmem>>)
    %dma_start3A_44 = arith.constant 0 : i32
    %dma_start3A_45 = arith.constant 0 : i32
    %dma_start3A_46 = tpu.memref_slice %arg12[%dma_start3A_44, %dma_start3A_45] : memref<10112x128xf32, #tpu.memory_space<vmem_shared>> -> memref<10112x128xf32, #tpu.memory_space<vmem_shared>>
    tpu.enqueue_indirect_dma source(%arg10 : memref<128x128xf32, #tpu.memory_space<vmem>>) target(%dma_start3A_46 : memref<10112x128xf32, #tpu.memory_space<vmem_shared>>) offsets(%arg8 : memref<128xi32, #tpu.memory_space<vmem>>) semaphore(%arg17 : memref<!tpu.dma_semaphore, #tpu.memory_space<semaphore_mem>>) {add = true}
    %dma_wait3A_47 = arith.constant 0 : i32
    %dma_wait3A_48 = arith.constant 0 : i32
    %dma_wait3A_49 = tpu.memref_slice %arg7[%dma_wait3A_47, %dma_wait3A_48] : memref<80x128xi32, #tpu.memory_space<vmem>> -> memref<1x128xi32, #tpu.memory_space<vmem>>
    %dma_wait3A_50 = tpu.memref_squeeze %dma_wait3A_49 : memref<1x128xi32, #tpu.memory_space<vmem>> -> memref<128xi32, #tpu.memory_space<vmem>>
    %dma_wait3A_51 = arith.constant 0 : i32
    %dma_wait3A_52 = arith.constant 0 : i32
    %dma_wait3A_53 = tpu.memref_slice %arg2[%dma_wait3A_51, %dma_wait3A_52] : memref<10000x128xf32, #tpu.memory_space<hbm>> -> memref<10000x128xf32, #tpu.memory_space<hbm>>
    tpu.wait_indirect_dma semaphore(%arg16 : memref<!tpu.dma_semaphore, #tpu.memory_space<semaphore_mem>>) src(%dma_wait3A_53 : memref<10000x128xf32, #tpu.memory_space<hbm>>) dst(%arg11 : memref<128x128xf32, #tpu.memory_space<vmem>>)
    %dma_wait3A_54 = arith.constant 0 : i32
    %dma_wait3A_55 = arith.constant 0 : i32
    %dma_wait3A_56 = arith.constant 0 : i32
    %dma_wait3A_57 = tpu.memref_slice %arg4[%dma_wait3A_54, %dma_wait3A_55, %dma_wait3A_56] : memref<32x80x128xi32, #tpu.memory_space<hbm>> -> memref<1x1x128xi32, #tpu.memory_space<hbm>>
    %dma_wait3A_58 = tpu.memref_squeeze %dma_wait3A_57 : memref<1x1x128xi32, #tpu.memory_space<hbm>> -> memref<128xi32, #tpu.memory_space<hbm>>
    %dma_wait3A_59 = arith.constant 0 : i32
    %dma_wait3A_60 = tpu.memref_slice %arg4[%dma_wait3A_54, %dma_wait3A_55, %dma_wait3A_59] : memref<32x80x128xi32, #tpu.memory_space<hbm>> -> memref<1x1x128xi32, #tpu.memory_space<hbm>>
    %dma_wait3A_61 = tpu.memref_squeeze %dma_wait3A_60 : memref<1x1x128xi32, #tpu.memory_space<hbm>> -> memref<128xi32, #tpu.memory_space<hbm>>
    tpu.wait_dma2 semaphore(%arg14 : memref<!tpu.dma_semaphore, #tpu.memory_space<semaphore_mem>>) src(%dma_wait3A_61 : memref<128xi32, #tpu.memory_space<hbm>>) dst(%arg9 : memref<128xi32, #tpu.memory_space<vmem>>)
    %dma_start3A_62 = arith.constant 0 : i32
    %dma_start3A_63 = arith.constant 0 : i32
    %dma_start3A_64 = tpu.memref_slice %arg12[%dma_start3A_62, %dma_start3A_63] : memref<10112x128xf32, #tpu.memory_space<vmem_shared>> -> memref<10112x128xf32, #tpu.memory_space<vmem_shared>>
    tpu.enqueue_indirect_dma source(%arg11 : memref<128x128xf32, #tpu.memory_space<vmem>>) target(%dma_start3A_64 : memref<10112x128xf32, #tpu.memory_space<vmem_shared>>) offsets(%arg9 : memref<128xi32, #tpu.memory_space<vmem>>) semaphore(%arg18 : memref<!tpu.dma_semaphore, #tpu.memory_space<semaphore_mem>>) {add = true}
    %scan3A = arith.constant 0 : i32
    %scan3A_65 = arith.constant 1 : i32
    %scan3A_66 = arith.constant 39 : i32
    %scan3A_67 = arith.addi %scan3A_65, %scan3A_66 : i32
    %scan3A_68 = arith.constant 1 : i32
    scf.for %scan3A_81 = %scan3A_65 to %scan3A_67 step %scan3A_68  : i32 {
      %mul3A_82 = arith.constant 2 : i32
      %mul3A_83 = arith.muli %mul3A_82, %scan3A_81 : i32
      %add3A_84 = arith.constant 0 : i32
      %add3A_85 = arith.addi %mul3A_83, %add3A_84 : i32
      %dma_wait3A_86 = arith.constant 0 : i32
      %dma_wait3A_87 = arith.constant 0 : i32
      %dma_wait3A_88 = tpu.memref_slice %arg12[%dma_wait3A_86, %dma_wait3A_87] : memref<10112x128xf32, #tpu.memory_space<vmem_shared>> -> memref<10112x128xf32, #tpu.memory_space<vmem_shared>>
      tpu.wait_indirect_dma semaphore(%arg17 : memref<!tpu.dma_semaphore, #tpu.memory_space<semaphore_mem>>) src(%arg10 : memref<128x128xf32, #tpu.memory_space<vmem>>) dst(%dma_wait3A_88 : memref<10112x128xf32, #tpu.memory_space<vmem_shared>>)
      %dma_start3A_89 = arith.constant 0 : i32
      %dma_start3A_90 = tpu.memref_slice %arg4[%add3A, %add3A_85, %dma_start3A_89] : memref<32x80x128xi32, #tpu.memory_space<hbm>> -> memref<1x1x128xi32, #tpu.memory_space<hbm>>
      %dma_start3A_91 = tpu.memref_squeeze %dma_start3A_90 : memref<1x1x128xi32, #tpu.memory_space<hbm>> -> memref<128xi32, #tpu.memory_space<hbm>>
      %dma_start3A_92 = arith.constant 0 : i32
      %dma_start3A_93 = tpu.memref_slice %arg4[%add3A, %add3A_85, %dma_start3A_92] : memref<32x80x128xi32, #tpu.memory_space<hbm>> -> memref<1x1x128xi32, #tpu.memory_space<hbm>>
      %dma_start3A_94 = tpu.memref_squeeze %dma_start3A_93 : memref<1x1x128xi32, #tpu.memory_space<hbm>> -> memref<128xi32, #tpu.memory_space<hbm>>
      tpu.enqueue_dma source(%dma_start3A_94 : memref<128xi32, #tpu.memory_space<hbm>>) target(%arg8 : memref<128xi32, #tpu.memory_space<vmem>>) target_semaphore(%arg13 : memref<!tpu.dma_semaphore, #tpu.memory_space<semaphore_mem>>)
      %dma_start3A_95 = arith.constant 0 : i32
      %dma_start3A_96 = tpu.memref_slice %arg7[%add3A_85, %dma_start3A_95] : memref<80x128xi32, #tpu.memory_space<vmem>> -> memref<1x128xi32, #tpu.memory_space<vmem>>
      %dma_start3A_97 = tpu.memref_squeeze %dma_start3A_96 : memref<1x128xi32, #tpu.memory_space<vmem>> -> memref<128xi32, #tpu.memory_space<vmem>>
      %dma_start3A_98 = arith.constant 0 : i32
      %dma_start3A_99 = arith.constant 0 : i32
      %dma_start3A_100 = tpu.memref_slice %arg2[%dma_start3A_98, %dma_start3A_99] : memref<10000x128xf32, #tpu.memory_space<hbm>> -> memref<10000x128xf32, #tpu.memory_space<hbm>>
      tpu.enqueue_indirect_dma source(%dma_start3A_100 : memref<10000x128xf32, #tpu.memory_space<hbm>>) target(%arg10 : memref<128x128xf32, #tpu.memory_space<vmem>>) offsets(%dma_start3A_97 : memref<128xi32, #tpu.memory_space<vmem>>) semaphore(%arg15 : memref<!tpu.dma_semaphore, #tpu.memory_space<semaphore_mem>>)
      %dma_wait3A_101 = arith.constant 0 : i32
      %dma_wait3A_102 = arith.constant 0 : i32
      %dma_wait3A_103 = tpu.memref_slice %arg7[%dma_wait3A_101, %dma_wait3A_102] : memref<80x128xi32, #tpu.memory_space<vmem>> -> memref<1x128xi32, #tpu.memory_space<vmem>>
      %dma_wait3A_104 = tpu.memref_squeeze %dma_wait3A_103 : memref<1x128xi32, #tpu.memory_space<vmem>> -> memref<128xi32, #tpu.memory_space<vmem>>
      %dma_wait3A_105 = arith.constant 0 : i32
      %dma_wait3A_106 = arith.constant 0 : i32
      %dma_wait3A_107 = tpu.memref_slice %arg2[%dma_wait3A_105, %dma_wait3A_106] : memref<10000x128xf32, #tpu.memory_space<hbm>> -> memref<10000x128xf32, #tpu.memory_space<hbm>>
      tpu.wait_indirect_dma semaphore(%arg15 : memref<!tpu.dma_semaphore, #tpu.memory_space<semaphore_mem>>) src(%dma_wait3A_107 : memref<10000x128xf32, #tpu.memory_space<hbm>>) dst(%arg10 : memref<128x128xf32, #tpu.memory_space<vmem>>)
      %dma_wait3A_108 = arith.constant 0 : i32
      %dma_wait3A_109 = arith.constant 0 : i32
      %dma_wait3A_110 = arith.constant 0 : i32
      %dma_wait3A_111 = tpu.memref_slice %arg4[%dma_wait3A_108, %dma_wait3A_109, %dma_wait3A_110] : memref<32x80x128xi32, #tpu.memory_space<hbm>> -> memref<1x1x128xi32, #tpu.memory_space<hbm>>
      %dma_wait3A_112 = tpu.memref_squeeze %dma_wait3A_111 : memref<1x1x128xi32, #tpu.memory_space<hbm>> -> memref<128xi32, #tpu.memory_space<hbm>>
      %dma_wait3A_113 = arith.constant 0 : i32
      %dma_wait3A_114 = tpu.memref_slice %arg4[%dma_wait3A_108, %dma_wait3A_109, %dma_wait3A_113] : memref<32x80x128xi32, #tpu.memory_space<hbm>> -> memref<1x1x128xi32, #tpu.memory_space<hbm>>
      %dma_wait3A_115 = tpu.memref_squeeze %dma_wait3A_114 : memref<1x1x128xi32, #tpu.memory_space<hbm>> -> memref<128xi32, #tpu.memory_space<hbm>>
      tpu.wait_dma2 semaphore(%arg13 : memref<!tpu.dma_semaphore, #tpu.memory_space<semaphore_mem>>) src(%dma_wait3A_115 : memref<128xi32, #tpu.memory_space<hbm>>) dst(%arg8 : memref<128xi32, #tpu.memory_space<vmem>>)
      %dma_start3A_116 = arith.constant 0 : i32
      %dma_start3A_117 = arith.constant 0 : i32
      %dma_start3A_118 = tpu.memref_slice %arg12[%dma_start3A_116, %dma_start3A_117] : memref<10112x128xf32, #tpu.memory_space<vmem_shared>> -> memref<10112x128xf32, #tpu.memory_space<vmem_shared>>
      tpu.enqueue_indirect_dma source(%arg10 : memref<128x128xf32, #tpu.memory_space<vmem>>) target(%dma_start3A_118 : memref<10112x128xf32, #tpu.memory_space<vmem_shared>>) offsets(%arg8 : memref<128xi32, #tpu.memory_space<vmem>>) semaphore(%arg17 : memref<!tpu.dma_semaphore, #tpu.memory_space<semaphore_mem>>) {add = true}
      %mul3A_119 = arith.constant 2 : i32
      %mul3A_120 = arith.muli %mul3A_119, %scan3A_81 : i32
      %add3A_121 = arith.constant 1 : i32
      %add3A_122 = arith.addi %mul3A_120, %add3A_121 : i32
      %dma_wait3A_123 = arith.constant 0 : i32
      %dma_wait3A_124 = arith.constant 0 : i32
      %dma_wait3A_125 = tpu.memref_slice %arg12[%dma_wait3A_123, %dma_wait3A_124] : memref<10112x128xf32, #tpu.memory_space<vmem_shared>> -> memref<10112x128xf32, #tpu.memory_space<vmem_shared>>
      tpu.wait_indirect_dma semaphore(%arg18 : memref<!tpu.dma_semaphore, #tpu.memory_space<semaphore_mem>>) src(%arg11 : memref<128x128xf32, #tpu.memory_space<vmem>>) dst(%dma_wait3A_125 : memref<10112x128xf32, #tpu.memory_space<vmem_shared>>)
      %dma_start3A_126 = arith.constant 0 : i32
      %dma_start3A_127 = tpu.memref_slice %arg4[%add3A, %add3A_122, %dma_start3A_126] : memref<32x80x128xi32, #tpu.memory_space<hbm>> -> memref<1x1x128xi32, #tpu.memory_space<hbm>>
      %dma_start3A_128 = tpu.memref_squeeze %dma_start3A_127 : memref<1x1x128xi32, #tpu.memory_space<hbm>> -> memref<128xi32, #tpu.memory_space<hbm>>
      %dma_start3A_129 = arith.constant 0 : i32
      %dma_start3A_130 = tpu.memref_slice %arg4[%add3A, %add3A_122, %dma_start3A_129] : memref<32x80x128xi32, #tpu.memory_space<hbm>> -> memref<1x1x128xi32, #tpu.memory_space<hbm>>
      %dma_start3A_131 = tpu.memref_squeeze %dma_start3A_130 : memref<1x1x128xi32, #tpu.memory_space<hbm>> -> memref<128xi32, #tpu.memory_space<hbm>>
      tpu.enqueue_dma source(%dma_start3A_131 : memref<128xi32, #tpu.memory_space<hbm>>) target(%arg9 : memref<128xi32, #tpu.memory_space<vmem>>) target_semaphore(%arg14 : memref<!tpu.dma_semaphore, #tpu.memory_space<semaphore_mem>>)
      %dma_start3A_132 = arith.constant 0 : i32
      %dma_start3A_133 = tpu.memref_slice %arg7[%add3A_122, %dma_start3A_132] : memref<80x128xi32, #tpu.memory_space<vmem>> -> memref<1x128xi32, #tpu.memory_space<vmem>>
      %dma_start3A_134 = tpu.memref_squeeze %dma_start3A_133 : memref<1x128xi32, #tpu.memory_space<vmem>> -> memref<128xi32, #tpu.memory_space<vmem>>
      %dma_start3A_135 = arith.constant 0 : i32
      %dma_start3A_136 = arith.constant 0 : i32
      %dma_start3A_137 = tpu.memref_slice %arg2[%dma_start3A_135, %dma_start3A_136] : memref<10000x128xf32, #tpu.memory_space<hbm>> -> memref<10000x128xf32, #tpu.memory_space<hbm>>
      tpu.enqueue_indirect_dma source(%dma_start3A_137 : memref<10000x128xf32, #tpu.memory_space<hbm>>) target(%arg11 : memref<128x128xf32, #tpu.memory_space<vmem>>) offsets(%dma_start3A_134 : memref<128xi32, #tpu.memory_space<vmem>>) semaphore(%arg16 : memref<!tpu.dma_semaphore, #tpu.memory_space<semaphore_mem>>)
      %dma_wait3A_138 = arith.constant 0 : i32
      %dma_wait3A_139 = arith.constant 0 : i32
      %dma_wait3A_140 = tpu.memref_slice %arg7[%dma_wait3A_138, %dma_wait3A_139] : memref<80x128xi32, #tpu.memory_space<vmem>> -> memref<1x128xi32, #tpu.memory_space<vmem>>
      %dma_wait3A_141 = tpu.memref_squeeze %dma_wait3A_140 : memref<1x128xi32, #tpu.memory_space<vmem>> -> memref<128xi32, #tpu.memory_space<vmem>>
      %dma_wait3A_142 = arith.constant 0 : i32
      %dma_wait3A_143 = arith.constant 0 : i32
      %dma_wait3A_144 = tpu.memref_slice %arg2[%dma_wait3A_142, %dma_wait3A_143] : memref<10000x128xf32, #tpu.memory_space<hbm>> -> memref<10000x128xf32, #tpu.memory_space<hbm>>
      tpu.wait_indirect_dma semaphore(%arg16 : memref<!tpu.dma_semaphore, #tpu.memory_space<semaphore_mem>>) src(%dma_wait3A_144 : memref<10000x128xf32, #tpu.memory_space<hbm>>) dst(%arg11 : memref<128x128xf32, #tpu.memory_space<vmem>>)
      %dma_wait3A_145 = arith.constant 0 : i32
      %dma_wait3A_146 = arith.constant 0 : i32
      %dma_wait3A_147 = arith.constant 0 : i32
      %dma_wait3A_148 = tpu.memref_slice %arg4[%dma_wait3A_145, %dma_wait3A_146, %dma_wait3A_147] : memref<32x80x128xi32, #tpu.memory_space<hbm>> -> memref<1x1x128xi32, #tpu.memory_space<hbm>>
      %dma_wait3A_149 = tpu.memref_squeeze %dma_wait3A_148 : memref<1x1x128xi32, #tpu.memory_space<hbm>> -> memref<128xi32, #tpu.memory_space<hbm>>
      %dma_wait3A_150 = arith.constant 0 : i32
      %dma_wait3A_151 = tpu.memref_slice %arg4[%dma_wait3A_145, %dma_wait3A_146, %dma_wait3A_150] : memref<32x80x128xi32, #tpu.memory_space<hbm>> -> memref<1x1x128xi32, #tpu.memory_space<hbm>>
      %dma_wait3A_152 = tpu.memref_squeeze %dma_wait3A_151 : memref<1x1x128xi32, #tpu.memory_space<hbm>> -> memref<128xi32, #tpu.memory_space<hbm>>
      tpu.wait_dma2 semaphore(%arg14 : memref<!tpu.dma_semaphore, #tpu.memory_space<semaphore_mem>>) src(%dma_wait3A_152 : memref<128xi32, #tpu.memory_space<hbm>>) dst(%arg9 : memref<128xi32, #tpu.memory_space<vmem>>)
      %dma_start3A_153 = arith.constant 0 : i32
      %dma_start3A_154 = arith.constant 0 : i32
      %dma_start3A_155 = tpu.memref_slice %arg12[%dma_start3A_153, %dma_start3A_154] : memref<10112x128xf32, #tpu.memory_space<vmem_shared>> -> memref<10112x128xf32, #tpu.memory_space<vmem_shared>>
      tpu.enqueue_indirect_dma source(%arg11 : memref<128x128xf32, #tpu.memory_space<vmem>>) target(%dma_start3A_155 : memref<10112x128xf32, #tpu.memory_space<vmem_shared>>) offsets(%arg9 : memref<128xi32, #tpu.memory_space<vmem>>) semaphore(%arg18 : memref<!tpu.dma_semaphore, #tpu.memory_space<semaphore_mem>>) {add = true}
    }
    %scan3A_69 = arith.constant 39 : i32
    %dma_wait3A_70 = arith.constant 0 : i32
    %dma_wait3A_71 = arith.constant 0 : i32
    %dma_wait3A_72 = tpu.memref_slice %arg12[%dma_wait3A_70, %dma_wait3A_71] : memref<10112x128xf32, #tpu.memory_space<vmem_shared>> -> memref<10112x128xf32, #tpu.memory_space<vmem_shared>>
    tpu.wait_indirect_dma semaphore(%arg17 : memref<!tpu.dma_semaphore, #tpu.memory_space<semaphore_mem>>) src(%arg10 : memref<128x128xf32, #tpu.memory_space<vmem>>) dst(%dma_wait3A_72 : memref<10112x128xf32, #tpu.memory_space<vmem_shared>>)
    %dma_wait3A_73 = arith.constant 0 : i32
    %dma_wait3A_74 = arith.constant 0 : i32
    %dma_wait3A_75 = tpu.memref_slice %arg12[%dma_wait3A_73, %dma_wait3A_74] : memref<10112x128xf32, #tpu.memory_space<vmem_shared>> -> memref<10112x128xf32, #tpu.memory_space<vmem_shared>>
    tpu.wait_indirect_dma semaphore(%arg18 : memref<!tpu.dma_semaphore, #tpu.memory_space<semaphore_mem>>) src(%arg11 : memref<128x128xf32, #tpu.memory_space<vmem>>) dst(%dma_wait3A_75 : memref<10112x128xf32, #tpu.memory_space<vmem_shared>>)
    %barrier3A_76 = arith.constant 0 : index
    tpu.barrier barrier_id(%barrier3A_76)
    %mul3A_77 = arith.constant 632 : i32
    %mul3A_78 = arith.muli %arg1, %mul3A_77 : i32
    %mul3A_79 = arith.constant 632 : i32
    %mul3A_80 = arith.muli %arg1, %mul3A_79 : i32
    "tpu.region"() ({
      %run_scoped3A = tpu.sem_alloc : memref<!tpu.dma_semaphore, #tpu.memory_space<semaphore_mem>>
      %dma_start3A_81 = arith.constant 0 : i32
      %dma_start3A_82 = tpu.memref_slice %arg6[%arg0, %mul3A_80, %dma_start3A_81] : memref<2x10112x128xf32, #tpu.memory_space<hbm>> -> memref<1x632x128xf32, #tpu.memory_space<hbm>>
      %dma_start3A_83 = tpu.memref_squeeze %dma_start3A_82 : memref<1x632x128xf32, #tpu.memory_space<hbm>> -> memref<632x128xf32, #tpu.memory_space<hbm>>
      %dma_start3A_84 = arith.constant 0 : i32
      %dma_start3A_85 = tpu.memref_slice %arg12[%mul3A_78, %dma_start3A_84] : memref<10112x128xf32, #tpu.memory_space<vmem_shared>> -> memref<632x128xf32, #tpu.memory_space<vmem_shared>>
      tpu.enqueue_dma source(%dma_start3A_85 : memref<632x128xf32, #tpu.memory_space<vmem_shared>>) target(%dma_start3A_83 : memref<632x128xf32, #tpu.memory_space<hbm>>) target_semaphore(%run_scoped3A : memref<!tpu.dma_semaphore, #tpu.memory_space<semaphore_mem>>)
      %dma_wait3A_86 = arith.constant 0 : i32
      %dma_wait3A_87 = tpu.memref_slice %arg6[%arg0, %mul3A_80, %dma_wait3A_86] : memref<2x10112x128xf32, #tpu.memory_space<hbm>> -> memref<1x632x128xf32, #tpu.memory_space<hbm>>
      %dma_wait3A_88 = tpu.memref_squeeze %dma_wait3A_87 : memref<1x632x128xf32, #tpu.memory_space<hbm>> -> memref<632x128xf32, #tpu.memory_space<hbm>>
      %dma_wait3A_89 = arith.constant 0 : i32
      %dma_wait3A_90 = tpu.memref_slice %arg12[%mul3A_78, %dma_wait3A_89] : memref<10112x128xf32, #tpu.memory_space<vmem_shared>> -> memref<632x128xf32, #tpu.memory_space<vmem_shared>>
      tpu.wait_dma2 semaphore(%run_scoped3A : memref<!tpu.dma_semaphore, #tpu.memory_space<semaphore_mem>>) src(%dma_wait3A_90 : memref<632x128xf32, #tpu.memory_space<vmem_shared>>) dst(%dma_wait3A_88 : memref<632x128xf32, #tpu.memory_space<hbm>>)
      tpu.yield
    }) : () -> ()
    return
  }
}

#map = affine_map<(d0, d1) -> (0, 0)>
#map1 = affine_map<(d0, d1) -> (0, 0, 0)>
module attributes {stable_mosaic.version = 14 : i64} {
  func.func @_sc_scatter_rows(%arg0: i32, %arg1: i32, %arg2: memref<10000x128xf32, #tpu.memory_space<hbm>>, %arg3: memref<32x80x128xi32, #tpu.memory_space<hbm>>, %arg4: memref<32x80x128xi32, #tpu.memory_space<hbm>>, %arg5: memref<632x128xf32, #tpu.memory_space<hbm>>, %arg6: memref<2x10112x128xf32, #tpu.memory_space<hbm>>, %arg7: memref<80x128xi32, #tpu.memory_space<vmem>>, %arg8: memref<128xi32, #tpu.memory_space<vmem>>, %arg9: memref<128xi32, #tpu.memory_space<vmem>>, %arg10: memref<128x128xf32, #tpu.memory_space<vmem>>, %arg11: memref<128x128xf32, #tpu.memory_space<vmem>>, %arg12: memref<10112x128xf32, #tpu.memory_space<vmem_shared>>, %arg13: memref<!tpu.dma_semaphore, #tpu.memory_space<semaphore_mem>>, %arg14: memref<!tpu.dma_semaphore, #tpu.memory_space<semaphore_mem>>, %arg15: memref<!tpu.dma_semaphore, #tpu.memory_space<semaphore_mem>>, %arg16: memref<!tpu.dma_semaphore, #tpu.memory_space<semaphore_mem>>, %arg17: memref<!tpu.dma_semaphore, #tpu.memory_space<semaphore_mem>>, %arg18: memref<!tpu.dma_semaphore, #tpu.memory_space<semaphore_mem>>) attributes {dimension_semantics = [#tpu.dimension_semantics<core_parallel>, #tpu.dimension_semantics<subcore_parallel>], iteration_bounds = array<i64: 2, 16>, scalar_prefetch = 0 : i64, scratch_operands = 12 : i64, tpu.core_type = #tpu.core_type<sc_vector_subcore>, window_params = [{transform_indices = #map}, {transform_indices = #map1}, {transform_indices = #map1}, {transform_indices = #map}, {transform_indices = #map1}]} {
    %mul3A = arith.constant 16 : i32
    %mul3A_0 = arith.muli %arg0, %mul3A : i32
    %add3A = arith.addi %mul3A_0, %arg1 : i32
    %mul3A_1 = arith.constant 632 : i32
    %mul3A_2 = arith.muli %arg1, %mul3A_1 : i32
    "tpu.region"() ({
      %run_scoped3A = tpu.sem_alloc : memref<!tpu.dma_semaphore, #tpu.memory_space<semaphore_mem>>
      %dma_start3A_81 = arith.constant 0 : i32
      %dma_start3A_82 = tpu.memref_slice %arg12[%mul3A_2, %dma_start3A_81] : memref<10112x128xf32, #tpu.memory_space<vmem_shared>> -> memref<632x128xf32, #tpu.memory_space<vmem_shared>>
      tpu.enqueue_dma source(%arg5 : memref<632x128xf32, #tpu.memory_space<hbm>>) target(%dma_start3A_82 : memref<632x128xf32, #tpu.memory_space<vmem_shared>>) target_semaphore(%run_scoped3A : memref<!tpu.dma_semaphore, #tpu.memory_space<semaphore_mem>>)
      %dma_wait3A_83 = arith.constant 0 : i32
      %dma_wait3A_84 = tpu.memref_slice %arg12[%mul3A_2, %dma_wait3A_83] : memref<10112x128xf32, #tpu.memory_space<vmem_shared>> -> memref<632x128xf32, #tpu.memory_space<vmem_shared>>
      tpu.wait_dma2 semaphore(%run_scoped3A : memref<!tpu.dma_semaphore, #tpu.memory_space<semaphore_mem>>) src(%arg5 : memref<632x128xf32, #tpu.memory_space<hbm>>) dst(%dma_wait3A_84 : memref<632x128xf32, #tpu.memory_space<vmem_shared>>)
      tpu.yield
    }) : () -> ()
    "tpu.region"() ({
      %run_scoped3A = tpu.sem_alloc : memref<!tpu.dma_semaphore, #tpu.memory_space<semaphore_mem>>
      %dma_start3A_81 = arith.constant 0 : i32
      %dma_start3A_82 = arith.constant 0 : i32
      %dma_start3A_83 = tpu.memref_slice %arg3[%add3A, %dma_start3A_81, %dma_start3A_82] : memref<32x80x128xi32, #tpu.memory_space<hbm>> -> memref<1x80x128xi32, #tpu.memory_space<hbm>>
      %dma_start3A_84 = tpu.memref_squeeze %dma_start3A_83 : memref<1x80x128xi32, #tpu.memory_space<hbm>> -> memref<80x128xi32, #tpu.memory_space<hbm>>
      %dma_start3A_85 = arith.constant 0 : i32
      %dma_start3A_86 = arith.constant 0 : i32
      %dma_start3A_87 = tpu.memref_slice %arg3[%add3A, %dma_start3A_85, %dma_start3A_86] : memref<32x80x128xi32, #tpu.memory_space<hbm>> -> memref<1x80x128xi32, #tpu.memory_space<hbm>>
      %dma_start3A_88 = tpu.memref_squeeze %dma_start3A_87 : memref<1x80x128xi32, #tpu.memory_space<hbm>> -> memref<80x128xi32, #tpu.memory_space<hbm>>
      tpu.enqueue_dma source(%dma_start3A_88 : memref<80x128xi32, #tpu.memory_space<hbm>>) target(%arg7 : memref<80x128xi32, #tpu.memory_space<vmem>>) target_semaphore(%run_scoped3A : memref<!tpu.dma_semaphore, #tpu.memory_space<semaphore_mem>>)
      %dma_wait3A_89 = arith.constant 0 : i32
      %dma_wait3A_90 = arith.constant 0 : i32
      %dma_wait3A_91 = tpu.memref_slice %arg3[%add3A, %dma_wait3A_89, %dma_wait3A_90] : memref<32x80x128xi32, #tpu.memory_space<hbm>> -> memref<1x80x128xi32, #tpu.memory_space<hbm>>
      %dma_wait3A_92 = tpu.memref_squeeze %dma_wait3A_91 : memref<1x80x128xi32, #tpu.memory_space<hbm>> -> memref<80x128xi32, #tpu.memory_space<hbm>>
      %dma_wait3A_93 = arith.constant 0 : i32
      %dma_wait3A_94 = arith.constant 0 : i32
      %dma_wait3A_95 = tpu.memref_slice %arg3[%add3A, %dma_wait3A_93, %dma_wait3A_94] : memref<32x80x128xi32, #tpu.memory_space<hbm>> -> memref<1x80x128xi32, #tpu.memory_space<hbm>>
      %dma_wait3A_96 = tpu.memref_squeeze %dma_wait3A_95 : memref<1x80x128xi32, #tpu.memory_space<hbm>> -> memref<80x128xi32, #tpu.memory_space<hbm>>
      tpu.wait_dma2 semaphore(%run_scoped3A : memref<!tpu.dma_semaphore, #tpu.memory_space<semaphore_mem>>) src(%dma_wait3A_96 : memref<80x128xi32, #tpu.memory_space<hbm>>) dst(%arg7 : memref<80x128xi32, #tpu.memory_space<vmem>>)
      tpu.yield
    }) : () -> ()
    %barrier3A = arith.constant 0 : index
    tpu.barrier barrier_id(%barrier3A)
    %dma_start3A = arith.constant 0 : i32
    %dma_start3A_3 = arith.constant 0 : i32
    %dma_start3A_4 = tpu.memref_slice %arg4[%add3A, %dma_start3A, %dma_start3A_3] : memref<32x80x128xi32, #tpu.memory_space<hbm>> -> memref<1x1x128xi32, #tpu.memory_space<hbm>>
    %dma_start3A_5 = tpu.memref_squeeze %dma_start3A_4 : memref<1x1x128xi32, #tpu.memory_space<hbm>> -> memref<128xi32, #tpu.memory_space<hbm>>
    %dma_start3A_6 = arith.constant 0 : i32
    %dma_start3A_7 = tpu.memref_slice %arg4[%add3A, %dma_start3A, %dma_start3A_6] : memref<32x80x128xi32, #tpu.memory_space<hbm>> -> memref<1x1x128xi32, #tpu.memory_space<hbm>>
    %dma_start3A_8 = tpu.memref_squeeze %dma_start3A_7 : memref<1x1x128xi32, #tpu.memory_space<hbm>> -> memref<128xi32, #tpu.memory_space<hbm>>
    tpu.enqueue_dma source(%dma_start3A_8 : memref<128xi32, #tpu.memory_space<hbm>>) target(%arg8 : memref<128xi32, #tpu.memory_space<vmem>>) target_semaphore(%arg13 : memref<!tpu.dma_semaphore, #tpu.memory_space<semaphore_mem>>)
    %dma_start3A_9 = arith.constant 0 : i32
    %dma_start3A_10 = arith.constant 0 : i32
    %dma_start3A_11 = tpu.memref_slice %arg7[%dma_start3A_9, %dma_start3A_10] : memref<80x128xi32, #tpu.memory_space<vmem>> -> memref<1x128xi32, #tpu.memory_space<vmem>>
    %dma_start3A_12 = tpu.memref_squeeze %dma_start3A_11 : memref<1x128xi32, #tpu.memory_space<vmem>> -> memref<128xi32, #tpu.memory_space<vmem>>
    %dma_start3A_13 = arith.constant 0 : i32
    %dma_start3A_14 = arith.constant 0 : i32
    %dma_start3A_15 = tpu.memref_slice %arg2[%dma_start3A_13, %dma_start3A_14] : memref<10000x128xf32, #tpu.memory_space<hbm>> -> memref<10000x128xf32, #tpu.memory_space<hbm>>
    tpu.enqueue_indirect_dma source(%dma_start3A_15 : memref<10000x128xf32, #tpu.memory_space<hbm>>) target(%arg10 : memref<128x128xf32, #tpu.memory_space<vmem>>) offsets(%dma_start3A_12 : memref<128xi32, #tpu.memory_space<vmem>>) semaphore(%arg15 : memref<!tpu.dma_semaphore, #tpu.memory_space<semaphore_mem>>)
    %dma_start3A_16 = arith.constant 1 : i32
    %dma_start3A_17 = arith.constant 0 : i32
    %dma_start3A_18 = tpu.memref_slice %arg4[%add3A, %dma_start3A_16, %dma_start3A_17] : memref<32x80x128xi32, #tpu.memory_space<hbm>> -> memref<1x1x128xi32, #tpu.memory_space<hbm>>
    %dma_start3A_19 = tpu.memref_squeeze %dma_start3A_18 : memref<1x1x128xi32, #tpu.memory_space<hbm>> -> memref<128xi32, #tpu.memory_space<hbm>>
    %dma_start3A_20 = arith.constant 0 : i32
    %dma_start3A_21 = tpu.memref_slice %arg4[%add3A, %dma_start3A_16, %dma_start3A_20] : memref<32x80x128xi32, #tpu.memory_space<hbm>> -> memref<1x1x128xi32, #tpu.memory_space<hbm>>
    %dma_start3A_22 = tpu.memref_squeeze %dma_start3A_21 : memref<1x1x128xi32, #tpu.memory_space<hbm>> -> memref<128xi32, #tpu.memory_space<hbm>>
    tpu.enqueue_dma source(%dma_start3A_22 : memref<128xi32, #tpu.memory_space<hbm>>) target(%arg9 : memref<128xi32, #tpu.memory_space<vmem>>) target_semaphore(%arg14 : memref<!tpu.dma_semaphore, #tpu.memory_space<semaphore_mem>>)
    %dma_start3A_23 = arith.constant 1 : i32
    %dma_start3A_24 = arith.constant 0 : i32
    %dma_start3A_25 = tpu.memref_slice %arg7[%dma_start3A_23, %dma_start3A_24] : memref<80x128xi32, #tpu.memory_space<vmem>> -> memref<1x128xi32, #tpu.memory_space<vmem>>
    %dma_start3A_26 = tpu.memref_squeeze %dma_start3A_25 : memref<1x128xi32, #tpu.memory_space<vmem>> -> memref<128xi32, #tpu.memory_space<vmem>>
    %dma_start3A_27 = arith.constant 0 : i32
    %dma_start3A_28 = arith.constant 0 : i32
    %dma_start3A_29 = tpu.memref_slice %arg2[%dma_start3A_27, %dma_start3A_28] : memref<10000x128xf32, #tpu.memory_space<hbm>> -> memref<10000x128xf32, #tpu.memory_space<hbm>>
    tpu.enqueue_indirect_dma source(%dma_start3A_29 : memref<10000x128xf32, #tpu.memory_space<hbm>>) target(%arg11 : memref<128x128xf32, #tpu.memory_space<vmem>>) offsets(%dma_start3A_26 : memref<128xi32, #tpu.memory_space<vmem>>) semaphore(%arg16 : memref<!tpu.dma_semaphore, #tpu.memory_space<semaphore_mem>>)
    %dma_wait3A = arith.constant 0 : i32
    %dma_wait3A_30 = arith.constant 0 : i32
    %dma_wait3A_31 = tpu.memref_slice %arg7[%dma_wait3A, %dma_wait3A_30] : memref<80x128xi32, #tpu.memory_space<vmem>> -> memref<1x128xi32, #tpu.memory_space<vmem>>
    %dma_wait3A_32 = tpu.memref_squeeze %dma_wait3A_31 : memref<1x128xi32, #tpu.memory_space<vmem>> -> memref<128xi32, #tpu.memory_space<vmem>>
    %dma_wait3A_33 = arith.constant 0 : i32
    %dma_wait3A_34 = arith.constant 0 : i32
    %dma_wait3A_35 = tpu.memref_slice %arg2[%dma_wait3A_33, %dma_wait3A_34] : memref<10000x128xf32, #tpu.memory_space<hbm>> -> memref<10000x128xf32, #tpu.memory_space<hbm>>
    tpu.wait_indirect_dma semaphore(%arg15 : memref<!tpu.dma_semaphore, #tpu.memory_space<semaphore_mem>>) src(%dma_wait3A_35 : memref<10000x128xf32, #tpu.memory_space<hbm>>) dst(%arg10 : memref<128x128xf32, #tpu.memory_space<vmem>>)
    %dma_wait3A_36 = arith.constant 0 : i32
    %dma_wait3A_37 = arith.constant 0 : i32
    %dma_wait3A_38 = arith.constant 0 : i32
    %dma_wait3A_39 = tpu.memref_slice %arg4[%dma_wait3A_36, %dma_wait3A_37, %dma_wait3A_38] : memref<32x80x128xi32, #tpu.memory_space<hbm>> -> memref<1x1x128xi32, #tpu.memory_space<hbm>>
    %dma_wait3A_40 = tpu.memref_squeeze %dma_wait3A_39 : memref<1x1x128xi32, #tpu.memory_space<hbm>> -> memref<128xi32, #tpu.memory_space<hbm>>
    %dma_wait3A_41 = arith.constant 0 : i32
    %dma_wait3A_42 = tpu.memref_slice %arg4[%dma_wait3A_36, %dma_wait3A_37, %dma_wait3A_41] : memref<32x80x128xi32, #tpu.memory_space<hbm>> -> memref<1x1x128xi32, #tpu.memory_space<hbm>>
    %dma_wait3A_43 = tpu.memref_squeeze %dma_wait3A_42 : memref<1x1x128xi32, #tpu.memory_space<hbm>> -> memref<128xi32, #tpu.memory_space<hbm>>
    tpu.wait_dma2 semaphore(%arg13 : memref<!tpu.dma_semaphore, #tpu.memory_space<semaphore_mem>>) src(%dma_wait3A_43 : memref<128xi32, #tpu.memory_space<hbm>>) dst(%arg8 : memref<128xi32, #tpu.memory_space<vmem>>)
    %dma_start3A_44 = arith.constant 0 : i32
    %dma_start3A_45 = arith.constant 0 : i32
    %dma_start3A_46 = tpu.memref_slice %arg12[%dma_start3A_44, %dma_start3A_45] : memref<10112x128xf32, #tpu.memory_space<vmem_shared>> -> memref<10112x128xf32, #tpu.memory_space<vmem_shared>>
    tpu.enqueue_indirect_dma source(%arg10 : memref<128x128xf32, #tpu.memory_space<vmem>>) target(%dma_start3A_46 : memref<10112x128xf32, #tpu.memory_space<vmem_shared>>) offsets(%arg8 : memref<128xi32, #tpu.memory_space<vmem>>) semaphore(%arg17 : memref<!tpu.dma_semaphore, #tpu.memory_space<semaphore_mem>>) {add = true}
    %dma_wait3A_47 = arith.constant 0 : i32
    %dma_wait3A_48 = arith.constant 0 : i32
    %dma_wait3A_49 = tpu.memref_slice %arg7[%dma_wait3A_47, %dma_wait3A_48] : memref<80x128xi32, #tpu.memory_space<vmem>> -> memref<1x128xi32, #tpu.memory_space<vmem>>
    %dma_wait3A_50 = tpu.memref_squeeze %dma_wait3A_49 : memref<1x128xi32, #tpu.memory_space<vmem>> -> memref<128xi32, #tpu.memory_space<vmem>>
    %dma_wait3A_51 = arith.constant 0 : i32
    %dma_wait3A_52 = arith.constant 0 : i32
    %dma_wait3A_53 = tpu.memref_slice %arg2[%dma_wait3A_51, %dma_wait3A_52] : memref<10000x128xf32, #tpu.memory_space<hbm>> -> memref<10000x128xf32, #tpu.memory_space<hbm>>
    tpu.wait_indirect_dma semaphore(%arg16 : memref<!tpu.dma_semaphore, #tpu.memory_space<semaphore_mem>>) src(%dma_wait3A_53 : memref<10000x128xf32, #tpu.memory_space<hbm>>) dst(%arg11 : memref<128x128xf32, #tpu.memory_space<vmem>>)
    %dma_wait3A_54 = arith.constant 0 : i32
    %dma_wait3A_55 = arith.constant 0 : i32
    %dma_wait3A_56 = arith.constant 0 : i32
    %dma_wait3A_57 = tpu.memref_slice %arg4[%dma_wait3A_54, %dma_wait3A_55, %dma_wait3A_56] : memref<32x80x128xi32, #tpu.memory_space<hbm>> -> memref<1x1x128xi32, #tpu.memory_space<hbm>>
    %dma_wait3A_58 = tpu.memref_squeeze %dma_wait3A_57 : memref<1x1x128xi32, #tpu.memory_space<hbm>> -> memref<128xi32, #tpu.memory_space<hbm>>
    %dma_wait3A_59 = arith.constant 0 : i32
    %dma_wait3A_60 = tpu.memref_slice %arg4[%dma_wait3A_54, %dma_wait3A_55, %dma_wait3A_59] : memref<32x80x128xi32, #tpu.memory_space<hbm>> -> memref<1x1x128xi32, #tpu.memory_space<hbm>>
    %dma_wait3A_61 = tpu.memref_squeeze %dma_wait3A_60 : memref<1x1x128xi32, #tpu.memory_space<hbm>> -> memref<128xi32, #tpu.memory_space<hbm>>
    tpu.wait_dma2 semaphore(%arg14 : memref<!tpu.dma_semaphore, #tpu.memory_space<semaphore_mem>>) src(%dma_wait3A_61 : memref<128xi32, #tpu.memory_space<hbm>>) dst(%arg9 : memref<128xi32, #tpu.memory_space<vmem>>)
    %dma_start3A_62 = arith.constant 0 : i32
    %dma_start3A_63 = arith.constant 0 : i32
    %dma_start3A_64 = tpu.memref_slice %arg12[%dma_start3A_62, %dma_start3A_63] : memref<10112x128xf32, #tpu.memory_space<vmem_shared>> -> memref<10112x128xf32, #tpu.memory_space<vmem_shared>>
    tpu.enqueue_indirect_dma source(%arg11 : memref<128x128xf32, #tpu.memory_space<vmem>>) target(%dma_start3A_64 : memref<10112x128xf32, #tpu.memory_space<vmem_shared>>) offsets(%arg9 : memref<128xi32, #tpu.memory_space<vmem>>) semaphore(%arg18 : memref<!tpu.dma_semaphore, #tpu.memory_space<semaphore_mem>>) {add = true}
    %scan3A = arith.constant 0 : i32
    %scan3A_65 = arith.constant 1 : i32
    %scan3A_66 = arith.constant 39 : i32
    %scan3A_67 = arith.addi %scan3A_65, %scan3A_66 : i32
    %scan3A_68 = arith.constant 1 : i32
    scf.for %scan3A_81 = %scan3A_65 to %scan3A_67 step %scan3A_68  : i32 {
      %mul3A_82 = arith.constant 2 : i32
      %mul3A_83 = arith.muli %mul3A_82, %scan3A_81 : i32
      %add3A_84 = arith.constant 0 : i32
      %add3A_85 = arith.addi %mul3A_83, %add3A_84 : i32
      %dma_wait3A_86 = arith.constant 0 : i32
      %dma_wait3A_87 = arith.constant 0 : i32
      %dma_wait3A_88 = tpu.memref_slice %arg12[%dma_wait3A_86, %dma_wait3A_87] : memref<10112x128xf32, #tpu.memory_space<vmem_shared>> -> memref<10112x128xf32, #tpu.memory_space<vmem_shared>>
      tpu.wait_indirect_dma semaphore(%arg17 : memref<!tpu.dma_semaphore, #tpu.memory_space<semaphore_mem>>) src(%arg10 : memref<128x128xf32, #tpu.memory_space<vmem>>) dst(%dma_wait3A_88 : memref<10112x128xf32, #tpu.memory_space<vmem_shared>>)
      %dma_start3A_89 = arith.constant 0 : i32
      %dma_start3A_90 = tpu.memref_slice %arg4[%add3A, %add3A_85, %dma_start3A_89] : memref<32x80x128xi32, #tpu.memory_space<hbm>> -> memref<1x1x128xi32, #tpu.memory_space<hbm>>
      %dma_start3A_91 = tpu.memref_squeeze %dma_start3A_90 : memref<1x1x128xi32, #tpu.memory_space<hbm>> -> memref<128xi32, #tpu.memory_space<hbm>>
      %dma_start3A_92 = arith.constant 0 : i32
      %dma_start3A_93 = tpu.memref_slice %arg4[%add3A, %add3A_85, %dma_start3A_92] : memref<32x80x128xi32, #tpu.memory_space<hbm>> -> memref<1x1x128xi32, #tpu.memory_space<hbm>>
      %dma_start3A_94 = tpu.memref_squeeze %dma_start3A_93 : memref<1x1x128xi32, #tpu.memory_space<hbm>> -> memref<128xi32, #tpu.memory_space<hbm>>
      tpu.enqueue_dma source(%dma_start3A_94 : memref<128xi32, #tpu.memory_space<hbm>>) target(%arg8 : memref<128xi32, #tpu.memory_space<vmem>>) target_semaphore(%arg13 : memref<!tpu.dma_semaphore, #tpu.memory_space<semaphore_mem>>)
      %dma_start3A_95 = arith.constant 0 : i32
      %dma_start3A_96 = tpu.memref_slice %arg7[%add3A_85, %dma_start3A_95] : memref<80x128xi32, #tpu.memory_space<vmem>> -> memref<1x128xi32, #tpu.memory_space<vmem>>
      %dma_start3A_97 = tpu.memref_squeeze %dma_start3A_96 : memref<1x128xi32, #tpu.memory_space<vmem>> -> memref<128xi32, #tpu.memory_space<vmem>>
      %dma_start3A_98 = arith.constant 0 : i32
      %dma_start3A_99 = arith.constant 0 : i32
      %dma_start3A_100 = tpu.memref_slice %arg2[%dma_start3A_98, %dma_start3A_99] : memref<10000x128xf32, #tpu.memory_space<hbm>> -> memref<10000x128xf32, #tpu.memory_space<hbm>>
      tpu.enqueue_indirect_dma source(%dma_start3A_100 : memref<10000x128xf32, #tpu.memory_space<hbm>>) target(%arg10 : memref<128x128xf32, #tpu.memory_space<vmem>>) offsets(%dma_start3A_97 : memref<128xi32, #tpu.memory_space<vmem>>) semaphore(%arg15 : memref<!tpu.dma_semaphore, #tpu.memory_space<semaphore_mem>>)
      %dma_wait3A_101 = arith.constant 0 : i32
      %dma_wait3A_102 = arith.constant 0 : i32
      %dma_wait3A_103 = tpu.memref_slice %arg7[%dma_wait3A_101, %dma_wait3A_102] : memref<80x128xi32, #tpu.memory_space<vmem>> -> memref<1x128xi32, #tpu.memory_space<vmem>>
      %dma_wait3A_104 = tpu.memref_squeeze %dma_wait3A_103 : memref<1x128xi32, #tpu.memory_space<vmem>> -> memref<128xi32, #tpu.memory_space<vmem>>
      %dma_wait3A_105 = arith.constant 0 : i32
      %dma_wait3A_106 = arith.constant 0 : i32
      %dma_wait3A_107 = tpu.memref_slice %arg2[%dma_wait3A_105, %dma_wait3A_106] : memref<10000x128xf32, #tpu.memory_space<hbm>> -> memref<10000x128xf32, #tpu.memory_space<hbm>>
      tpu.wait_indirect_dma semaphore(%arg15 : memref<!tpu.dma_semaphore, #tpu.memory_space<semaphore_mem>>) src(%dma_wait3A_107 : memref<10000x128xf32, #tpu.memory_space<hbm>>) dst(%arg10 : memref<128x128xf32, #tpu.memory_space<vmem>>)
      %dma_wait3A_108 = arith.constant 0 : i32
      %dma_wait3A_109 = arith.constant 0 : i32
      %dma_wait3A_110 = arith.constant 0 : i32
      %dma_wait3A_111 = tpu.memref_slice %arg4[%dma_wait3A_108, %dma_wait3A_109, %dma_wait3A_110] : memref<32x80x128xi32, #tpu.memory_space<hbm>> -> memref<1x1x128xi32, #tpu.memory_space<hbm>>
      %dma_wait3A_112 = tpu.memref_squeeze %dma_wait3A_111 : memref<1x1x128xi32, #tpu.memory_space<hbm>> -> memref<128xi32, #tpu.memory_space<hbm>>
      %dma_wait3A_113 = arith.constant 0 : i32
      %dma_wait3A_114 = tpu.memref_slice %arg4[%dma_wait3A_108, %dma_wait3A_109, %dma_wait3A_113] : memref<32x80x128xi32, #tpu.memory_space<hbm>> -> memref<1x1x128xi32, #tpu.memory_space<hbm>>
      %dma_wait3A_115 = tpu.memref_squeeze %dma_wait3A_114 : memref<1x1x128xi32, #tpu.memory_space<hbm>> -> memref<128xi32, #tpu.memory_space<hbm>>
      tpu.wait_dma2 semaphore(%arg13 : memref<!tpu.dma_semaphore, #tpu.memory_space<semaphore_mem>>) src(%dma_wait3A_115 : memref<128xi32, #tpu.memory_space<hbm>>) dst(%arg8 : memref<128xi32, #tpu.memory_space<vmem>>)
      %dma_start3A_116 = arith.constant 0 : i32
      %dma_start3A_117 = arith.constant 0 : i32
      %dma_start3A_118 = tpu.memref_slice %arg12[%dma_start3A_116, %dma_start3A_117] : memref<10112x128xf32, #tpu.memory_space<vmem_shared>> -> memref<10112x128xf32, #tpu.memory_space<vmem_shared>>
      tpu.enqueue_indirect_dma source(%arg10 : memref<128x128xf32, #tpu.memory_space<vmem>>) target(%dma_start3A_118 : memref<10112x128xf32, #tpu.memory_space<vmem_shared>>) offsets(%arg8 : memref<128xi32, #tpu.memory_space<vmem>>) semaphore(%arg17 : memref<!tpu.dma_semaphore, #tpu.memory_space<semaphore_mem>>) {add = true}
      %mul3A_119 = arith.constant 2 : i32
      %mul3A_120 = arith.muli %mul3A_119, %scan3A_81 : i32
      %add3A_121 = arith.constant 1 : i32
      %add3A_122 = arith.addi %mul3A_120, %add3A_121 : i32
      %dma_wait3A_123 = arith.constant 0 : i32
      %dma_wait3A_124 = arith.constant 0 : i32
      %dma_wait3A_125 = tpu.memref_slice %arg12[%dma_wait3A_123, %dma_wait3A_124] : memref<10112x128xf32, #tpu.memory_space<vmem_shared>> -> memref<10112x128xf32, #tpu.memory_space<vmem_shared>>
      tpu.wait_indirect_dma semaphore(%arg18 : memref<!tpu.dma_semaphore, #tpu.memory_space<semaphore_mem>>) src(%arg11 : memref<128x128xf32, #tpu.memory_space<vmem>>) dst(%dma_wait3A_125 : memref<10112x128xf32, #tpu.memory_space<vmem_shared>>)
      %dma_start3A_126 = arith.constant 0 : i32
      %dma_start3A_127 = tpu.memref_slice %arg4[%add3A, %add3A_122, %dma_start3A_126] : memref<32x80x128xi32, #tpu.memory_space<hbm>> -> memref<1x1x128xi32, #tpu.memory_space<hbm>>
      %dma_start3A_128 = tpu.memref_squeeze %dma_start3A_127 : memref<1x1x128xi32, #tpu.memory_space<hbm>> -> memref<128xi32, #tpu.memory_space<hbm>>
      %dma_start3A_129 = arith.constant 0 : i32
      %dma_start3A_130 = tpu.memref_slice %arg4[%add3A, %add3A_122, %dma_start3A_129] : memref<32x80x128xi32, #tpu.memory_space<hbm>> -> memref<1x1x128xi32, #tpu.memory_space<hbm>>
      %dma_start3A_131 = tpu.memref_squeeze %dma_start3A_130 : memref<1x1x128xi32, #tpu.memory_space<hbm>> -> memref<128xi32, #tpu.memory_space<hbm>>
      tpu.enqueue_dma source(%dma_start3A_131 : memref<128xi32, #tpu.memory_space<hbm>>) target(%arg9 : memref<128xi32, #tpu.memory_space<vmem>>) target_semaphore(%arg14 : memref<!tpu.dma_semaphore, #tpu.memory_space<semaphore_mem>>)
      %dma_start3A_132 = arith.constant 0 : i32
      %dma_start3A_133 = tpu.memref_slice %arg7[%add3A_122, %dma_start3A_132] : memref<80x128xi32, #tpu.memory_space<vmem>> -> memref<1x128xi32, #tpu.memory_space<vmem>>
      %dma_start3A_134 = tpu.memref_squeeze %dma_start3A_133 : memref<1x128xi32, #tpu.memory_space<vmem>> -> memref<128xi32, #tpu.memory_space<vmem>>
      %dma_start3A_135 = arith.constant 0 : i32
      %dma_start3A_136 = arith.constant 0 : i32
      %dma_start3A_137 = tpu.memref_slice %arg2[%dma_start3A_135, %dma_start3A_136] : memref<10000x128xf32, #tpu.memory_space<hbm>> -> memref<10000x128xf32, #tpu.memory_space<hbm>>
      tpu.enqueue_indirect_dma source(%dma_start3A_137 : memref<10000x128xf32, #tpu.memory_space<hbm>>) target(%arg11 : memref<128x128xf32, #tpu.memory_space<vmem>>) offsets(%dma_start3A_134 : memref<128xi32, #tpu.memory_space<vmem>>) semaphore(%arg16 : memref<!tpu.dma_semaphore, #tpu.memory_space<semaphore_mem>>)
      %dma_wait3A_138 = arith.constant 0 : i32
      %dma_wait3A_139 = arith.constant 0 : i32
      %dma_wait3A_140 = tpu.memref_slice %arg7[%dma_wait3A_138, %dma_wait3A_139] : memref<80x128xi32, #tpu.memory_space<vmem>> -> memref<1x128xi32, #tpu.memory_space<vmem>>
      %dma_wait3A_141 = tpu.memref_squeeze %dma_wait3A_140 : memref<1x128xi32, #tpu.memory_space<vmem>> -> memref<128xi32, #tpu.memory_space<vmem>>
      %dma_wait3A_142 = arith.constant 0 : i32
      %dma_wait3A_143 = arith.constant 0 : i32
      %dma_wait3A_144 = tpu.memref_slice %arg2[%dma_wait3A_142, %dma_wait3A_143] : memref<10000x128xf32, #tpu.memory_space<hbm>> -> memref<10000x128xf32, #tpu.memory_space<hbm>>
      tpu.wait_indirect_dma semaphore(%arg16 : memref<!tpu.dma_semaphore, #tpu.memory_space<semaphore_mem>>) src(%dma_wait3A_144 : memref<10000x128xf32, #tpu.memory_space<hbm>>) dst(%arg11 : memref<128x128xf32, #tpu.memory_space<vmem>>)
      %dma_wait3A_145 = arith.constant 0 : i32
      %dma_wait3A_146 = arith.constant 0 : i32
      %dma_wait3A_147 = arith.constant 0 : i32
      %dma_wait3A_148 = tpu.memref_slice %arg4[%dma_wait3A_145, %dma_wait3A_146, %dma_wait3A_147] : memref<32x80x128xi32, #tpu.memory_space<hbm>> -> memref<1x1x128xi32, #tpu.memory_space<hbm>>
      %dma_wait3A_149 = tpu.memref_squeeze %dma_wait3A_148 : memref<1x1x128xi32, #tpu.memory_space<hbm>> -> memref<128xi32, #tpu.memory_space<hbm>>
      %dma_wait3A_150 = arith.constant 0 : i32
      %dma_wait3A_151 = tpu.memref_slice %arg4[%dma_wait3A_145, %dma_wait3A_146, %dma_wait3A_150] : memref<32x80x128xi32, #tpu.memory_space<hbm>> -> memref<1x1x128xi32, #tpu.memory_space<hbm>>
      %dma_wait3A_152 = tpu.memref_squeeze %dma_wait3A_151 : memref<1x1x128xi32, #tpu.memory_space<hbm>> -> memref<128xi32, #tpu.memory_space<hbm>>
      tpu.wait_dma2 semaphore(%arg14 : memref<!tpu.dma_semaphore, #tpu.memory_space<semaphore_mem>>) src(%dma_wait3A_152 : memref<128xi32, #tpu.memory_space<hbm>>) dst(%arg9 : memref<128xi32, #tpu.memory_space<vmem>>)
      %dma_start3A_153 = arith.constant 0 : i32
      %dma_start3A_154 = arith.constant 0 : i32
      %dma_start3A_155 = tpu.memref_slice %arg12[%dma_start3A_153, %dma_start3A_154] : memref<10112x128xf32, #tpu.memory_space<vmem_shared>> -> memref<10112x128xf32, #tpu.memory_space<vmem_shared>>
      tpu.enqueue_indirect_dma source(%arg11 : memref<128x128xf32, #tpu.memory_space<vmem>>) target(%dma_start3A_155 : memref<10112x128xf32, #tpu.memory_space<vmem_shared>>) offsets(%arg9 : memref<128xi32, #tpu.memory_space<vmem>>) semaphore(%arg18 : memref<!tpu.dma_semaphore, #tpu.memory_space<semaphore_mem>>) {add = true}
    }
    %scan3A_69 = arith.constant 39 : i32
    %dma_wait3A_70 = arith.constant 0 : i32
    %dma_wait3A_71 = arith.constant 0 : i32
    %dma_wait3A_72 = tpu.memref_slice %arg12[%dma_wait3A_70, %dma_wait3A_71] : memref<10112x128xf32, #tpu.memory_space<vmem_shared>> -> memref<10112x128xf32, #tpu.memory_space<vmem_shared>>
    tpu.wait_indirect_dma semaphore(%arg17 : memref<!tpu.dma_semaphore, #tpu.memory_space<semaphore_mem>>) src(%arg10 : memref<128x128xf32, #tpu.memory_space<vmem>>) dst(%dma_wait3A_72 : memref<10112x128xf32, #tpu.memory_space<vmem_shared>>)
    %dma_wait3A_73 = arith.constant 0 : i32
    %dma_wait3A_74 = arith.constant 0 : i32
    %dma_wait3A_75 = tpu.memref_slice %arg12[%dma_wait3A_73, %dma_wait3A_74] : memref<10112x128xf32, #tpu.memory_space<vmem_shared>> -> memref<10112x128xf32, #tpu.memory_space<vmem_shared>>
    tpu.wait_indirect_dma semaphore(%arg18 : memref<!tpu.dma_semaphore, #tpu.memory_space<semaphore_mem>>) src(%arg11 : memref<128x128xf32, #tpu.memory_space<vmem>>) dst(%dma_wait3A_75 : memref<10112x128xf32, #tpu.memory_space<vmem_shared>>)
    %barrier3A_76 = arith.constant 0 : index
    tpu.barrier barrier_id(%barrier3A_76)
    %mul3A_77 = arith.constant 632 : i32
    %mul3A_78 = arith.muli %arg1, %mul3A_77 : i32
    %mul3A_79 = arith.constant 632 : i32
    %mul3A_80 = arith.muli %arg1, %mul3A_79 : i32
    "tpu.region"() ({
      %run_scoped3A = tpu.sem_alloc : memref<!tpu.dma_semaphore, #tpu.memory_space<semaphore_mem>>
      %dma_start3A_81 = arith.constant 0 : i32
      %dma_start3A_82 = tpu.memref_slice %arg6[%arg0, %mul3A_80, %dma_start3A_81] : memref<2x10112x128xf32, #tpu.memory_space<hbm>> -> memref<1x632x128xf32, #tpu.memory_space<hbm>>
      %dma_start3A_83 = tpu.memref_squeeze %dma_start3A_82 : memref<1x632x128xf32, #tpu.memory_space<hbm>> -> memref<632x128xf32, #tpu.memory_space<hbm>>
      %dma_start3A_84 = arith.constant 0 : i32
      %dma_start3A_85 = tpu.memref_slice %arg12[%mul3A_78, %dma_start3A_84] : memref<10112x128xf32, #tpu.memory_space<vmem_shared>> -> memref<632x128xf32, #tpu.memory_space<vmem_shared>>
      tpu.enqueue_dma source(%dma_start3A_85 : memref<632x128xf32, #tpu.memory_space<vmem_shared>>) target(%dma_start3A_83 : memref<632x128xf32, #tpu.memory_space<hbm>>) target_semaphore(%run_scoped3A : memref<!tpu.dma_semaphore, #tpu.memory_space<semaphore_mem>>)
      %dma_wait3A_86 = arith.constant 0 : i32
      %dma_wait3A_87 = tpu.memref_slice %arg6[%arg0, %mul3A_80, %dma_wait3A_86] : memref<2x10112x128xf32, #tpu.memory_space<hbm>> -> memref<1x632x128xf32, #tpu.memory_space<hbm>>
      %dma_wait3A_88 = tpu.memref_squeeze %dma_wait3A_87 : memref<1x632x128xf32, #tpu.memory_space<hbm>> -> memref<632x128xf32, #tpu.memory_space<hbm>>
      %dma_wait3A_89 = arith.constant 0 : i32
      %dma_wait3A_90 = tpu.memref_slice %arg12[%mul3A_78, %dma_wait3A_89] : memref<10112x128xf32, #tpu.memory_space<vmem_shared>> -> memref<632x128xf32, #tpu.memory_space<vmem_shared>>
      tpu.wait_dma2 semaphore(%run_scoped3A : memref<!tpu.dma_semaphore, #tpu.memory_space<semaphore_mem>>) src(%dma_wait3A_90 : memref<632x128xf32, #tpu.memory_space<vmem_shared>>) dst(%dma_wait3A_88 : memref<632x128xf32, #tpu.memory_space<hbm>>)
      tpu.yield
    }) : () -> ()
    return
  }
}

module attributes {stable_mosaic.version = 14 : i64} {
  func.func @_tc_first_body(%arg0: memref<10000x128xf32, #tpu.memory_space<vmem>>, %arg1: memref<2x10112x128xf32, #tpu.memory_space<vmem>>, %arg2: memref<128x128xf32, #tpu.memory_space<vmem>>, %arg3: memref<10000x128xf32, #tpu.memory_space<vmem>>) attributes {dimension_semantics = [], scalar_prefetch = 0 : i64, scratch_operands = 0 : i64, tpu.core_type = #tpu.core_type<tc>} {
    %get3A = arith.constant 0 : index
    %get3A_0 = arith.constant 0 : index
    %get3A_1 = arith.constant 0 : index
    %get3A_2 = vector.load %arg1[%get3A, %get3A_0, %get3A_1] : memref<2x10112x128xf32, #tpu.memory_space<vmem>>, vector<2x10112x128xf32>
    %slice3A = vector.extract_strided_slice %get3A_2 {offsets = [0, 0, 0], sizes = [1, 10000, 1], strides = [1, 1, 1]} : vector<2x10112x128xf32> to vector<1x10000x1xf32>
    %squeeze3A = vector.shape_cast %slice3A : vector<1x10000x1xf32> to vector<10000xf32>
    %add3A = arith.constant 1.000000e+00 : f32
    %add3A_3 = vector.broadcast %add3A : f32 to vector<10000xf32>
    %add3A_4 = arith.addf %add3A_3, %squeeze3A : vector<10000xf32>
    %slice3A_5 = vector.extract_strided_slice %get3A_2 {offsets = [1, 0, 0], sizes = [1, 10000, 1], strides = [1, 1, 1]} : vector<2x10112x128xf32> to vector<1x10000x1xf32>
    %squeeze3A_6 = vector.shape_cast %slice3A_5 : vector<1x10000x1xf32> to vector<10000xf32>
    %add3A_7 = arith.addf %add3A_4, %squeeze3A_6 : vector<10000xf32>
    %rsqrt3A = math.rsqrt %add3A_7 : vector<10000xf32>
    %get3A_8 = arith.constant 0 : index
    %get3A_9 = arith.constant 0 : index
    %get3A_10 = vector.load %arg0[%get3A_8, %get3A_9] : memref<10000x128xf32, #tpu.memory_space<vmem>>, vector<10000x128xf32>
    %get3A_11 = arith.constant 0 : index
    %get3A_12 = arith.constant 0 : index
    %get3A_13 = vector.load %arg2[%get3A_11, %get3A_12] : memref<128x128xf32, #tpu.memory_space<vmem>>, vector<128x128xf32>
    %dot_general3A = arith.constant dense<0.000000e+00> : vector<10000x128xf32>
    %dot_general3A_14 = tpu.matmul %get3A_10, %get3A_13, %dot_general3A {dimension_numbers = #tpu.dot_dimension_numbers<[1], [0], [0], [1], [0, 0, 1, 1], [], []>, transpose_lhs_hint = false} : vector<10000x128xf32>, vector<128x128xf32>, vector<10000x128xf32> -> vector<10000x128xf32>
    %broadcast_in_dim3A = vector.shape_cast %rsqrt3A : vector<10000xf32> to vector<10000x1xf32>
    %mul3A = vector.broadcast %broadcast_in_dim3A : vector<10000x1xf32> to vector<10000x128xf32>
    %mul3A_15 = arith.mulf %mul3A, %dot_general3A_14 : vector<10000x128xf32>
    %swap3A = arith.constant 0 : index
    %swap3A_16 = arith.constant 0 : index
    %swap3A_17 = vector.load %arg3[%swap3A, %swap3A_16] : memref<10000x128xf32, #tpu.memory_space<vmem>>, vector<10000x128xf32>
    tpu.vector_store %arg3[%swap3A, %swap3A_16], %mul3A_15 {strides = array<i32>} : memref<10000x128xf32, #tpu.memory_space<vmem>>, vector<10000x128xf32>,
    return
  }
}

module attributes {stable_mosaic.version = 14 : i64} {
  func.func @_tc_mid_body(%arg0: memref<2x10112x128xf32, #tpu.memory_space<vmem>>, %arg1: memref<10000x128xf32, #tpu.memory_space<vmem>>, %arg2: memref<2x10112x128xf32, #tpu.memory_space<vmem>>, %arg3: memref<128xf32, #tpu.memory_space<vmem>>, %arg4: memref<128xf32, #tpu.memory_space<vmem>>, %arg5: memref<128xf32, #tpu.memory_space<vmem>>, %arg6: memref<128x128xf32, #tpu.memory_space<vmem>>, %arg7: memref<10000x128xf32, #tpu.memory_space<vmem>>) attributes {dimension_semantics = [], scalar_prefetch = 0 : i64, scratch_operands = 0 : i64, tpu.core_type = #tpu.core_type<tc>} {
    %get3A = arith.constant 0 : index
    %get3A_0 = arith.constant 0 : index
    %get3A_1 = arith.constant 0 : index
    %get3A_2 = vector.load %arg2[%get3A, %get3A_0, %get3A_1] : memref<2x10112x128xf32, #tpu.memory_space<vmem>>, vector<2x10112x128xf32>
    %slice3A = vector.extract_strided_slice %get3A_2 {offsets = [0, 0, 0], sizes = [1, 10000, 1], strides = [1, 1, 1]} : vector<2x10112x128xf32> to vector<1x10000x1xf32>
    %squeeze3A = vector.shape_cast %slice3A : vector<1x10000x1xf32> to vector<10000xf32>
    %add3A = arith.constant 1.000000e+00 : f32
    %add3A_3 = vector.broadcast %add3A : f32 to vector<10000xf32>
    %add3A_4 = arith.addf %add3A_3, %squeeze3A : vector<10000xf32>
    %slice3A_5 = vector.extract_strided_slice %get3A_2 {offsets = [1, 0, 0], sizes = [1, 10000, 1], strides = [1, 1, 1]} : vector<2x10112x128xf32> to vector<1x10000x1xf32>
    %squeeze3A_6 = vector.shape_cast %slice3A_5 : vector<1x10000x1xf32> to vector<10000xf32>
    %add3A_7 = arith.addf %add3A_4, %squeeze3A_6 : vector<10000xf32>
    %rsqrt3A = math.rsqrt %add3A_7 : vector<10000xf32>
    %get3A_8 = arith.constant 0 : index
    %get3A_9 = arith.constant 0 : index
    %get3A_10 = arith.constant 0 : index
    %get3A_11 = vector.load %arg0[%get3A_8, %get3A_9, %get3A_10] : memref<2x10112x128xf32, #tpu.memory_space<vmem>>, vector<1x10000x128xf32>
    %get3A_12 = vector.shape_cast %get3A_11 : vector<1x10000x128xf32> to vector<10000x128xf32>
    %get3A_13 = arith.constant 1 : index
    %get3A_14 = arith.constant 0 : index
    %get3A_15 = arith.constant 0 : index
    %get3A_16 = vector.load %arg0[%get3A_13, %get3A_14, %get3A_15] : memref<2x10112x128xf32, #tpu.memory_space<vmem>>, vector<1x10000x128xf32>
    %get3A_17 = vector.shape_cast %get3A_16 : vector<1x10000x128xf32> to vector<10000x128xf32>
    %add3A_18 = arith.addf %get3A_12, %get3A_17 : vector<10000x128xf32>
    %get3A_19 = arith.constant 0 : index
    %get3A_20 = arith.constant 0 : index
    %get3A_21 = vector.load %arg1[%get3A_19, %get3A_20] : memref<10000x128xf32, #tpu.memory_space<vmem>>, vector<10000x128xf32>
    %add3A_22 = arith.addf %add3A_18, %get3A_21 : vector<10000x128xf32>
    %broadcast_in_dim3A = vector.shape_cast %rsqrt3A : vector<10000xf32> to vector<10000x1xf32>
    %mul3A = vector.broadcast %broadcast_in_dim3A : vector<10000x1xf32> to vector<10000x128xf32>
    %mul3A_23 = arith.mulf %mul3A, %add3A_22 : vector<10000x128xf32>
    %get3A_24 = arith.constant 0 : index
    %get3A_25 = vector.load %arg3[%get3A_24] : memref<128xf32, #tpu.memory_space<vmem>>, vector<128xf32>
    %broadcast_in_dim3A_26 = vector.shape_cast %get3A_25 : vector<128xf32> to vector<1x128xf32>
    %add3A_27 = vector.broadcast %broadcast_in_dim3A_26 : vector<1x128xf32> to vector<10000x128xf32>
    %add3A_28 = arith.addf %mul3A_23, %add3A_27 : vector<10000x128xf32>
    %reduce_sum3A = arith.constant dense<0.000000e+00> : vector<128xf32>
    %reduce_sum3A_29 = vector.multi_reduction <add>, %add3A_28, %reduce_sum3A [0] : vector<10000x128xf32> to vector<128xf32>
    %div3A = arith.constant 1.000000e+04 : f32
    %div3A_30 = vector.broadcast %div3A : f32 to vector<128xf32>
    %div3A_31 = arith.divf %reduce_sum3A_29, %div3A_30 : vector<128xf32>
    %broadcast_in_dim3A_32 = vector.shape_cast %div3A_31 : vector<128xf32> to vector<1x128xf32>
    %sub3A = vector.broadcast %broadcast_in_dim3A_32 : vector<1x128xf32> to vector<10000x128xf32>
    %sub3A_33 = arith.subf %add3A_28, %sub3A : vector<10000x128xf32>
    %integer_pow3A = arith.mulf %sub3A_33, %sub3A_33 : vector<10000x128xf32>
    %reduce_sum3A_34 = arith.constant dense<0.000000e+00> : vector<128xf32>
    %reduce_sum3A_35 = vector.multi_reduction <add>, %integer_pow3A, %reduce_sum3A_34 [0] : vector<10000x128xf32> to vector<128xf32>
    %div3A_36 = arith.constant 1.000000e+04 : f32
    %div3A_37 = vector.broadcast %div3A_36 : f32 to vector<128xf32>
    %div3A_38 = arith.divf %reduce_sum3A_35, %div3A_37 : vector<128xf32>
    %get3A_39 = arith.constant 0 : index
    %get3A_40 = vector.load %arg4[%get3A_39] : memref<128xf32, #tpu.memory_space<vmem>>, vector<128xf32>
    %broadcast_in_dim3A_41 = vector.shape_cast %div3A_31 : vector<128xf32> to vector<1x128xf32>
    %sub3A_42 = vector.broadcast %broadcast_in_dim3A_41 : vector<1x128xf32> to vector<10000x128xf32>
    %sub3A_43 = arith.subf %add3A_28, %sub3A_42 : vector<10000x128xf32>
    %broadcast_in_dim3A_44 = vector.shape_cast %get3A_40 : vector<128xf32> to vector<1x128xf32>
    %mul3A_45 = vector.broadcast %broadcast_in_dim3A_44 : vector<1x128xf32> to vector<10000x128xf32>
    %mul3A_46 = arith.mulf %mul3A_45, %sub3A_43 : vector<10000x128xf32>
    %add3A_47 = arith.constant 9.99999974E-6 : f32
    %add3A_48 = vector.broadcast %add3A_47 : f32 to vector<128xf32>
    %add3A_49 = arith.addf %div3A_38, %add3A_48 : vector<128xf32>
    %sqrt3A = math.sqrt %add3A_49 : vector<128xf32>
    %broadcast_in_dim3A_50 = vector.shape_cast %sqrt3A : vector<128xf32> to vector<1x128xf32>
    %div3A_51 = vector.broadcast %broadcast_in_dim3A_50 : vector<1x128xf32> to vector<10000x128xf32>
    %div3A_52 = arith.divf %mul3A_46, %div3A_51 : vector<10000x128xf32>
    %get3A_53 = arith.constant 0 : index
    %get3A_54 = vector.load %arg5[%get3A_53] : memref<128xf32, #tpu.memory_space<vmem>>, vector<128xf32>
    %broadcast_in_dim3A_55 = vector.shape_cast %get3A_54 : vector<128xf32> to vector<1x128xf32>
    %add3A_56 = vector.broadcast %broadcast_in_dim3A_55 : vector<1x128xf32> to vector<10000x128xf32>
    %add3A_57 = arith.addf %div3A_52, %add3A_56 : vector<10000x128xf32>
    %max3A = arith.constant 0.000000e+00 : f32
    %max3A_58 = vector.broadcast %max3A : f32 to vector<10000x128xf32>
    %max3A_59 = arith.maximumf %add3A_57, %max3A_58 : vector<10000x128xf32>
    %get3A_60 = arith.constant 0 : index
    %get3A_61 = arith.constant 0 : index
    %get3A_62 = vector.load %arg6[%get3A_60, %get3A_61] : memref<128x128xf32, #tpu.memory_space<vmem>>, vector<128x128xf32>
    %dot_general3A = arith.constant dense<0.000000e+00> : vector<10000x128xf32>
    %dot_general3A_63 = tpu.matmul %max3A_59, %get3A_62, %dot_general3A {dimension_numbers = #tpu.dot_dimension_numbers<[1], [0], [0], [1], [0, 0, 1, 1], [], []>, transpose_lhs_hint = false} : vector<10000x128xf32>, vector<128x128xf32>, vector<10000x128xf32> -> vector<10000x128xf32>
    %broadcast_in_dim3A_64 = vector.shape_cast %rsqrt3A : vector<10000xf32> to vector<10000x1xf32>
    %mul3A_65 = vector.broadcast %broadcast_in_dim3A_64 : vector<10000x1xf32> to vector<10000x128xf32>
    %mul3A_66 = arith.mulf %mul3A_65, %dot_general3A_63 : vector<10000x128xf32>
    %swap3A = arith.constant 0 : index
    %swap3A_67 = arith.constant 0 : index
    %swap3A_68 = vector.load %arg7[%swap3A, %swap3A_67] : memref<10000x128xf32, #tpu.memory_space<vmem>>, vector<10000x128xf32>
    tpu.vector_store %arg7[%swap3A, %swap3A_67], %mul3A_66 {strides = array<i32>} : memref<10000x128xf32, #tpu.memory_space<vmem>>, vector<10000x128xf32>,
    return
  }
}

module attributes {stable_mosaic.version = 14 : i64} {
  func.func @_tc_last_body(%arg0: memref<2x10112x128xf32, #tpu.memory_space<vmem>>, %arg1: memref<10000x128xf32, #tpu.memory_space<vmem>>, %arg2: memref<2x10112x128xf32, #tpu.memory_space<vmem>>, %arg3: memref<128xf32, #tpu.memory_space<vmem>>, %arg4: memref<10000x128xf32, #tpu.memory_space<vmem>>) attributes {dimension_semantics = [], scalar_prefetch = 0 : i64, scratch_operands = 0 : i64, tpu.core_type = #tpu.core_type<tc>} {
    %get3A = arith.constant 0 : index
    %get3A_0 = arith.constant 0 : index
    %get3A_1 = arith.constant 0 : index
    %get3A_2 = vector.load %arg2[%get3A, %get3A_0, %get3A_1] : memref<2x10112x128xf32, #tpu.memory_space<vmem>>, vector<2x10112x128xf32>
    %slice3A = vector.extract_strided_slice %get3A_2 {offsets = [0, 0, 0], sizes = [1, 10000, 1], strides = [1, 1, 1]} : vector<2x10112x128xf32> to vector<1x10000x1xf32>
    %squeeze3A = vector.shape_cast %slice3A : vector<1x10000x1xf32> to vector<10000xf32>
    %add3A = arith.constant 1.000000e+00 : f32
    %add3A_3 = vector.broadcast %add3A : f32 to vector<10000xf32>
    %add3A_4 = arith.addf %add3A_3, %squeeze3A : vector<10000xf32>
    %slice3A_5 = vector.extract_strided_slice %get3A_2 {offsets = [1, 0, 0], sizes = [1, 10000, 1], strides = [1, 1, 1]} : vector<2x10112x128xf32> to vector<1x10000x1xf32>
    %squeeze3A_6 = vector.shape_cast %slice3A_5 : vector<1x10000x1xf32> to vector<10000xf32>
    %add3A_7 = arith.addf %add3A_4, %squeeze3A_6 : vector<10000xf32>
    %rsqrt3A = math.rsqrt %add3A_7 : vector<10000xf32>
    %get3A_8 = arith.constant 0 : index
    %get3A_9 = arith.constant 0 : index
    %get3A_10 = arith.constant 0 : index
    %get3A_11 = vector.load %arg0[%get3A_8, %get3A_9, %get3A_10] : memref<2x10112x128xf32, #tpu.memory_space<vmem>>, vector<1x10000x128xf32>
    %get3A_12 = vector.shape_cast %get3A_11 : vector<1x10000x128xf32> to vector<10000x128xf32>
    %get3A_13 = arith.constant 1 : index
    %get3A_14 = arith.constant 0 : index
    %get3A_15 = arith.constant 0 : index
    %get3A_16 = vector.load %arg0[%get3A_13, %get3A_14, %get3A_15] : memref<2x10112x128xf32, #tpu.memory_space<vmem>>, vector<1x10000x128xf32>
    %get3A_17 = vector.shape_cast %get3A_16 : vector<1x10000x128xf32> to vector<10000x128xf32>
    %add3A_18 = arith.addf %get3A_12, %get3A_17 : vector<10000x128xf32>
    %get3A_19 = arith.constant 0 : index
    %get3A_20 = arith.constant 0 : index
    %get3A_21 = vector.load %arg1[%get3A_19, %get3A_20] : memref<10000x128xf32, #tpu.memory_space<vmem>>, vector<10000x128xf32>
    %add3A_22 = arith.addf %add3A_18, %get3A_21 : vector<10000x128xf32>
    %broadcast_in_dim3A = vector.shape_cast %rsqrt3A : vector<10000xf32> to vector<10000x1xf32>
    %mul3A = vector.broadcast %broadcast_in_dim3A : vector<10000x1xf32> to vector<10000x128xf32>
    %mul3A_23 = arith.mulf %mul3A, %add3A_22 : vector<10000x128xf32>
    %get3A_24 = arith.constant 0 : index
    %get3A_25 = vector.load %arg3[%get3A_24] : memref<128xf32, #tpu.memory_space<vmem>>, vector<128xf32>
    %broadcast_in_dim3A_26 = vector.shape_cast %get3A_25 : vector<128xf32> to vector<1x128xf32>
    %add3A_27 = vector.broadcast %broadcast_in_dim3A_26 : vector<1x128xf32> to vector<10000x128xf32>
    %add3A_28 = arith.addf %mul3A_23, %add3A_27 : vector<10000x128xf32>
    %swap3A = arith.constant 0 : index
    %swap3A_29 = arith.constant 0 : index
    %swap3A_30 = vector.load %arg4[%swap3A, %swap3A_29] : memref<10000x128xf32, #tpu.memory_space<vmem>>, vector<10000x128xf32>
    tpu.vector_store %arg4[%swap3A, %swap3A_29], %add3A_28 {strides = array<i32>} : memref<10000x128xf32, #tpu.memory_space<vmem>>, vector<10000x128xf32>,
    return
  }
}

</mosaic_0001>

<sc_bundles>
// kernel: kernel.12.cloned.1.call-start
scs
__scs_entry_jumppad:
0x0: {  	(pc) =	sbr.rel $0x88, $3  }
0x1: {  	(tag) =	ssettag $0x0;
	lr =	simm.s32 $0x1  }
0x2: {  	[smem:$0x3F91] =	sst lr;
	_ =	strace $0xD0000000  }
0x3: {  	_ = 	snop  }
0x4: {  	_ = 	snop  }
0x5: {  	_ = 	snop  }
0x6: {  	_ = 	snop  }
0x7: {  	_ = 	snop  }
__scs_overlays_trampoline_lowered:
0x8: {  	[smem:$0x3FA0] =	sst s0  }
0x9: {  	[smem:$0x3FA1] =	sst s1  }
0xa: {  	[smem:$0x3FA2] =	sst s2  }
0xb: {  	[smem:$0x3FA3] =	sst s3  }
0xc: {  	[smem:$0x3FA4] =	sst s4  }
0xd: {  	[smem:$0x3FA5] =	sst s5  }
0xe: {  	[smem:$0x3FA6] =	sst s6  }
0xf: {  	[smem:$0x3FA7] =	sst s7  }
0x10: {  	[smem:$0x3FA8] =	sst s8  }
0x11: {  	[smem:$0x3FA9] =	sst s9;
	s0 =	simm.s32 @!p0 $0x0  }
0x12: {  	s1 =	sld [smem:$0x3F8F];
	s0 =	simm.s32 @p0 $0x1  }
0x13: {  	[smem:$0x3FAA] =	sst s0;
	s0 =	simm.s32 @!p1 $0x0  }
0x14: {  	s2 =	sld [smem:$0x3F8E];
	s0 =	simm.s32 @p1 $0x1  }
0x15: {  	[smem:$0x3FAB] =	sst s0;
	s0 =	simm.s32 @!p2 $0x0  }
0x16: {  	s3 =	sld [smem:$0x3FDB];
	s0 =	simm.s32 @p2 $0x1  }
0x17: {  	s4 =	simm.s32 $0x1BF5;
	[smem:$0x3FAD] =	sst s0  }
0x18: {  	s0 =	sld [smem:$0x3F90];
	_ =	swait.ge [sflag:s4], $0x0  }
0x19: {  	s7 =	sld [smem:$0x3F91]  }
0x1a: {  	s8 =	sadd.s32 $0xFFFFE003, lr  }
0x1b: {  	s9 =	sadd.s32 $0xFFFFFEF7, lr;
	s5 =	simm.s32 $0xFFFFFFFF;
	p2 =	slt.u32 s8, $0xFFFFF086  }
0x1c: {  	p1 =	slt.u32 s9, $0xF7A;
	s5 =	simm.s32 @!p2 $0x0  }
0x1d: {  	s5 =	simm.s32 @p1 $0x1;
	p0 =	seq.s32 s7, s2  }
0x1e: {  	s7 =	smul.u32 @!p0 $0xF7A, s2;
	p2 =	seq.s32 @!p0 s5, $0x0  }
0x1f: {  	s9 =	smul.u32 $0xF7A, s1;
	s8 =	simm.s32 @!p0 $0x1BF5;
	p2 =	por !p2, p0  }
0x20: {  	[sflag:s8] =	ssyncset.s32 @!p0 $0xFFFFF086;
	s6 =	sadd.s32 @!p0 s3, s7;
	s7 =	simm.s32 @!p0 $0x108  }
0x21: {  	s3 =	sadd.s32 s3, s9;
	s6 =	sadd.s32 @!p0 $0x88, s6;
	s7 =	simm.s32 @p2 $0x1082  }
0x22: {  	[simem:s7], [sflag:s8] =	dma.local @!p0 [hbm:s6], $0xF7A  }
0x23: {  	s9 =	sor.u32 $0xD0000000, s2;
	s6 =	simm.s32 $0x108;
	_ =	swait.ge @!p0 [sflag:s8], $0x0  }
0x24: {  	s3 =	sadd.s32 $0x88, s3;
	s6 =	simm.s32 @!p1 $0x1082;
	[sflag:s4] =	ssyncset.s32 $0xFFFFF086  }
0x25: {  	[simem:s6], [sflag:s4] =	dma.local [hbm:s3], $0xF7A  }
0x26: {  	[smem:$0x3F91] =	sst s1;
	(tag) =	ssettag s2;
	_ =	strace s9  }
0x27: {  	s1 =	sld [smem:$0x3FA1]  }
0x28: {  	s2 =	sld [smem:$0x3FA2]  }
0x29: {  	s4 =	sld [smem:$0x3FA4]  }
0x2a: {  	p0 =	seq.s32 s5, $0x0;
	s5 =	sld [smem:$0x3FA5]  }
0x2b: {  	s6 =	sld [smem:$0x3FA6]  }
0x2c: {  	s7 =	sld [smem:$0x3FA7]  }
0x2d: {  	s3 =	simm.s32 $0x108;
	s8 =	sld [smem:$0x3FA8]  }
0x2e: {  	s3 =	simm.s32 @!p0 $0x1082;
	s9 =	sld [smem:$0x3FA9]  }
0x2f: {  	lr =	sadd.s32 s0, s3;
	s0 =	sld [smem:$0x3FA0]  }
0x30: {  	s3 =	sld [smem:$0x3FA3]  }
0x31: {  	[smem:$0x3FAC] =	sst s10  }
0x32: {  	s10 =	sld [smem:$0x3FAA];
	_ =	sdelay $0x3  }
0x33: {  	p0 =	seq.s32 s10, $0x1;
	s10 =	sld [smem:$0x3FAC];
	_ =	sdelay $0x3  }
0x34: {  	[smem:$0x3FAC] =	sst s10  }
0x35: {  	s10 =	sld [smem:$0x3FAB];
	_ =	sdelay $0x3  }
0x36: {  	p1 =	seq.s32 s10, $0x1;
	s10 =	sld [smem:$0x3FAC];
	_ =	sdelay $0x3  }
0x37: {  	[smem:$0x3FAC] =	sst s10  }
0x38: {  	s10 =	sld [smem:$0x3FAD]  }
0x39: {  	_ = 	snop;
	(pc) =	sbr.ind lr, $3  }
0x3a: {  	_ = 	snop  }
0x3b: {  	_ = 	snop  }
0x3c: {  	p2 =	seq.s32 s10, $0x1;
	s10 =	sld [smem:$0x3FAC]  }
0x3d: {  	_ =	shalt  }
0x3e: {  	_ =	shalt  }
0x3f: {  	_ =	shalt  }
0x40: {  	_ =	shalt  }
0x41: {  	_ =	shalt  }
0x42: {  	_ =	shalt  }
0x43: {  	_ =	shalt  }
0x44: {  	_ =	shalt  }
0x45: {  	_ =	shalt  }
0x46: {  	_ =	shalt  }
0x47: {  	_ =	shalt  }
0x48: {  	_ =	shalt  }
0x49: {  	_ =	shalt  }
0x4a: {  	_ =	shalt  }
0x4b: {  	_ =	shalt  }
0x4c: {  	_ =	shalt  }
0x4d: {  	_ =	shalt  }
0x4e: {  	_ =	shalt  }
0x4f: {  	_ =	shalt  }
0x50: {  	_ =	shalt  }
0x51: {  	_ =	shalt  }
0x52: {  	_ =	shalt  }
0x53: {  	_ =	shalt  }
0x54: {  	_ =	shalt  }
0x55: {  	_ =	shalt  }
0x56: {  	_ =	shalt  }
0x57: {  	_ =	shalt  }
0x58: {  	_ =	shalt  }
0x59: {  	_ =	shalt  }
0x5a: {  	_ =	shalt  }
0x5b: {  	_ =	shalt  }
0x5c: {  	_ =	shalt  }
0x5d: {  	_ =	shalt  }
0x5e: {  	_ =	shalt  }
0x5f: {  	_ =	shalt  }
0x60: {  	_ =	shalt  }
0x61: {  	_ =	shalt  }
0x62: {  	_ =	shalt  }
0x63: {  	_ =	shalt  }
0x64: {  	_ =	shalt  }
0x65: {  	_ =	shalt  }
0x66: {  	_ =	shalt  }
0x67: {  	_ =	shalt  }
0x68: {  	_ =	shalt  }
0x69: {  	_ =	shalt  }
0x6a: {  	_ =	shalt  }
0x6b: {  	_ =	shalt  }
0x6c: {  	_ =	shalt  }
0x6d: {  	_ =	shalt  }
0x6e: {  	_ =	shalt  }
0x6f: {  	_ =	shalt  }
0x70: {  	_ =	shalt  }
0x71: {  	_ =	shalt  }
0x72: {  	_ =	shalt  }
0x73: {  	_ =	shalt  }
0x74: {  	_ =	shalt  }
0x75: {  	_ =	shalt  }
0x76: {  	_ =	shalt  }
0x77: {  	_ =	shalt  }
0x78: {  	_ =	shalt  }
0x79: {  	_ =	shalt  }
0x7a: {  	_ =	shalt  }
0x7b: {  	_ =	shalt  }
0x7c: {  	_ =	shalt  }
0x7d: {  	_ =	shalt  }
0x7e: {  	_ =	shalt  }
0x7f: {  	_ =	shalt  }
0x80: {  	_ =	shalt  }
0x81: {  	_ =	shalt  }
0x82: {  	_ =	shalt  }
0x83: {  	_ =	shalt  }
0x84: {  	_ =	shalt  }
0x85: {  	_ =	shalt  }
0x86: {  	_ =	shalt  }
0x87: {  	_ =	shalt  }
.Lfunc_end0:
.L_simem_size_0:
called_computation_lowered:
.L_overlay_start_0:
0x88: {  	s2 =	sld [smem:$0x3FD9]  }
0x89: {  	s3 =	sld [smem:$0x3FFE];
	_ =	sdelay $0x1  }
0x8a: {  	s1 =	srdreg.scid  }
0x8b: {  	s0 =	sand.u32 $0x1, s1  }
0x8c: {  	s17 =	sshll.u32 s0, $0xA;
	s2 =	sadd.s32 s3, s2  }
0x8d: {  	s2 =	sadd.s32 s2, s17  }
0x8e: {  	[smem:$0x3FB8] =	sst s2  }
0x8f: {  	_ = 	snop  }
0x90: {  	s2 =	sld [smem:$0x3FD0];
	(tm) =	ssettm $0x1  }
0x91: {  	s18 =	sld [smem:$0x3FFB];
	_ =	sdelay $0x3  }
0x92: {  	_ =	strace s18  }
0x93: {  	s3 =	sld [smem:$0x3FFC];
	_ =	sdelay $0x3  }
0x94: {  	_ =	strace s3  }
0x95: {  	s3 =	sld [smem:$0x3FFD];
	_ =	sdelay $0x3  }
0x96: {  	_ =	strace s3  }
0x97: {  	_ =	strace $0x8FFFFFFF  }
0x98: {  	s19 =	sld [smem:$0x3FDB];
	_ =	sdelay $0x1  }
0x99: {  	s4 =	simm.s32 $_scs_section_size  }
0x9a: {  	s5 =	simm.s32 $_size__tile_overlayer_lowered;
	s6 =	simm.s32 $_tile_overlayer_lowered  }
0x9b: {  	s22 =	simm.s32 $0x1BFF;
	s21 =	sshll.u32 s6, $0x1;
	s3 =	sadd.s32 s4, s19  }
0x9c: {  	s7 =	simm.s32 $0x0;
	s20 =	sshll.u32 s5, $0x1;
	s5 =	sadd.s32 s21, s3  }
0x9d: {  	[timem:s7], [sflag:s22] =	dma.local [hbm:s5], s20  }
0x9e: {  	_ =	swait.ge [sflag:s22], s20  }
0x9f: {  	s4 =	ssub.s32 $0x0, s20;
	[sflag:s22] =	ssyncset.done $0x0  }
0xa0: {  	[sflag:s22] =	ssyncadd.s32 s4;
	_ =	sdelay $0x1  }
0xa1: {  	s23 =	simm.s32 $0x1B8B  }
0xa2: {  	_ =	swait.ge [sflag:s23], $0x1  }
0xa3: {  	[sflag:s23] =	ssyncset.done $0x0  }
0xa4: {  	s25 =	simm.s32 $0x1B8E;
	s24 =	sld [smem:$0x3FFE];
	[sflag:s23] =	ssyncadd.s32 $0xFFFFFFFF  }
0xa5: {  	s26 =	simm.s32 $execute0_lowered;
	[smem:$0x3FD2] =	sst s25  }
0xa6: {  	s5 =	sshll.u32 s26, $0x1;
	_ =	strace $0x80000046;
	[dreg:$0x1] =	wrdreg $0xFFFFFFFF  }
0xa7: {  	s28 =	simm.s32 $_size_execute0_lowered;
	s3 =	sadd.s32 s3, s5;
	[dreg:$0x0] =	wrdreg $0x0  }
0xa8: {  	s5 =	sshll.u32 s28, $0x1;
	[dreg:$0x2] =	wrdreg s3  }
0xa9: {  	[dreg:$0x3] =	wrdreg s5  }
0xaa: {  	[dreg:$0x4] =	wrdreg $0xC0  }
0xab: {  	_ =	task [dreg:s7], $0x5FFFF  }
0xac: {  	[dreg:$0x1] =	wrdreg $0xFFFFFFFF  }
0xad: {  	[dreg:$0x0] =	wrdreg $0x60  }
0xae: {  	[dreg:$0x2] =	wrdreg s2  }
0xaf: {  	[dreg:$0x3] =	wrdreg s24  }
0xb0: {  	[dreg:$0x4] =	wrdreg $0x81000  }
0xb1: {  	[dreg:$0x5] =	wrdreg $0x9  }
0xb2: {  	_ =	task.clear_ibuf [dreg:s7], $0x6FFFF;
	_ =	strace $0x90000046  }
0xb3: {  	s29 =	simm.s32 $0x9;
	_ =	strace $0x80000048  }
0xb4: {  	_ =	swait.ge [sflag:s29], $0x1  }
0xb5: {  	[sflag:s29] =	ssyncadd.s32 $0xFFFFFFFF  }
0xb6: {  	_ =	strace $0x90000048  }
0xb7: {  	_ =	sfence  }
0xb8: {  	s30 =	sld [smem:$0x0];
	_ =	sdelay $0x2  }
0xb9: {  	s31 =	sshll.u32 s1, $0xD;
	s1 =	sshrl.u32 s1, $0x2  }
0xba: {  	s3 =	sand.u32 $0x4000, s31;
	s1 =	sadd.s32 s1, s30  }
0xbb: {  	s0 =	sor.u32 s3, s0;
	s1 =	sshll.u32 s1, $0x11  }
0xbc: {  	s0 =	sor.u32 s1, s0  }
0xbd: {  	s0 =	sadd.s32 $0x8F2B, s0  }
0xbe: {  	[sflag:s0] =	ssyncadd.remote.s32 $0x1  }
0xbf: {  	_ =	sfence.sel $0xFFFF  }
0xc0: {  	[dreg:$0x0] =	wrdreg $0xFFFFFFFF;
	(pc) =	sbr.abs _section_cstart, $3  }
0xc1: {  	[dreg:$0x1] =	wrdreg $0xFFFFFFFF  }
0xc2: {  	_ =	task.clear_ibuf [dreg:s7], $0x2FFFF;
	_ =	strace $0x9FFFFFFF  }
0xc3: {  	(tm) =	ssettm $0x7FFFFFFF  }
tec
execute0_lowered:
.L_overlay_start_1:
0x0: {  	(tag) =	ssettag $0x1  }
0x1: {  	s1 =	rddreg [dreg:$0x0]  }
0x2: {  	s7 =	rddreg [dreg:$0x1]  }
0x3: {  	s2 =	rddreg [dreg:$0x2]  }
0x4: {  	s3 =	srdreg.scid;
	s0 =	rddreg [dreg:$0x3];
	s4 =	simm.s32 $0x0  }
0x5: {  	s14 =	simm.s32 $0x80;
	s15 =	simm.s32 $0x400;
	s8 =	sand.u32 $0x1, s3  }
0x6: {  	s16 =	simm.s32 $0x0;
	s3 =	stileid.u32;
	s6 =	smul.u32 $0x13C000, s8  }
0x7: {  	[smem:$0x7FF] =	sst s4;
	s5 =	sadd.s32 $0x19400, s7;
	s9 =	smul.u32 $0x13C00, s3  }
0x8: {  	_ =	strace $0x80000047;
	s26 =	ssub.s32 $0x2, s8;
	s12 =	smul.u32 $0x4F000, s3  }
0x9: {  	s28 =	sshll.u32 s8, $0x4;
	s30 =	sshll.u32 s3, $0x6;
	s11 =	sshrl.u32 s26, $0x1  }
0xa: {  	s31 =	sor.u32 s3, s28;
	s6 =	sadd.s32 s9, s6;
	s11 =	ssub.s32 s26, s11  }
0xb: {  	s29 =	sshrl.u32 s12, $0x2;
	s8 =	smul.u32 $0x2800, s31;
	s10 =	sshrl.u32 s6, $0x3  }
0xc: {  	s12 =	simm.s32 $0x1;
	s6 =	sadd.s32 $0x1A400, s7;
	s10 =	sadd.s32 s10, s7  }
0xd: {  	s13 =	sadd.s32 s29, s2;
	s7 =	sor.u32 $0x1C01, s30;
	s9 =	sadd.s32 $0x1CC00, s10  }
0xe: {  	s10 =	smax.u32 s11, $0x1;
	s11 =	sshrl.u32 s13, $0x3;
	s13 =	simm.s32 $0x100  }
.LBB2_1:
0xf: {  	[spmem:s11], [sflag:s7] =	dma.local [hbm:s6], $0x2780  }
0x10: {  	_ =	swait.ge [sflag:s12], $0x2780  }
0x11: {  	[sflag:s12] =	ssyncset.done $0x0  }
0x12: {  	s17 =	sand.u32 $0x3800, s4;
	[sflag:s12] =	ssyncadd.s32 $0xFFFFD880  }
0x13: {  	[tilespmem:s13], [sflag:$0x1] =	stream.linear.gather [hbm4b:s5+s4], $0x8000, $0x38;
	[tilespmem:$0x1BD00] =	vst v63  }
0x14: {  	s18 =	sand.u32 $0x380, s4;
	s17 =	sadd.s32 s8, s17;
	_ =	swait.ge [sflag:s12], $0x8000  }
0x15: {  	s17 =	sor.u32 s18, s17;
	[sflag:s12] =	ssyncset.done $0x0  }
0x16: {  	s17 =	sshrl.u32 s17, $0x3;
	[sflag:s12] =	ssyncadd.s32 $0xFFFF8000  }
0x17: {  	s17 =	sadd.s32 s1, s17;
	[bflag:$0x0] =	sbarrier.arrive $0xFFFF  }
0x18: {  	[tilespmem:s4], [sflag:$0x1] =	stream.strided.gather [hbm4b:s17+s14], $0x100, s15, s14, $0x38;
	[tilespmem:$0x1BD00] =	vst v63  }
0x19: {  	_ =	swait.ge [sflag:s12], $0x100  }
0x1a: {  	s30 =	simm.s32 $0x100;
	[sflag:s12] =	ssyncset.done $0x0  }
0x1b: {  	s31 =	sand.u32 $0x3800, s30;
	s17 =	simm.s32 $0x80;
	[sflag:s12] =	ssyncadd.s32 $0xFFFFFF00  }
0x1c: {  	[spmem:s2] =	stream.indirect.scatter.add.f32 [tilespmem:s13], [sflag:$0x1], $0x80, s4, s13, $0xb8;
	[tilespmem:$0x1BD00] =	vst v63  }
0x1d: {  	s19 =	sadd.s32 s8, s31;
	s20 =	sand.u32 $0x380, s17;
	_ =	swait.ge [sflag:s12], $0x8000  }
0x1e: {  	s18 =	simm.s32 $0x200;
	s19 =	sor.u32 s20, s19;
	[sflag:s12] =	ssyncset.done $0x0  }
.LBB2_2:
0x1f: {  	s19 =	sshrl.u32 s19, $0x3  }
0x20: {  	[sflag:s12] =	ssyncadd.s32 $0xFFFF8000;
	s20 =	smov.u32 s18;
	s21 =	sadd.s32 $0x100, s18  }
0x21: {  	p0 =	sne.s32 s18, $0x2700;
	s18 =	sadd.s32 s1, s19  }
0x22: {  	[tilespmem:s4], [sflag:$0x1] =	stream.strided.gather [hbm4b:s18+s14], $0x100, s15, s14, $0x38;
	[tilespmem:$0x1BD00] =	vst v63  }
0x23: {  	_ =	swait.ge [sflag:s12], $0x100  }
.Ltmp0:
0x24: {  	[sflag:s12] =	ssyncset.done $0x0;
	(pc) =	sbr.rel @p0 .LBB2_2-.Ltmp0, $4  }
0x25: {  	s17 =	sadd.s32 $0x80, s17;
	s18 =	sand.u32 $0x3800, s20;
	[sflag:s12] =	ssyncadd.s32 $0xFFFFFF00  }
0x26: {  	[spmem:s2] =	stream.indirect.scatter.add.f32 [tilespmem:s13], [sflag:$0x1], $0x80, s4, s13, $0xb8;
	[tilespmem:$0x1BD00] =	vst v63  }
0x27: {  	s19 =	sand.u32 $0x380, s17;
	s18 =	sadd.s32 s8, s18;
	_ =	swait.ge [sflag:s12], $0x8000  }
0x28: {  	s19 =	sor.u32 s19, s18;
	s18 =	smov.u32 s21;
	[sflag:s12] =	ssyncset.done $0x0  }
0x29: {  	s17 =	sshrl.u32 s19, $0x3  }
0x2a: {  	[sflag:s12] =	ssyncadd.s32 $0xFFFF8000;
	s17 =	sadd.s32 s1, s17  }
0x2b: {  	[tilespmem:s4], [sflag:$0x1] =	stream.strided.gather [hbm4b:s17+s14], $0x100, s15, s14, $0x38;
	[tilespmem:$0x1BD00] =	vst v63  }
0x2c: {  	_ =	swait.ge [sflag:s12], $0x100  }
0x2d: {  	[sflag:s12] =	ssyncset.done $0x0  }
0x2e: {  	[sflag:s12] =	ssyncadd.s32 $0xFFFFFF00  }
0x2f: {  	[spmem:s2] =	stream.indirect.scatter.add.f32 [tilespmem:s13], [sflag:$0x1], $0x80, s4, s13, $0xb8;
	[tilespmem:$0x1BD00] =	vst v63  }
0x30: {  	_ =	swait.ge [sflag:s12], $0x8000  }
0x31: {  	s16 =	sadd.s32 $0x1, s16;
	[sflag:s12] =	ssyncset.done $0x0  }
0x32: {  	p0 =	sne.s32 s16, s10;
	[sflag:s12] =	ssyncadd.s32 $0xFFFF8000  }
.Ltmp1:
0x33: {  	[bflag:$0x0] =	sbarrier.arrive $0xFFFF;
	(pc) =	sbr.rel @p0 .LBB2_1-.Ltmp1, $4  }
0x34: {  	[hbm:s9], [sflag:s7] =	dma.local [spmem:s11], $0x2780  }
0x35: {  	_ =	swait.ge [sflag:s12], $0x2780  }
0x36: {  	[sflag:s12] =	ssyncset.done $0x0  }
0x37: {  	[sflag:s12] =	ssyncadd.s32 $0xFFFFD880  }
0x38: {  	_ =	sfence.sel $0x180000  }
0x39: {  	[bflag:$0x0] =	sbarrier.arrive $0xFFFF  }
0x3a: {  	p0 =	sne.s32 s3, $0x0;
	_ =	strace $0x90000047  }
0x3b: {  	s0 =	sadd.s32 @!p0 $0x100000, s0;
	[bflag:$0x2] =	sbarrier.arrive $0xFFFF  }
0x3c: {  	[sflag:s0] =	ssyncadd.tile.s32 @!p0 $0x1;
	_ =	shalt  }
.Lfunc_end2:
_tile_overlayer_lowered:
.L_overlay_start_2:
0x3d: {  	(tag) =	ssettag $0x2  }
0x3e: {  	s0 =	rddreg [dreg:$0x0];
	s2 =	stileid.u32  }
0x3f: {  	s1 =	rddreg [dreg:$0x1];
	p0 =	sne.s32 s2, $0x0  }
0x40: {  	s3 =	rddreg [dreg:$0x2];
	[bflag:$0x3] =	sbarrier.arrive $0xFFFF;
	s2 =	simm.s32 @!p0 $0x1C01  }
0x41: {  	[timem:s3], [sflag:s2] =	dma.local @!p0 [hbm:s0], s1  }
0x42: {  	s0 =	simm.s32 @!p0 $0x1  }
0x43: {  	_ =	swait.ge @!p0 [sflag:s0], s1  }
0x44: {  	s1 =	ssub.s32 @!p0 $0x0, s1;
	[sflag:s0] =	ssyncset.done @!p0 $0x0  }
0x45: {  	[sflag:s0] =	ssyncadd.s32 @!p0 s1  }
0x46: {  	[bflag:$0x3] =	sbarrier.arrive $0xFFFF  }
0x47: {  	_ =	shalt  }

// kernel: kernel.15.cloned.1.call-start
scs
__scs_entry_jumppad:
0x0: {  	(pc) =	sbr.rel $0x88, $3  }
0x1: {  	(tag) =	ssettag $0x0;
	lr =	simm.s32 $0x1  }
0x2: {  	[smem:$0x3F91] =	sst lr;
	_ =	strace $0xD0000000  }
0x3: {  	_ = 	snop  }
0x4: {  	_ = 	snop  }
0x5: {  	_ = 	snop  }
0x6: {  	_ = 	snop  }
0x7: {  	_ = 	snop  }
__scs_overlays_trampoline_lowered:
0x8: {  	[smem:$0x3FA0] =	sst s0  }
0x9: {  	[smem:$0x3FA1] =	sst s1  }
0xa: {  	[smem:$0x3FA2] =	sst s2  }
0xb: {  	[smem:$0x3FA3] =	sst s3  }
0xc: {  	[smem:$0x3FA4] =	sst s4  }
0xd: {  	[smem:$0x3FA5] =	sst s5  }
0xe: {  	[smem:$0x3FA6] =	sst s6  }
0xf: {  	[smem:$0x3FA7] =	sst s7  }
0x10: {  	[smem:$0x3FA8] =	sst s8  }
0x11: {  	[smem:$0x3FA9] =	sst s9;
	s0 =	simm.s32 @!p0 $0x0  }
0x12: {  	s1 =	sld [smem:$0x3F8F];
	s0 =	simm.s32 @p0 $0x1  }
0x13: {  	[smem:$0x3FAA] =	sst s0;
	s0 =	simm.s32 @!p1 $0x0  }
0x14: {  	s2 =	sld [smem:$0x3F8E];
	s0 =	simm.s32 @p1 $0x1  }
0x15: {  	[smem:$0x3FAB] =	sst s0;
	s0 =	simm.s32 @!p2 $0x0  }
0x16: {  	s3 =	sld [smem:$0x3FDB];
	s0 =	simm.s32 @p2 $0x1  }
0x17: {  	s4 =	simm.s32 $0x1BF5;
	[smem:$0x3FAD] =	sst s0  }
0x18: {  	s0 =	sld [smem:$0x3F90];
	_ =	swait.ge [sflag:s4], $0x0  }
0x19: {  	s7 =	sld [smem:$0x3F91]  }
0x1a: {  	s8 =	sadd.s32 $0xFFFFE003, lr  }
0x1b: {  	s9 =	sadd.s32 $0xFFFFFEF7, lr;
	s5 =	simm.s32 $0xFFFFFFFF;
	p2 =	slt.u32 s8, $0xFFFFF086  }
0x1c: {  	p1 =	slt.u32 s9, $0xF7A;
	s5 =	simm.s32 @!p2 $0x0  }
0x1d: {  	s5 =	simm.s32 @p1 $0x1;
	p0 =	seq.s32 s7, s2  }
0x1e: {  	s7 =	smul.u32 @!p0 $0xF7A, s2;
	p2 =	seq.s32 @!p0 s5, $0x0  }
0x1f: {  	s9 =	smul.u32 $0xF7A, s1;
	s8 =	simm.s32 @!p0 $0x1BF5;
	p2 =	por !p2, p0  }
0x20: {  	[sflag:s8] =	ssyncset.s32 @!p0 $0xFFFFF086;
	s6 =	sadd.s32 @!p0 s3, s7;
	s7 =	simm.s32 @!p0 $0x108  }
0x21: {  	s3 =	sadd.s32 s3, s9;
	s6 =	sadd.s32 @!p0 $0x88, s6;
	s7 =	simm.s32 @p2 $0x1082  }
0x22: {  	[simem:s7], [sflag:s8] =	dma.local @!p0 [hbm:s6], $0xF7A  }
0x23: {  	s9 =	sor.u32 $0xD0000000, s2;
	s6 =	simm.s32 $0x108;
	_ =	swait.ge @!p0 [sflag:s8], $0x0  }
0x24: {  	s3 =	sadd.s32 $0x88, s3;
	s6 =	simm.s32 @!p1 $0x1082;
	[sflag:s4] =	ssyncset.s32 $0xFFFFF086  }
0x25: {  	[simem:s6], [sflag:s4] =	dma.local [hbm:s3], $0xF7A  }
0x26: {  	[smem:$0x3F91] =	sst s1;
	(tag) =	ssettag s2;
	_ =	strace s9  }
0x27: {  	s1 =	sld [smem:$0x3FA1]  }
0x28: {  	s2 =	sld [smem:$0x3FA2]  }
0x29: {  	s4 =	sld [smem:$0x3FA4]  }
0x2a: {  	p0 =	seq.s32 s5, $0x0;
	s5 =	sld [smem:$0x3FA5]  }
0x2b: {  	s6 =	sld [smem:$0x3FA6]  }
0x2c: {  	s7 =	sld [smem:$0x3FA7]  }
0x2d: {  	s3 =	simm.s32 $0x108;
	s8 =	sld [smem:$0x3FA8]  }
0x2e: {  	s3 =	simm.s32 @!p0 $0x1082;
	s9 =	sld [smem:$0x3FA9]  }
0x2f: {  	lr =	sadd.s32 s0, s3;
	s0 =	sld [smem:$0x3FA0]  }
0x30: {  	s3 =	sld [smem:$0x3FA3]  }
0x31: {  	[smem:$0x3FAC] =	sst s10  }
0x32: {  	s10 =	sld [smem:$0x3FAA];
	_ =	sdelay $0x3  }
0x33: {  	p0 =	seq.s32 s10, $0x1;
	s10 =	sld [smem:$0x3FAC];
	_ =	sdelay $0x3  }
0x34: {  	[smem:$0x3FAC] =	sst s10  }
0x35: {  	s10 =	sld [smem:$0x3FAB];
	_ =	sdelay $0x3  }
0x36: {  	p1 =	seq.s32 s10, $0x1;
	s10 =	sld [smem:$0x3FAC];
	_ =	sdelay $0x3  }
0x37: {  	[smem:$0x3FAC] =	sst s10  }
0x38: {  	s10 =	sld [smem:$0x3FAD]  }
0x39: {  	_ = 	snop;
	(pc) =	sbr.ind lr, $3  }
0x3a: {  	_ = 	snop  }
0x3b: {  	_ = 	snop  }
0x3c: {  	p2 =	seq.s32 s10, $0x1;
	s10 =	sld [smem:$0x3FAC]  }
0x3d: {  	_ =	shalt  }
0x3e: {  	_ =	shalt  }
0x3f: {  	_ =	shalt  }
0x40: {  	_ =	shalt  }
0x41: {  	_ =	shalt  }
0x42: {  	_ =	shalt  }
0x43: {  	_ =	shalt  }
0x44: {  	_ =	shalt  }
0x45: {  	_ =	shalt  }
0x46: {  	_ =	shalt  }
0x47: {  	_ =	shalt  }
0x48: {  	_ =	shalt  }
0x49: {  	_ =	shalt  }
0x4a: {  	_ =	shalt  }
0x4b: {  	_ =	shalt  }
0x4c: {  	_ =	shalt  }
0x4d: {  	_ =	shalt  }
0x4e: {  	_ =	shalt  }
0x4f: {  	_ =	shalt  }
0x50: {  	_ =	shalt  }
0x51: {  	_ =	shalt  }
0x52: {  	_ =	shalt  }
0x53: {  	_ =	shalt  }
0x54: {  	_ =	shalt  }
0x55: {  	_ =	shalt  }
0x56: {  	_ =	shalt  }
0x57: {  	_ =	shalt  }
0x58: {  	_ =	shalt  }
0x59: {  	_ =	shalt  }
0x5a: {  	_ =	shalt  }
0x5b: {  	_ =	shalt  }
0x5c: {  	_ =	shalt  }
0x5d: {  	_ =	shalt  }
0x5e: {  	_ =	shalt  }
0x5f: {  	_ =	shalt  }
0x60: {  	_ =	shalt  }
0x61: {  	_ =	shalt  }
0x62: {  	_ =	shalt  }
0x63: {  	_ =	shalt  }
0x64: {  	_ =	shalt  }
0x65: {  	_ =	shalt  }
0x66: {  	_ =	shalt  }
0x67: {  	_ =	shalt  }
0x68: {  	_ =	shalt  }
0x69: {  	_ =	shalt  }
0x6a: {  	_ =	shalt  }
0x6b: {  	_ =	shalt  }
0x6c: {  	_ =	shalt  }
0x6d: {  	_ =	shalt  }
0x6e: {  	_ =	shalt  }
0x6f: {  	_ =	shalt  }
0x70: {  	_ =	shalt  }
0x71: {  	_ =	shalt  }
0x72: {  	_ =	shalt  }
0x73: {  	_ =	shalt  }
0x74: {  	_ =	shalt  }
0x75: {  	_ =	shalt  }
0x76: {  	_ =	shalt  }
0x77: {  	_ =	shalt  }
0x78: {  	_ =	shalt  }
0x79: {  	_ =	shalt  }
0x7a: {  	_ =	shalt  }
0x7b: {  	_ =	shalt  }
0x7c: {  	_ =	shalt  }
0x7d: {  	_ =	shalt  }
0x7e: {  	_ =	shalt  }
0x7f: {  	_ =	shalt  }
0x80: {  	_ =	shalt  }
0x81: {  	_ =	shalt  }
0x82: {  	_ =	shalt  }
0x83: {  	_ =	shalt  }
0x84: {  	_ =	shalt  }
0x85: {  	_ =	shalt  }
0x86: {  	_ =	shalt  }
0x87: {  	_ =	shalt  }
.Lfunc_end0:
.L_simem_size_0:
called_computation.1_lowered:
.L_overlay_start_0:
0x88: {  	s2 =	sld [smem:$0x3FD9]  }
0x89: {  	s3 =	sld [smem:$0x3FFE];
	_ =	sdelay $0x1  }
0x8a: {  	s1 =	srdreg.scid  }
0x8b: {  	s0 =	sand.u32 $0x1, s1  }
0x8c: {  	s17 =	sshll.u32 s0, $0xA;
	s2 =	sadd.s32 s3, s2  }
0x8d: {  	s2 =	sadd.s32 s2, s17  }
0x8e: {  	[smem:$0x3FB8] =	sst s2  }
0x8f: {  	_ = 	snop  }
0x90: {  	s2 =	sld [smem:$0x3FD0];
	(tm) =	ssettm $0x1  }
0x91: {  	s18 =	sld [smem:$0x3FFB];
	_ =	sdelay $0x3  }
0x92: {  	_ =	strace s18  }
0x93: {  	s3 =	sld [smem:$0x3FFC];
	_ =	sdelay $0x3  }
0x94: {  	_ =	strace s3  }
0x95: {  	s3 =	sld [smem:$0x3FFD];
	_ =	sdelay $0x3  }
0x96: {  	_ =	strace s3  }
0x97: {  	_ =	strace $0x8FFFFFFF  }
0x98: {  	s19 =	sld [smem:$0x3FDB];
	_ =	sdelay $0x1  }
0x99: {  	s4 =	simm.s32 $_scs_section_size  }
0x9a: {  	s5 =	simm.s32 $_size__tile_overlayer_lowered;
	s6 =	simm.s32 $_tile_overlayer_lowered  }
0x9b: {  	s22 =	simm.s32 $0x1BFF;
	s21 =	sshll.u32 s6, $0x1;
	s3 =	sadd.s32 s4, s19  }
0x9c: {  	s7 =	simm.s32 $0x0;
	s20 =	sshll.u32 s5, $0x1;
	s5 =	sadd.s32 s21, s3  }
0x9d: {  	[timem:s7], [sflag:s22] =	dma.local [hbm:s5], s20  }
0x9e: {  	_ =	swait.ge [sflag:s22], s20  }
0x9f: {  	s4 =	ssub.s32 $0x0, s20;
	[sflag:s22] =	ssyncset.done $0x0  }
0xa0: {  	[sflag:s22] =	ssyncadd.s32 s4;
	_ =	sdelay $0x1  }
0xa1: {  	s23 =	simm.s32 $0x1B8B  }
0xa2: {  	_ =	swait.ge [sflag:s23], $0x1  }
0xa3: {  	[sflag:s23] =	ssyncset.done $0x0  }
0xa4: {  	s25 =	simm.s32 $0x1B8E;
	s24 =	sld [smem:$0x3FFE];
	[sflag:s23] =	ssyncadd.s32 $0xFFFFFFFF  }
0xa5: {  	s26 =	simm.s32 $execute0_lowered;
	[smem:$0x3FD2] =	sst s25  }
0xa6: {  	s5 =	sshll.u32 s26, $0x1;
	_ =	strace $0x80000049;
	[dreg:$0x1] =	wrdreg $0xFFFFFFFF  }
0xa7: {  	s28 =	simm.s32 $_size_execute0_lowered;
	s3 =	sadd.s32 s3, s5;
	[dreg:$0x0] =	wrdreg $0x0  }
0xa8: {  	s5 =	sshll.u32 s28, $0x1;
	[dreg:$0x2] =	wrdreg s3  }
0xa9: {  	[dreg:$0x3] =	wrdreg s5  }
0xaa: {  	[dreg:$0x4] =	wrdreg $0xC0  }
0xab: {  	_ =	task [dreg:s7], $0x5FFFF  }
0xac: {  	[dreg:$0x1] =	wrdreg $0xFFFFFFFF  }
0xad: {  	[dreg:$0x0] =	wrdreg $0x60  }
0xae: {  	[dreg:$0x2] =	wrdreg s2  }
0xaf: {  	[dreg:$0x3] =	wrdreg s24  }
0xb0: {  	[dreg:$0x4] =	wrdreg $0xA9000  }
0xb1: {  	[dreg:$0x5] =	wrdreg $0x9  }
0xb2: {  	_ =	task.clear_ibuf [dreg:s7], $0x6FFFF;
	_ =	strace $0x90000049  }
0xb3: {  	s29 =	simm.s32 $0x9;
	_ =	strace $0x8000004B  }
0xb4: {  	_ =	swait.ge [sflag:s29], $0x1  }
0xb5: {  	[sflag:s29] =	ssyncadd.s32 $0xFFFFFFFF  }
0xb6: {  	_ =	strace $0x9000004B  }
0xb7: {  	_ =	sfence  }
0xb8: {  	s30 =	sld [smem:$0x0];
	_ =	sdelay $0x2  }
0xb9: {  	s31 =	sshll.u32 s1, $0xD;
	s1 =	sshrl.u32 s1, $0x2  }
0xba: {  	s3 =	sand.u32 $0x4000, s31;
	s1 =	sadd.s32 s1, s30  }
0xbb: {  	s0 =	sor.u32 s3, s0;
	s1 =	sshll.u32 s1, $0x11  }
0xbc: {  	s0 =	sor.u32 s1, s0  }
0xbd: {  	s0 =	sadd.s32 $0x8F2B, s0  }
0xbe: {  	[sflag:s0] =	ssyncadd.remote.s32 $0x1  }
0xbf: {  	_ =	sfence.sel $0xFFFF  }
0xc0: {  	[dreg:$0x0] =	wrdreg $0xFFFFFFFF;
	(pc) =	sbr.abs _section_cstart, $3  }
0xc1: {  	[dreg:$0x1] =	wrdreg $0xFFFFFFFF  }
0xc2: {  	_ =	task.clear_ibuf [dreg:s7], $0x2FFFF;
	_ =	strace $0x9FFFFFFF  }
0xc3: {  	(tm) =	ssettm $0x7FFFFFFF  }
tec
execute0_lowered:
.L_overlay_start_1:
0x0: {  	(tag) =	ssettag $0x1  }
0x1: {  	s1 =	rddreg [dreg:$0x0]  }
0x2: {  	s0 =	srdreg.scid;
	s8 =	rddreg [dreg:$0x1]  }
0x3: {  	s12 =	stileid.u32;
	s3 =	rddreg [dreg:$0x2]  }
0x4: {  	s5 =	simm.s32 $0x0;
	s15 =	simm.s32 $0x7;
	s16 =	simm.s32 $0x2800  }
0x5: {  	s17 =	simm.s32 $0x80;
	s18 =	simm.s32 $0x2900;
	s19 =	simm.s32 $0x2880  }
0x6: {  	s20 =	simm.s32 $0x6900;
	s21 =	simm.s32 $0x3;
	s22 =	simm.s32 $0x1  }
0x7: {  	s23 =	simm.s32 $0x4;
	s28 =	simm.s32 $0x0;
	s0 =	sand.u32 $0x1, s0  }
0x8: {  	[smem:$0x7FF] =	sst s5;
	s7 =	smul.u32 $0x13C00, s12;
	s6 =	sadd.s32 $0xF400, s8  }
0x9: {  	s11 =	smul.u32 $0x4F000, s12;
	s25 =	sadd.s32 $0x1A400, s8;
	s30 =	sshll.u32 s12, $0x6  }
0xa: {  	s2 =	sshll.u32 s0, $0x4;
	s24 =	smul.u32 $0x13C000, s0;
	_ =	strace $0x8000004A  }
0xb: {  	s0 =	ssub.s32 $0x2, s0;
	[dreg:$0x4] =	wrdreg s25;
	s25 =	simm.s32 $0x5  }
0xc: {  	s2 =	sor.u32 s12, s2;
	s26 =	sshrl.u32 s0, $0x1;
	s29 =	sshrl.u32 s11, $0x2  }
0xd: {  	s4 =	smul.u32 $0x2800, s2;
	s2 =	sadd.s32 s7, s24;
	s0 =	ssub.s32 s0, s26  }
0xe: {  	s14 =	sadd.s32 s29, s3;
	s24 =	simm.s32 $0x2;
	s26 =	simm.s32 $0x6  }
0xf: {  	s2 =	sshrl.u32 s2, $0x3;
	s13 =	smax.u32 s0, $0x1;
	s9 =	sshrl.u32 s4, $0x3  }
0x10: {  	s14 =	sshrl.u32 s14, $0x3;
	s2 =	sadd.s32 s2, s8;
	s10 =	sadd.s32 s9, s8  }
0x11: {  	s8 =	sor.u32 $0x1C07, s30;
	s9 =	sadd.s32 s6, s9;
	s31 =	sadd.s32 $0x5400, s10  }
0x12: {  	s12 =	sadd.s32 $0x6BC00, s2;
	s11 =	sadd.s32 $0x10, s9;
	[dreg:$0x5] =	wrdreg s31  }
.LBB2_1:
0x13: {  	s0 =	rddreg [dreg:$0x4]  }
0x14: {  	[spmem:s14], [sflag:s8] =	dma.local [hbm:s0], $0x2780  }
0x15: {  	_ =	swait.ge [sflag:s15], $0x2780  }
0x16: {  	[sflag:s15] =	ssyncset.done $0x0  }
0x17: {  	s2 =	rddreg [dreg:$0x5];
	[sflag:s15] =	ssyncadd.s32 $0xFFFFD880  }
0x18: {  	[tilespmem:s5], [sflag:$0x7] =	stream.linear.gather [hbm4b:s2+s5], $0x2800, $0x38;
	[tilespmem:$0x1E500] =	vst v63  }
0x19: {  	_ =	swait.ge [sflag:s15], $0x2800  }
0x1a: {  	[sflag:s15] =	ssyncset.done $0x0  }
0x1b: {  	[sflag:s15] =	ssyncadd.s32 $0xFFFFD800  }
0x1c: {  	[bflag:$0x0] =	sbarrier.arrive $0xFFFF  }
0x1d: {  	[tilespmem:s16], [sflag:$0x1] =	stream.linear.gather [hbm4b:s9+s5], $0x80, $0x38;
	[tilespmem:$0x1E500] =	vst v63  }
0x1e: {  	_ = 	snop  }
0x1f: {  	[tilespmem:s18], [sflag:$0x3] =	stream.indirect.gather [hbm4b:s1+s17], $0x80, s5, s17, $0xb8;
	[tilespmem:$0x1E500] =	vst v63  }
0x20: {  	_ = 	snop  }
0x21: {  	[tilespmem:s19], [sflag:$0x2] =	stream.linear.gather [hbm4b:s11+s5], $0x80, $0x38;
	[tilespmem:$0x1E500] =	vst v63  }
0x22: {  	_ = 	snop  }
0x23: {  	[tilespmem:s20], [sflag:$0x4] =	stream.indirect.gather [hbm4b:s1+s17], $0x80, s17, s17, $0xb8;
	[tilespmem:$0x1E500] =	vst v63  }
0x24: {  	_ =	swait.ge [sflag:s21], $0x4000  }
0x25: {  	[sflag:s21] =	ssyncset.done $0x0  }
0x26: {  	[sflag:s21] =	ssyncadd.s32 $0xFFFFC000  }
0x27: {  	_ =	swait.ge [sflag:s22], $0x80  }
0x28: {  	[sflag:s22] =	ssyncset.done $0x0  }
0x29: {  	[sflag:s22] =	ssyncadd.s32 $0xFFFFFF80  }
0x2a: {  	[spmem:s3] =	stream.indirect.scatter.add.f32 [tilespmem:s18], [sflag:$0x5], $0x80, s16, s17, $0xb8;
	[tilespmem:$0x1E500] =	vst v63  }
0x2b: {  	_ =	swait.ge [sflag:s23], $0x4000  }
0x2c: {  	[sflag:s23] =	ssyncset.done $0x0  }
0x2d: {  	[sflag:s23] =	ssyncadd.s32 $0xFFFFC000  }
0x2e: {  	s7 =	simm.s32 $0x100;
	_ =	swait.ge [sflag:s24], $0x80  }
0x2f: {  	s2 =	sand.u32 $0x3C00, s7;
	[sflag:s24] =	ssyncset.done $0x0  }
0x30: {  	s0 =	sand.u32 $0x300, s7;
	s2 =	sadd.s32 s4, s2;
	[sflag:s24] =	ssyncadd.s32 $0xFFFFFF80  }
0x31: {  	[spmem:s3] =	stream.indirect.scatter.add.f32 [tilespmem:s20], [sflag:$0x6], $0x80, s19, s17, $0xb8;
	[tilespmem:$0x1E500] =	vst v63  }
0x32: {  	s0 =	sor.u32 s0, s2;
	_ =	swait.ge [sflag:s25], $0x4000  }
0x33: {  	s0 =	sshrl.u32 s0, $0x3;
	[sflag:s25] =	ssyncset.done $0x0  }
0x34: {  	s0 =	sadd.s32 s6, s0;
	[sflag:s25] =	ssyncadd.s32 $0xFFFFC000  }
0x35: {  	[tilespmem:s16], [sflag:$0x1] =	stream.linear.gather [hbm4b:s0+s5], $0x80, $0x38;
	[tilespmem:$0x1E500] =	vst v63  }
0x36: {  	s10 =	simm.s32 $0x100  }
0x37: {  	[tilespmem:s18], [sflag:$0x3] =	stream.indirect.gather [hbm4b:s1+s17], $0x80, s10, s17, $0xb8;
	[tilespmem:$0x1E500] =	vst v63  }
0x38: {  	_ =	swait.ge [sflag:s21], $0x4000  }
0x39: {  	[sflag:s21] =	ssyncset.done $0x0  }
0x3a: {  	[sflag:s21] =	ssyncadd.s32 $0xFFFFC000  }
0x3b: {  	_ =	swait.ge [sflag:s22], $0x80  }
0x3c: {  	s7 =	simm.s32 $0x180;
	[sflag:s22] =	ssyncset.done $0x0  }
0x3d: {  	s0 =	sand.u32 $0x380, s7;
	[sflag:s22] =	ssyncadd.s32 $0xFFFFFF80  }
0x3e: {  	[spmem:s3] =	stream.indirect.scatter.add.f32 [tilespmem:s18], [sflag:$0x5], $0x80, s16, s17, $0xb8;
	[tilespmem:$0x1E500] =	vst v63  }
0x3f: {  	s0 =	sor.u32 s2, s0;
	_ =	swait.ge [sflag:s26], $0x4000  }
0x40: {  	s0 =	sshrl.u32 s0, $0x3;
	[sflag:s26] =	ssyncset.done $0x0  }
0x41: {  	s0 =	sadd.s32 s6, s0;
	[sflag:s26] =	ssyncadd.s32 $0xFFFFC000  }
0x42: {  	[tilespmem:s19], [sflag:$0x2] =	stream.linear.gather [hbm4b:s0+s5], $0x80, $0x38;
	[tilespmem:$0x1E500] =	vst v63  }
0x43: {  	s10 =	simm.s32 $0x180  }
0x44: {  	[tilespmem:s20], [sflag:$0x4] =	stream.indirect.gather [hbm4b:s1+s17], $0x80, s10, s17, $0xb8;
	[tilespmem:$0x1E500] =	vst v63  }
0x45: {  	_ =	swait.ge [sflag:s23], $0x4000  }
0x46: {  	s30 =	simm.s32 $0x280;
	s31 =	simm.s32 $0x380;
	[sflag:s23] =	ssyncset.done $0x0  }
0x47: {  	s29 =	simm.s32 $0x200;
	s0 =	simm.s32 $0x200;
	[sflag:s23] =	ssyncadd.s32 $0xFFFFC000  }
.LBB2_2:
0x48: {  	s7 =	sand.u32 $0x3C00, s0  }
0x49: {  	s10 =	sand.u32 $0x380, s30;
	s30 =	smov.u32 s31;
	s2 =	sadd.s32 $0x100, s31  }
0x4a: {  	s0 =	sand.u32 $0x300, s0;
	s7 =	sadd.s32 s4, s7;
	_ =	swait.ge [sflag:s24], $0x80  }
0x4b: {  	s0 =	sor.u32 s0, s7;
	s7 =	sor.u32 s7, s10;
	[sflag:s24] =	ssyncset.done $0x0  }
0x4c: {  	s0 =	sshrl.u32 s0, $0x3;
	s7 =	sshrl.u32 s7, $0x3;
	[sflag:s24] =	ssyncadd.s32 $0xFFFFFF80  }
0x4d: {  	[spmem:s3] =	stream.indirect.scatter.add.f32 [tilespmem:s20], [sflag:$0x6], $0x80, s19, s17, $0xb8;
	[tilespmem:$0x1E500] =	vst v63  }
0x4e: {  	p0 =	sne.s32 s31, $0x2780;
	_ =	swait.ge [sflag:s25], $0x4000  }
0x4f: {  	[sflag:s25] =	ssyncset.done $0x0  }
0x50: {  	s0 =	sadd.s32 s6, s0;
	[sflag:s25] =	ssyncadd.s32 $0xFFFFC000  }
0x51: {  	[tilespmem:s16], [sflag:$0x1] =	stream.linear.gather [hbm4b:s0+s5], $0x80, $0x38;
	[tilespmem:$0x1E500] =	vst v63  }
0x52: {  	_ = 	snop  }
0x53: {  	[tilespmem:s18], [sflag:$0x3] =	stream.indirect.gather [hbm4b:s1+s17], $0x80, s29, s17, $0xb8;
	[tilespmem:$0x1E500] =	vst v63  }
0x54: {  	_ =	swait.ge [sflag:s21], $0x4000  }
0x55: {  	[sflag:s21] =	ssyncset.done $0x0  }
0x56: {  	[sflag:s21] =	ssyncadd.s32 $0xFFFFC000  }
0x57: {  	_ =	swait.ge [sflag:s22], $0x80  }
0x58: {  	[sflag:s22] =	ssyncset.done $0x0  }
0x59: {  	[sflag:s22] =	ssyncadd.s32 $0xFFFFFF80  }
0x5a: {  	[spmem:s3] =	stream.indirect.scatter.add.f32 [tilespmem:s18], [sflag:$0x5], $0x80, s16, s17, $0xb8;
	[tilespmem:$0x1E500] =	vst v63  }
0x5b: {  	_ =	swait.ge [sflag:s26], $0x4000  }
0x5c: {  	[sflag:s26] =	ssyncset.done $0x0  }
0x5d: {  	s0 =	sadd.s32 s6, s7;
	[sflag:s26] =	ssyncadd.s32 $0xFFFFC000  }
0x5e: {  	[tilespmem:s19], [sflag:$0x2] =	stream.linear.gather [hbm4b:s0+s5], $0x80, $0x38;
	[tilespmem:$0x1E500] =	vst v63  }
.Ltmp0:
0x5f: {  	s0 =	sadd.s32 $0x80, s29;
	(pc) =	sbr.rel @p0 .LBB2_2-.Ltmp0, $4  }
0x60: {  	[tilespmem:s20], [sflag:$0x4] =	stream.indirect.gather [hbm4b:s1+s17], $0x80, s0, s17, $0xb8;
	[tilespmem:$0x1E500] =	vst v63  }
0x61: {  	_ =	swait.ge [sflag:s23], $0x4000  }
0x62: {  	s31 =	smov.u32 s2;
	[sflag:s23] =	ssyncset.done $0x0  }
0x63: {  	s29 =	sadd.s32 $0x100, s29;
	s0 =	sadd.s32 $0xFFFFFF80, s30;
	[sflag:s23] =	ssyncadd.s32 $0xFFFFC000  }
0x64: {  	_ =	swait.ge [sflag:s24], $0x80  }
0x65: {  	s2 =	sand.u32 $0x3C00, s0;
	[sflag:s24] =	ssyncset.done $0x0  }
0x66: {  	s10 =	sand.u32 $0x300, s0;
	s2 =	sadd.s32 s4, s2;
	[sflag:s24] =	ssyncadd.s32 $0xFFFFFF80  }
0x67: {  	[spmem:s3] =	stream.indirect.scatter.add.f32 [tilespmem:s20], [sflag:$0x6], $0x80, s19, s17, $0xb8;
	[tilespmem:$0x1E500] =	vst v63  }
0x68: {  	s0 =	sor.u32 s10, s2;
	_ =	swait.ge [sflag:s25], $0x4000  }
0x69: {  	s0 =	sshrl.u32 s0, $0x3;
	[sflag:s25] =	ssyncset.done $0x0  }
0x6a: {  	s0 =	sadd.s32 s6, s0;
	[sflag:s25] =	ssyncadd.s32 $0xFFFFC000  }
0x6b: {  	[tilespmem:s16], [sflag:$0x1] =	stream.linear.gather [hbm4b:s0+s5], $0x80, $0x38;
	[tilespmem:$0x1E500] =	vst v63  }
0x6c: {  	_ = 	snop  }
0x6d: {  	[tilespmem:s18], [sflag:$0x3] =	stream.indirect.gather [hbm4b:s1+s17], $0x80, s29, s17, $0xb8;
	[tilespmem:$0x1E500] =	vst v63  }
0x6e: {  	_ =	swait.ge [sflag:s21], $0x4000  }
0x6f: {  	[sflag:s21] =	ssyncset.done $0x0  }
0x70: {  	[sflag:s21] =	ssyncadd.s32 $0xFFFFC000  }
0x71: {  	_ =	swait.ge [sflag:s22], $0x80  }
0x72: {  	[sflag:s22] =	ssyncset.done $0x0  }
0x73: {  	s30 =	sand.u32 $0x380, s30;
	[sflag:s22] =	ssyncadd.s32 $0xFFFFFF80  }
0x74: {  	[spmem:s3] =	stream.indirect.scatter.add.f32 [tilespmem:s18], [sflag:$0x5], $0x80, s16, s17, $0xb8;
	[tilespmem:$0x1E500] =	vst v63  }
0x75: {  	s0 =	sor.u32 s2, s30;
	_ =	swait.ge [sflag:s26], $0x4000  }
0x76: {  	s0 =	sshrl.u32 s0, $0x3;
	[sflag:s26] =	ssyncset.done $0x0  }
0x77: {  	s0 =	sadd.s32 s6, s0;
	[sflag:s26] =	ssyncadd.s32 $0xFFFFC000  }
0x78: {  	[tilespmem:s19], [sflag:$0x2] =	stream.linear.gather [hbm4b:s0+s5], $0x80, $0x38;
	[tilespmem:$0x1E500] =	vst v63  }
0x79: {  	s31 =	sadd.s32 $0x80, s29  }
0x7a: {  	[tilespmem:s20], [sflag:$0x4] =	stream.indirect.gather [hbm4b:s1+s17], $0x80, s31, s17, $0xb8;
	[tilespmem:$0x1E500] =	vst v63  }
0x7b: {  	_ =	swait.ge [sflag:s23], $0x4000  }
0x7c: {  	[sflag:s23] =	ssyncset.done $0x0  }
0x7d: {  	[sflag:s23] =	ssyncadd.s32 $0xFFFFC000  }
0x7e: {  	_ =	swait.ge [sflag:s24], $0x80  }
0x7f: {  	[sflag:s24] =	ssyncset.done $0x0  }
0x80: {  	[sflag:s24] =	ssyncadd.s32 $0xFFFFFF80  }
0x81: {  	[spmem:s3] =	stream.indirect.scatter.add.f32 [tilespmem:s20], [sflag:$0x6], $0x80, s19, s17, $0xb8;
	[tilespmem:$0x1E500] =	vst v63  }
0x82: {  	_ =	swait.ge [sflag:s25], $0x4000  }
0x83: {  	[sflag:s25] =	ssyncset.done $0x0  }
0x84: {  	[sflag:s25] =	ssyncadd.s32 $0xFFFFC000  }
0x85: {  	_ =	swait.ge [sflag:s26], $0x4000  }
0x86: {  	s28 =	sadd.s32 $0x1, s28;
	[sflag:s26] =	ssyncset.done $0x0  }
0x87: {  	p0 =	sne.s32 s28, s13;
	[sflag:s26] =	ssyncadd.s32 $0xFFFFC000  }
.Ltmp1:
0x88: {  	[bflag:$0x0] =	sbarrier.arrive $0xFFFF;
	(pc) =	sbr.rel @p0 .LBB2_1-.Ltmp1, $4  }
0x89: {  	[hbm:s12], [sflag:s8] =	dma.local [spmem:s14], $0x2780  }
0x8a: {  	_ =	swait.ge [sflag:s15], $0x2780  }
0x8b: {  	[sflag:s15] =	ssyncset.done $0x0  }
0x8c: {  	[sflag:s15] =	ssyncadd.s32 $0xFFFFD880  }
0x8d: {  	_ =	sfence.sel $0x180000  }
0x8e: {  	[bflag:$0x0] =	sbarrier.arrive $0xFFFF  }
0x8f: {  	_ =	strace $0x9000004A  }
0x90: {  	s0 =	stileid.u32;
	[bflag:$0x2] =	sbarrier.arrive $0xFFFF  }
0x91: {  	p0 =	sne.s32 s0, $0x0;
	s0 =	rddreg [dreg:$0x3]  }
0x92: {  	s0 =	sadd.s32 @!p0 $0x100000, s0  }
0x93: {  	[sflag:s0] =	ssyncadd.tile.s32 @!p0 $0x1;
	_ =	shalt  }
.Lfunc_end2:
_tile_overlayer_lowered:
.L_overlay_start_2:
0x94: {  	(tag) =	ssettag $0x2  }
0x95: {  	s0 =	rddreg [dreg:$0x0];
	s2 =	stileid.u32  }
0x96: {  	s1 =	rddreg [dreg:$0x1];
	p0 =	sne.s32 s2, $0x0  }
0x97: {  	s3 =	rddreg [dreg:$0x2];
	[bflag:$0x3] =	sbarrier.arrive $0xFFFF;
	s2 =	simm.s32 @!p0 $0x1C07  }
0x98: {  	[timem:s3], [sflag:s2] =	dma.local @!p0 [hbm:s0], s1  }
0x99: {  	s0 =	simm.s32 @!p0 $0x7  }
0x9a: {  	_ =	swait.ge @!p0 [sflag:s0], s1  }
0x9b: {  	s1 =	ssub.s32 @!p0 $0x0, s1;
	[sflag:s0] =	ssyncset.done @!p0 $0x0  }
0x9c: {  	[sflag:s0] =	ssyncadd.s32 @!p0 s1  }
0x9d: {  	[bflag:$0x3] =	sbarrier.arrive $0xFFFF  }
0x9e: {  	_ =	shalt  }

// kernel: kernel.18.cloned.1.call-start
scs
__scs_entry_jumppad:
0x0: {  	(pc) =	sbr.rel $0x88, $3  }
0x1: {  	(tag) =	ssettag $0x0;
	lr =	simm.s32 $0x1  }
0x2: {  	[smem:$0x3F91] =	sst lr;
	_ =	strace $0xD0000000  }
0x3: {  	_ = 	snop  }
0x4: {  	_ = 	snop  }
0x5: {  	_ = 	snop  }
0x6: {  	_ = 	snop  }
0x7: {  	_ = 	snop  }
__scs_overlays_trampoline_lowered:
0x8: {  	[smem:$0x3FA0] =	sst s0  }
0x9: {  	[smem:$0x3FA1] =	sst s1  }
0xa: {  	[smem:$0x3FA2] =	sst s2  }
0xb: {  	[smem:$0x3FA3] =	sst s3  }
0xc: {  	[smem:$0x3FA4] =	sst s4  }
0xd: {  	[smem:$0x3FA5] =	sst s5  }
0xe: {  	[smem:$0x3FA6] =	sst s6  }
0xf: {  	[smem:$0x3FA7] =	sst s7  }
0x10: {  	[smem:$0x3FA8] =	sst s8  }
0x11: {  	[smem:$0x3FA9] =	sst s9;
	s0 =	simm.s32 @!p0 $0x0  }
0x12: {  	s1 =	sld [smem:$0x3F8F];
	s0 =	simm.s32 @p0 $0x1  }
0x13: {  	[smem:$0x3FAA] =	sst s0;
	s0 =	simm.s32 @!p1 $0x0  }
0x14: {  	s2 =	sld [smem:$0x3F8E];
	s0 =	simm.s32 @p1 $0x1  }
0x15: {  	[smem:$0x3FAB] =	sst s0;
	s0 =	simm.s32 @!p2 $0x0  }
0x16: {  	s3 =	sld [smem:$0x3FDB];
	s0 =	simm.s32 @p2 $0x1  }
0x17: {  	s4 =	simm.s32 $0x1BF5;
	[smem:$0x3FAD] =	sst s0  }
0x18: {  	s0 =	sld [smem:$0x3F90];
	_ =	swait.ge [sflag:s4], $0x0  }
0x19: {  	s7 =	sld [smem:$0x3F91]  }
0x1a: {  	s8 =	sadd.s32 $0xFFFFE003, lr  }
0x1b: {  	s9 =	sadd.s32 $0xFFFFFEF7, lr;
	s5 =	simm.s32 $0xFFFFFFFF;
	p2 =	slt.u32 s8, $0xFFFFF086  }
0x1c: {  	p1 =	slt.u32 s9, $0xF7A;
	s5 =	simm.s32 @!p2 $0x0  }
0x1d: {  	s5 =	simm.s32 @p1 $0x1;
	p0 =	seq.s32 s7, s2  }
0x1e: {  	s7 =	smul.u32 @!p0 $0xF7A, s2;
	p2 =	seq.s32 @!p0 s5, $0x0  }
0x1f: {  	s9 =	smul.u32 $0xF7A, s1;
	s8 =	simm.s32 @!p0 $0x1BF5;
	p2 =	por !p2, p0  }
0x20: {  	[sflag:s8] =	ssyncset.s32 @!p0 $0xFFFFF086;
	s6 =	sadd.s32 @!p0 s3, s7;
	s7 =	simm.s32 @!p0 $0x108  }
0x21: {  	s3 =	sadd.s32 s3, s9;
	s6 =	sadd.s32 @!p0 $0x88, s6;
	s7 =	simm.s32 @p2 $0x1082  }
0x22: {  	[simem:s7], [sflag:s8] =	dma.local @!p0 [hbm:s6], $0xF7A  }
0x23: {  	s9 =	sor.u32 $0xD0000000, s2;
	s6 =	simm.s32 $0x108;
	_ =	swait.ge @!p0 [sflag:s8], $0x0  }
0x24: {  	s3 =	sadd.s32 $0x88, s3;
	s6 =	simm.s32 @!p1 $0x1082;
	[sflag:s4] =	ssyncset.s32 $0xFFFFF086  }
0x25: {  	[simem:s6], [sflag:s4] =	dma.local [hbm:s3], $0xF7A  }
0x26: {  	[smem:$0x3F91] =	sst s1;
	(tag) =	ssettag s2;
	_ =	strace s9  }
0x27: {  	s1 =	sld [smem:$0x3FA1]  }
0x28: {  	s2 =	sld [smem:$0x3FA2]  }
0x29: {  	s4 =	sld [smem:$0x3FA4]  }
0x2a: {  	p0 =	seq.s32 s5, $0x0;
	s5 =	sld [smem:$0x3FA5]  }
0x2b: {  	s6 =	sld [smem:$0x3FA6]  }
0x2c: {  	s7 =	sld [smem:$0x3FA7]  }
0x2d: {  	s3 =	simm.s32 $0x108;
	s8 =	sld [smem:$0x3FA8]  }
0x2e: {  	s3 =	simm.s32 @!p0 $0x1082;
	s9 =	sld [smem:$0x3FA9]  }
0x2f: {  	lr =	sadd.s32 s0, s3;
	s0 =	sld [smem:$0x3FA0]  }
0x30: {  	s3 =	sld [smem:$0x3FA3]  }
0x31: {  	[smem:$0x3FAC] =	sst s10  }
0x32: {  	s10 =	sld [smem:$0x3FAA];
	_ =	sdelay $0x3  }
0x33: {  	p0 =	seq.s32 s10, $0x1;
	s10 =	sld [smem:$0x3FAC];
	_ =	sdelay $0x3  }
0x34: {  	[smem:$0x3FAC] =	sst s10  }
0x35: {  	s10 =	sld [smem:$0x3FAB];
	_ =	sdelay $0x3  }
0x36: {  	p1 =	seq.s32 s10, $0x1;
	s10 =	sld [smem:$0x3FAC];
	_ =	sdelay $0x3  }
0x37: {  	[smem:$0x3FAC] =	sst s10  }
0x38: {  	s10 =	sld [smem:$0x3FAD]  }
0x39: {  	_ = 	snop;
	(pc) =	sbr.ind lr, $3  }
0x3a: {  	_ = 	snop  }
0x3b: {  	_ = 	snop  }
0x3c: {  	p2 =	seq.s32 s10, $0x1;
	s10 =	sld [smem:$0x3FAC]  }
0x3d: {  	_ =	shalt  }
0x3e: {  	_ =	shalt  }
0x3f: {  	_ =	shalt  }
0x40: {  	_ =	shalt  }
0x41: {  	_ =	shalt  }
0x42: {  	_ =	shalt  }
0x43: {  	_ =	shalt  }
0x44: {  	_ =	shalt  }
0x45: {  	_ =	shalt  }
0x46: {  	_ =	shalt  }
0x47: {  	_ =	shalt  }
0x48: {  	_ =	shalt  }
0x49: {  	_ =	shalt  }
0x4a: {  	_ =	shalt  }
0x4b: {  	_ =	shalt  }
0x4c: {  	_ =	shalt  }
0x4d: {  	_ =	shalt  }
0x4e: {  	_ =	shalt  }
0x4f: {  	_ =	shalt  }
0x50: {  	_ =	shalt  }
0x51: {  	_ =	shalt  }
0x52: {  	_ =	shalt  }
0x53: {  	_ =	shalt  }
0x54: {  	_ =	shalt  }
0x55: {  	_ =	shalt  }
0x56: {  	_ =	shalt  }
0x57: {  	_ =	shalt  }
0x58: {  	_ =	shalt  }
0x59: {  	_ =	shalt  }
0x5a: {  	_ =	shalt  }
0x5b: {  	_ =	shalt  }
0x5c: {  	_ =	shalt  }
0x5d: {  	_ =	shalt  }
0x5e: {  	_ =	shalt  }
0x5f: {  	_ =	shalt  }
0x60: {  	_ =	shalt  }
0x61: {  	_ =	shalt  }
0x62: {  	_ =	shalt  }
0x63: {  	_ =	shalt  }
0x64: {  	_ =	shalt  }
0x65: {  	_ =	shalt  }
0x66: {  	_ =	shalt  }
0x67: {  	_ =	shalt  }
0x68: {  	_ =	shalt  }
0x69: {  	_ =	shalt  }
0x6a: {  	_ =	shalt  }
0x6b: {  	_ =	shalt  }
0x6c: {  	_ =	shalt  }
0x6d: {  	_ =	shalt  }
0x6e: {  	_ =	shalt  }
0x6f: {  	_ =	shalt  }
0x70: {  	_ =	shalt  }
0x71: {  	_ =	shalt  }
0x72: {  	_ =	shalt  }
0x73: {  	_ =	shalt  }
0x74: {  	_ =	shalt  }
0x75: {  	_ =	shalt  }
0x76: {  	_ =	shalt  }
0x77: {  	_ =	shalt  }
0x78: {  	_ =	shalt  }
0x79: {  	_ =	shalt  }
0x7a: {  	_ =	shalt  }
0x7b: {  	_ =	shalt  }
0x7c: {  	_ =	shalt  }
0x7d: {  	_ =	shalt  }
0x7e: {  	_ =	shalt  }
0x7f: {  	_ =	shalt  }
0x80: {  	_ =	shalt  }
0x81: {  	_ =	shalt  }
0x82: {  	_ =	shalt  }
0x83: {  	_ =	shalt  }
0x84: {  	_ =	shalt  }
0x85: {  	_ =	shalt  }
0x86: {  	_ =	shalt  }
0x87: {  	_ =	shalt  }
.Lfunc_end0:
.L_simem_size_0:
called_computation.2_lowered:
.L_overlay_start_0:
0x88: {  	s2 =	sld [smem:$0x3FD9]  }
0x89: {  	s3 =	sld [smem:$0x3FFE];
	_ =	sdelay $0x1  }
0x8a: {  	s1 =	srdreg.scid  }
0x8b: {  	s0 =	sand.u32 $0x1, s1  }
0x8c: {  	s17 =	sshll.u32 s0, $0xA;
	s2 =	sadd.s32 s3, s2  }
0x8d: {  	s2 =	sadd.s32 s2, s17  }
0x8e: {  	[smem:$0x3FB8] =	sst s2  }
0x8f: {  	_ = 	snop  }
0x90: {  	s2 =	sld [smem:$0x3FD0];
	(tm) =	ssettm $0x1  }
0x91: {  	s18 =	sld [smem:$0x3FFB];
	_ =	sdelay $0x3  }
0x92: {  	_ =	strace s18  }
0x93: {  	s3 =	sld [smem:$0x3FFC];
	_ =	sdelay $0x3  }
0x94: {  	_ =	strace s3  }
0x95: {  	s3 =	sld [smem:$0x3FFD];
	_ =	sdelay $0x3  }
0x96: {  	_ =	strace s3  }
0x97: {  	_ =	strace $0x8FFFFFFF  }
0x98: {  	s19 =	sld [smem:$0x3FDB];
	_ =	sdelay $0x1  }
0x99: {  	s4 =	simm.s32 $_scs_section_size  }
0x9a: {  	s5 =	simm.s32 $_size__tile_overlayer_lowered;
	s6 =	simm.s32 $_tile_overlayer_lowered  }
0x9b: {  	s22 =	simm.s32 $0x1BFF;
	s21 =	sshll.u32 s6, $0x1;
	s3 =	sadd.s32 s4, s19  }
0x9c: {  	s7 =	simm.s32 $0x0;
	s20 =	sshll.u32 s5, $0x1;
	s5 =	sadd.s32 s21, s3  }
0x9d: {  	[timem:s7], [sflag:s22] =	dma.local [hbm:s5], s20  }
0x9e: {  	_ =	swait.ge [sflag:s22], s20  }
0x9f: {  	s4 =	ssub.s32 $0x0, s20;
	[sflag:s22] =	ssyncset.done $0x0  }
0xa0: {  	[sflag:s22] =	ssyncadd.s32 s4;
	_ =	sdelay $0x1  }
0xa1: {  	s23 =	simm.s32 $0x1B8B  }
0xa2: {  	_ =	swait.ge [sflag:s23], $0x1  }
0xa3: {  	[sflag:s23] =	ssyncset.done $0x0  }
0xa4: {  	s25 =	simm.s32 $0x1B8E;
	s24 =	sld [smem:$0x3FFE];
	[sflag:s23] =	ssyncadd.s32 $0xFFFFFFFF  }
0xa5: {  	s26 =	simm.s32 $execute0_lowered;
	[smem:$0x3FD2] =	sst s25  }
0xa6: {  	s5 =	sshll.u32 s26, $0x1;
	_ =	strace $0x8000004C;
	[dreg:$0x1] =	wrdreg $0xFFFFFFFF  }
0xa7: {  	s28 =	simm.s32 $_size_execute0_lowered;
	s3 =	sadd.s32 s3, s5;
	[dreg:$0x0] =	wrdreg $0x0  }
0xa8: {  	s5 =	sshll.u32 s28, $0x1;
	[dreg:$0x2] =	wrdreg s3  }
0xa9: {  	[dreg:$0x3] =	wrdreg s5  }
0xaa: {  	[dreg:$0x4] =	wrdreg $0xC0  }
0xab: {  	_ =	task [dreg:s7], $0x5FFFF  }
0xac: {  	[dreg:$0x1] =	wrdreg $0xFFFFFFFF  }
0xad: {  	[dreg:$0x0] =	wrdreg $0x60  }
0xae: {  	[dreg:$0x2] =	wrdreg s2  }
0xaf: {  	[dreg:$0x3] =	wrdreg s24  }
0xb0: {  	[dreg:$0x4] =	wrdreg $0xA9000  }
0xb1: {  	[dreg:$0x5] =	wrdreg $0x9  }
0xb2: {  	_ =	task.clear_ibuf [dreg:s7], $0x6FFFF;
	_ =	strace $0x9000004C  }
0xb3: {  	s29 =	simm.s32 $0x9;
	_ =	strace $0x8000004E  }
0xb4: {  	_ =	swait.ge [sflag:s29], $0x1  }
0xb5: {  	[sflag:s29] =	ssyncadd.s32 $0xFFFFFFFF  }
0xb6: {  	_ =	strace $0x9000004E  }
0xb7: {  	_ =	sfence  }
0xb8: {  	s30 =	sld [smem:$0x0];
	_ =	sdelay $0x2  }
0xb9: {  	s31 =	sshll.u32 s1, $0xD;
	s1 =	sshrl.u32 s1, $0x2  }
0xba: {  	s3 =	sand.u32 $0x4000, s31;
	s1 =	sadd.s32 s1, s30  }
0xbb: {  	s0 =	sor.u32 s3, s0;
	s1 =	sshll.u32 s1, $0x11  }
0xbc: {  	s0 =	sor.u32 s1, s0  }
0xbd: {  	s0 =	sadd.s32 $0x8F2B, s0  }
0xbe: {  	[sflag:s0] =	ssyncadd.remote.s32 $0x1  }
0xbf: {  	_ =	sfence.sel $0xFFFF  }
0xc0: {  	[dreg:$0x0] =	wrdreg $0xFFFFFFFF;
	(pc) =	sbr.abs _section_cstart, $3  }
0xc1: {  	[dreg:$0x1] =	wrdreg $0xFFFFFFFF  }
0xc2: {  	_ =	task.clear_ibuf [dreg:s7], $0x2FFFF;
	_ =	strace $0x9FFFFFFF  }
0xc3: {  	(tm) =	ssettm $0x7FFFFFFF  }
tec
execute0_lowered:
.L_overlay_start_1:
0x0: {  	(tag) =	ssettag $0x1  }
0x1: {  	s1 =	rddreg [dreg:$0x0]  }
0x2: {  	s0 =	srdreg.scid;
	s8 =	rddreg [dreg:$0x1]  }
0x3: {  	s12 =	stileid.u32;
	s3 =	rddreg [dreg:$0x2]  }
0x4: {  	s5 =	simm.s32 $0x0;
	s15 =	simm.s32 $0x7;
	s16 =	simm.s32 $0x2800  }
0x5: {  	s17 =	simm.s32 $0x80;
	s18 =	simm.s32 $0x2900;
	s19 =	simm.s32 $0x2880  }
0x6: {  	s20 =	simm.s32 $0x6900;
	s21 =	simm.s32 $0x3;
	s22 =	simm.s32 $0x1  }
0x7: {  	s23 =	simm.s32 $0x4;
	s28 =	simm.s32 $0x0;
	s0 =	sand.u32 $0x1, s0  }
0x8: {  	[smem:$0x7FF] =	sst s5;
	s7 =	smul.u32 $0x13C00, s12;
	s6 =	sadd.s32 $0xF400, s8  }
0x9: {  	s11 =	smul.u32 $0x4F000, s12;
	s25 =	sadd.s32 $0x1A400, s8;
	s30 =	sshll.u32 s12, $0x6  }
0xa: {  	s2 =	sshll.u32 s0, $0x4;
	s24 =	smul.u32 $0x13C000, s0;
	_ =	strace $0x8000004D  }
0xb: {  	s0 =	ssub.s32 $0x2, s0;
	[dreg:$0x4] =	wrdreg s25;
	s25 =	simm.s32 $0x5  }
0xc: {  	s2 =	sor.u32 s12, s2;
	s26 =	sshrl.u32 s0, $0x1;
	s29 =	sshrl.u32 s11, $0x2  }
0xd: {  	s4 =	smul.u32 $0x2800, s2;
	s2 =	sadd.s32 s7, s24;
	s0 =	ssub.s32 s0, s26  }
0xe: {  	s14 =	sadd.s32 s29, s3;
	s24 =	simm.s32 $0x2;
	s26 =	simm.s32 $0x6  }
0xf: {  	s2 =	sshrl.u32 s2, $0x3;
	s13 =	smax.u32 s0, $0x1;
	s9 =	sshrl.u32 s4, $0x3  }
0x10: {  	s14 =	sshrl.u32 s14, $0x3;
	s2 =	sadd.s32 s2, s8;
	s10 =	sadd.s32 s9, s8  }
0x11: {  	s8 =	sor.u32 $0x1C07, s30;
	s9 =	sadd.s32 s6, s9;
	s31 =	sadd.s32 $0x5400, s10  }
0x12: {  	s12 =	sadd.s32 $0x6BC00, s2;
	s11 =	sadd.s32 $0x10, s9;
	[dreg:$0x5] =	wrdreg s31  }
.LBB2_1:
0x13: {  	s0 =	rddreg [dreg:$0x4]  }
0x14: {  	[spmem:s14], [sflag:s8] =	dma.local [hbm:s0], $0x2780  }
0x15: {  	_ =	swait.ge [sflag:s15], $0x2780  }
0x16: {  	[sflag:s15] =	ssyncset.done $0x0  }
0x17: {  	s2 =	rddreg [dreg:$0x5];
	[sflag:s15] =	ssyncadd.s32 $0xFFFFD880  }
0x18: {  	[tilespmem:s5], [sflag:$0x7] =	stream.linear.gather [hbm4b:s2+s5], $0x2800, $0x38;
	[tilespmem:$0x1E500] =	vst v63  }
0x19: {  	_ =	swait.ge [sflag:s15], $0x2800  }
0x1a: {  	[sflag:s15] =	ssyncset.done $0x0  }
0x1b: {  	[sflag:s15] =	ssyncadd.s32 $0xFFFFD800  }
0x1c: {  	[bflag:$0x0] =	sbarrier.arrive $0xFFFF  }
0x1d: {  	[tilespmem:s16], [sflag:$0x1] =	stream.linear.gather [hbm4b:s9+s5], $0x80, $0x38;
	[tilespmem:$0x1E500] =	vst v63  }
0x1e: {  	_ = 	snop  }
0x1f: {  	[tilespmem:s18], [sflag:$0x3] =	stream.indirect.gather [hbm4b:s1+s17], $0x80, s5, s17, $0xb8;
	[tilespmem:$0x1E500] =	vst v63  }
0x20: {  	_ = 	snop  }
0x21: {  	[tilespmem:s19], [sflag:$0x2] =	stream.linear.gather [hbm4b:s11+s5], $0x80, $0x38;
	[tilespmem:$0x1E500] =	vst v63  }
0x22: {  	_ = 	snop  }
0x23: {  	[tilespmem:s20], [sflag:$0x4] =	stream.indirect.gather [hbm4b:s1+s17], $0x80, s17, s17, $0xb8;
	[tilespmem:$0x1E500] =	vst v63  }
0x24: {  	_ =	swait.ge [sflag:s21], $0x4000  }
0x25: {  	[sflag:s21] =	ssyncset.done $0x0  }
0x26: {  	[sflag:s21] =	ssyncadd.s32 $0xFFFFC000  }
0x27: {  	_ =	swait.ge [sflag:s22], $0x80  }
0x28: {  	[sflag:s22] =	ssyncset.done $0x0  }
0x29: {  	[sflag:s22] =	ssyncadd.s32 $0xFFFFFF80  }
0x2a: {  	[spmem:s3] =	stream.indirect.scatter.add.f32 [tilespmem:s18], [sflag:$0x5], $0x80, s16, s17, $0xb8;
	[tilespmem:$0x1E500] =	vst v63  }
0x2b: {  	_ =	swait.ge [sflag:s23], $0x4000  }
0x2c: {  	[sflag:s23] =	ssyncset.done $0x0  }
0x2d: {  	[sflag:s23] =	ssyncadd.s32 $0xFFFFC000  }
0x2e: {  	s7 =	simm.s32 $0x100;
	_ =	swait.ge [sflag:s24], $0x80  }
0x2f: {  	s2 =	sand.u32 $0x3C00, s7;
	[sflag:s24] =	ssyncset.done $0x0  }
0x30: {  	s0 =	sand.u32 $0x300, s7;
	s2 =	sadd.s32 s4, s2;
	[sflag:s24] =	ssyncadd.s32 $0xFFFFFF80  }
0x31: {  	[spmem:s3] =	stream.indirect.scatter.add.f32 [tilespmem:s20], [sflag:$0x6], $0x80, s19, s17, $0xb8;
	[tilespmem:$0x1E500] =	vst v63  }
0x32: {  	s0 =	sor.u32 s0, s2;
	_ =	swait.ge [sflag:s25], $0x4000  }
0x33: {  	s0 =	sshrl.u32 s0, $0x3;
	[sflag:s25] =	ssyncset.done $0x0  }
0x34: {  	s0 =	sadd.s32 s6, s0;
	[sflag:s25] =	ssyncadd.s32 $0xFFFFC000  }
0x35: {  	[tilespmem:s16], [sflag:$0x1] =	stream.linear.gather [hbm4b:s0+s5], $0x80, $0x38;
	[tilespmem:$0x1E500] =	vst v63  }
0x36: {  	s10 =	simm.s32 $0x100  }
0x37: {  	[tilespmem:s18], [sflag:$0x3] =	stream.indirect.gather [hbm4b:s1+s17], $0x80, s10, s17, $0xb8;
	[tilespmem:$0x1E500] =	vst v63  }
0x38: {  	_ =	swait.ge [sflag:s21], $0x4000  }
0x39: {  	[sflag:s21] =	ssyncset.done $0x0  }
0x3a: {  	[sflag:s21] =	ssyncadd.s32 $0xFFFFC000  }
0x3b: {  	_ =	swait.ge [sflag:s22], $0x80  }
0x3c: {  	s7 =	simm.s32 $0x180;
	[sflag:s22] =	ssyncset.done $0x0  }
0x3d: {  	s0 =	sand.u32 $0x380, s7;
	[sflag:s22] =	ssyncadd.s32 $0xFFFFFF80  }
0x3e: {  	[spmem:s3] =	stream.indirect.scatter.add.f32 [tilespmem:s18], [sflag:$0x5], $0x80, s16, s17, $0xb8;
	[tilespmem:$0x1E500] =	vst v63  }
0x3f: {  	s0 =	sor.u32 s2, s0;
	_ =	swait.ge [sflag:s26], $0x4000  }
0x40: {  	s0 =	sshrl.u32 s0, $0x3;
	[sflag:s26] =	ssyncset.done $0x0  }
0x41: {  	s0 =	sadd.s32 s6, s0;
	[sflag:s26] =	ssyncadd.s32 $0xFFFFC000  }
0x42: {  	[tilespmem:s19], [sflag:$0x2] =	stream.linear.gather [hbm4b:s0+s5], $0x80, $0x38;
	[tilespmem:$0x1E500] =	vst v63  }
0x43: {  	s10 =	simm.s32 $0x180  }
0x44: {  	[tilespmem:s20], [sflag:$0x4] =	stream.indirect.gather [hbm4b:s1+s17], $0x80, s10, s17, $0xb8;
	[tilespmem:$0x1E500] =	vst v63  }
0x45: {  	_ =	swait.ge [sflag:s23], $0x4000  }
0x46: {  	s30 =	simm.s32 $0x280;
	s31 =	simm.s32 $0x380;
	[sflag:s23] =	ssyncset.done $0x0  }
0x47: {  	s29 =	simm.s32 $0x200;
	s0 =	simm.s32 $0x200;
	[sflag:s23] =	ssyncadd.s32 $0xFFFFC000  }
.LBB2_2:
0x48: {  	s7 =	sand.u32 $0x3C00, s0  }
0x49: {  	s10 =	sand.u32 $0x380, s30;
	s30 =	smov.u32 s31;
	s2 =	sadd.s32 $0x100, s31  }
0x4a: {  	s0 =	sand.u32 $0x300, s0;
	s7 =	sadd.s32 s4, s7;
	_ =	swait.ge [sflag:s24], $0x80  }
0x4b: {  	s0 =	sor.u32 s0, s7;
	s7 =	sor.u32 s7, s10;
	[sflag:s24] =	ssyncset.done $0x0  }
0x4c: {  	s0 =	sshrl.u32 s0, $0x3;
	s7 =	sshrl.u32 s7, $0x3;
	[sflag:s24] =	ssyncadd.s32 $0xFFFFFF80  }
0x4d: {  	[spmem:s3] =	stream.indirect.scatter.add.f32 [tilespmem:s20], [sflag:$0x6], $0x80, s19, s17, $0xb8;
	[tilespmem:$0x1E500] =	vst v63  }
0x4e: {  	p0 =	sne.s32 s31, $0x2780;
	_ =	swait.ge [sflag:s25], $0x4000  }
0x4f: {  	[sflag:s25] =	ssyncset.done $0x0  }
0x50: {  	s0 =	sadd.s32 s6, s0;
	[sflag:s25] =	ssyncadd.s32 $0xFFFFC000  }
0x51: {  	[tilespmem:s16], [sflag:$0x1] =	stream.linear.gather [hbm4b:s0+s5], $0x80, $0x38;
	[tilespmem:$0x1E500] =	vst v63  }
0x52: {  	_ = 	snop  }
0x53: {  	[tilespmem:s18], [sflag:$0x3] =	stream.indirect.gather [hbm4b:s1+s17], $0x80, s29, s17, $0xb8;
	[tilespmem:$0x1E500] =	vst v63  }
0x54: {  	_ =	swait.ge [sflag:s21], $0x4000  }
0x55: {  	[sflag:s21] =	ssyncset.done $0x0  }
0x56: {  	[sflag:s21] =	ssyncadd.s32 $0xFFFFC000  }
0x57: {  	_ =	swait.ge [sflag:s22], $0x80  }
0x58: {  	[sflag:s22] =	ssyncset.done $0x0  }
0x59: {  	[sflag:s22] =	ssyncadd.s32 $0xFFFFFF80  }
0x5a: {  	[spmem:s3] =	stream.indirect.scatter.add.f32 [tilespmem:s18], [sflag:$0x5], $0x80, s16, s17, $0xb8;
	[tilespmem:$0x1E500] =	vst v63  }
0x5b: {  	_ =	swait.ge [sflag:s26], $0x4000  }
0x5c: {  	[sflag:s26] =	ssyncset.done $0x0  }
0x5d: {  	s0 =	sadd.s32 s6, s7;
	[sflag:s26] =	ssyncadd.s32 $0xFFFFC000  }
0x5e: {  	[tilespmem:s19], [sflag:$0x2] =	stream.linear.gather [hbm4b:s0+s5], $0x80, $0x38;
	[tilespmem:$0x1E500] =	vst v63  }
.Ltmp0:
0x5f: {  	s0 =	sadd.s32 $0x80, s29;
	(pc) =	sbr.rel @p0 .LBB2_2-.Ltmp0, $4  }
0x60: {  	[tilespmem:s20], [sflag:$0x4] =	stream.indirect.gather [hbm4b:s1+s17], $0x80, s0, s17, $0xb8;
	[tilespmem:$0x1E500] =	vst v63  }
0x61: {  	_ =	swait.ge [sflag:s23], $0x4000  }
0x62: {  	s31 =	smov.u32 s2;
	[sflag:s23] =	ssyncset.done $0x0  }
0x63: {  	s29 =	sadd.s32 $0x100, s29;
	s0 =	sadd.s32 $0xFFFFFF80, s30;
	[sflag:s23] =	ssyncadd.s32 $0xFFFFC000  }
0x64: {  	_ =	swait.ge [sflag:s24], $0x80  }
0x65: {  	s2 =	sand.u32 $0x3C00, s0;
	[sflag:s24] =	ssyncset.done $0x0  }
0x66: {  	s10 =	sand.u32 $0x300, s0;
	s2 =	sadd.s32 s4, s2;
	[sflag:s24] =	ssyncadd.s32 $0xFFFFFF80  }
0x67: {  	[spmem:s3] =	stream.indirect.scatter.add.f32 [tilespmem:s20], [sflag:$0x6], $0x80, s19, s17, $0xb8;
	[tilespmem:$0x1E500] =	vst v63  }
0x68: {  	s0 =	sor.u32 s10, s2;
	_ =	swait.ge [sflag:s25], $0x4000  }
0x69: {  	s0 =	sshrl.u32 s0, $0x3;
	[sflag:s25] =	ssyncset.done $0x0  }
0x6a: {  	s0 =	sadd.s32 s6, s0;
	[sflag:s25] =	ssyncadd.s32 $0xFFFFC000  }
0x6b: {  	[tilespmem:s16], [sflag:$0x1] =	stream.linear.gather [hbm4b:s0+s5], $0x80, $0x38;
	[tilespmem:$0x1E500] =	vst v63  }
0x6c: {  	_ = 	snop  }
0x6d: {  	[tilespmem:s18], [sflag:$0x3] =	stream.indirect.gather [hbm4b:s1+s17], $0x80, s29, s17, $0xb8;
	[tilespmem:$0x1E500] =	vst v63  }
0x6e: {  	_ =	swait.ge [sflag:s21], $0x4000  }
0x6f: {  	[sflag:s21] =	ssyncset.done $0x0  }
0x70: {  	[sflag:s21] =	ssyncadd.s32 $0xFFFFC000  }
0x71: {  	_ =	swait.ge [sflag:s22], $0x80  }
0x72: {  	[sflag:s22] =	ssyncset.done $0x0  }
0x73: {  	s30 =	sand.u32 $0x380, s30;
	[sflag:s22] =	ssyncadd.s32 $0xFFFFFF80  }
0x74: {  	[spmem:s3] =	stream.indirect.scatter.add.f32 [tilespmem:s18], [sflag:$0x5], $0x80, s16, s17, $0xb8;
	[tilespmem:$0x1E500] =	vst v63  }
0x75: {  	s0 =	sor.u32 s2, s30;
	_ =	swait.ge [sflag:s26], $0x4000  }
0x76: {  	s0 =	sshrl.u32 s0, $0x3;
	[sflag:s26] =	ssyncset.done $0x0  }
0x77: {  	s0 =	sadd.s32 s6, s0;
	[sflag:s26] =	ssyncadd.s32 $0xFFFFC000  }
0x78: {  	[tilespmem:s19], [sflag:$0x2] =	stream.linear.gather [hbm4b:s0+s5], $0x80, $0x38;
	[tilespmem:$0x1E500] =	vst v63  }
0x79: {  	s31 =	sadd.s32 $0x80, s29  }
0x7a: {  	[tilespmem:s20], [sflag:$0x4] =	stream.indirect.gather [hbm4b:s1+s17], $0x80, s31, s17, $0xb8;
	[tilespmem:$0x1E500] =	vst v63  }
0x7b: {  	_ =	swait.ge [sflag:s23], $0x4000  }
0x7c: {  	[sflag:s23] =	ssyncset.done $0x0  }
0x7d: {  	[sflag:s23] =	ssyncadd.s32 $0xFFFFC000  }
0x7e: {  	_ =	swait.ge [sflag:s24], $0x80  }
0x7f: {  	[sflag:s24] =	ssyncset.done $0x0  }
0x80: {  	[sflag:s24] =	ssyncadd.s32 $0xFFFFFF80  }
0x81: {  	[spmem:s3] =	stream.indirect.scatter.add.f32 [tilespmem:s20], [sflag:$0x6], $0x80, s19, s17, $0xb8;
	[tilespmem:$0x1E500] =	vst v63  }
0x82: {  	_ =	swait.ge [sflag:s25], $0x4000  }
0x83: {  	[sflag:s25] =	ssyncset.done $0x0  }
0x84: {  	[sflag:s25] =	ssyncadd.s32 $0xFFFFC000  }
0x85: {  	_ =	swait.ge [sflag:s26], $0x4000  }
0x86: {  	s28 =	sadd.s32 $0x1, s28;
	[sflag:s26] =	ssyncset.done $0x0  }
0x87: {  	p0 =	sne.s32 s28, s13;
	[sflag:s26] =	ssyncadd.s32 $0xFFFFC000  }
.Ltmp1:
0x88: {  	[bflag:$0x0] =	sbarrier.arrive $0xFFFF;
	(pc) =	sbr.rel @p0 .LBB2_1-.Ltmp1, $4  }
0x89: {  	[hbm:s12], [sflag:s8] =	dma.local [spmem:s14], $0x2780  }
0x8a: {  	_ =	swait.ge [sflag:s15], $0x2780  }
0x8b: {  	[sflag:s15] =	ssyncset.done $0x0  }
0x8c: {  	[sflag:s15] =	ssyncadd.s32 $0xFFFFD880  }
0x8d: {  	_ =	sfence.sel $0x180000  }
0x8e: {  	[bflag:$0x0] =	sbarrier.arrive $0xFFFF  }
0x8f: {  	_ =	strace $0x9000004D  }
0x90: {  	s0 =	stileid.u32;
	[bflag:$0x2] =	sbarrier.arrive $0xFFFF  }
0x91: {  	p0 =	sne.s32 s0, $0x0;
	s0 =	rddreg [dreg:$0x3]  }
0x92: {  	s0 =	sadd.s32 @!p0 $0x100000, s0  }
0x93: {  	[sflag:s0] =	ssyncadd.tile.s32 @!p0 $0x1;
	_ =	shalt  }
.Lfunc_end2:
_tile_overlayer_lowered:
.L_overlay_start_2:
0x94: {  	(tag) =	ssettag $0x2  }
0x95: {  	s0 =	rddreg [dreg:$0x0];
	s2 =	stileid.u32  }
0x96: {  	s1 =	rddreg [dreg:$0x1];
	p0 =	sne.s32 s2, $0x0  }
0x97: {  	s3 =	rddreg [dreg:$0x2];
	[bflag:$0x3] =	sbarrier.arrive $0xFFFF;
	s2 =	simm.s32 @!p0 $0x1C07  }
0x98: {  	[timem:s3], [sflag:s2] =	dma.local @!p0 [hbm:s0], s1  }
0x99: {  	s0 =	simm.s32 @!p0 $0x7  }
0x9a: {  	_ =	swait.ge @!p0 [sflag:s0], s1  }
0x9b: {  	s1 =	ssub.s32 @!p0 $0x0, s1;
	[sflag:s0] =	ssyncset.done @!p0 $0x0  }
0x9c: {  	[sflag:s0] =	ssyncadd.s32 @!p0 s1  }
0x9d: {  	[bflag:$0x3] =	sbarrier.arrive $0xFFFF  }
0x9e: {  	_ =	shalt  }

// kernel: kernel.21.cloned.1.call-start
scs
__scs_entry_jumppad:
0x0: {  	(pc) =	sbr.rel $0x88, $3  }
0x1: {  	(tag) =	ssettag $0x0;
	lr =	simm.s32 $0x1  }
0x2: {  	[smem:$0x3F91] =	sst lr;
	_ =	strace $0xD0000000  }
0x3: {  	_ = 	snop  }
0x4: {  	_ = 	snop  }
0x5: {  	_ = 	snop  }
0x6: {  	_ = 	snop  }
0x7: {  	_ = 	snop  }
__scs_overlays_trampoline_lowered:
0x8: {  	[smem:$0x3FA0] =	sst s0  }
0x9: {  	[smem:$0x3FA1] =	sst s1  }
0xa: {  	[smem:$0x3FA2] =	sst s2  }
0xb: {  	[smem:$0x3FA3] =	sst s3  }
0xc: {  	[smem:$0x3FA4] =	sst s4  }
0xd: {  	[smem:$0x3FA5] =	sst s5  }
0xe: {  	[smem:$0x3FA6] =	sst s6  }
0xf: {  	[smem:$0x3FA7] =	sst s7  }
0x10: {  	[smem:$0x3FA8] =	sst s8  }
0x11: {  	[smem:$0x3FA9] =	sst s9;
	s0 =	simm.s32 @!p0 $0x0  }
0x12: {  	s1 =	sld [smem:$0x3F8F];
	s0 =	simm.s32 @p0 $0x1  }
0x13: {  	[smem:$0x3FAA] =	sst s0;
	s0 =	simm.s32 @!p1 $0x0  }
0x14: {  	s2 =	sld [smem:$0x3F8E];
	s0 =	simm.s32 @p1 $0x1  }
0x15: {  	[smem:$0x3FAB] =	sst s0;
	s0 =	simm.s32 @!p2 $0x0  }
0x16: {  	s3 =	sld [smem:$0x3FDB];
	s0 =	simm.s32 @p2 $0x1  }
0x17: {  	s4 =	simm.s32 $0x1BF5;
	[smem:$0x3FAD] =	sst s0  }
0x18: {  	s0 =	sld [smem:$0x3F90];
	_ =	swait.ge [sflag:s4], $0x0  }
0x19: {  	s7 =	sld [smem:$0x3F91]  }
0x1a: {  	s8 =	sadd.s32 $0xFFFFE003, lr  }
0x1b: {  	s9 =	sadd.s32 $0xFFFFFEF7, lr;
	s5 =	simm.s32 $0xFFFFFFFF;
	p2 =	slt.u32 s8, $0xFFFFF086  }
0x1c: {  	p1 =	slt.u32 s9, $0xF7A;
	s5 =	simm.s32 @!p2 $0x0  }
0x1d: {  	s5 =	simm.s32 @p1 $0x1;
	p0 =	seq.s32 s7, s2  }
0x1e: {  	s7 =	smul.u32 @!p0 $0xF7A, s2;
	p2 =	seq.s32 @!p0 s5, $0x0  }
0x1f: {  	s9 =	smul.u32 $0xF7A, s1;
	s8 =	simm.s32 @!p0 $0x1BF5;
	p2 =	por !p2, p0  }
0x20: {  	[sflag:s8] =	ssyncset.s32 @!p0 $0xFFFFF086;
	s6 =	sadd.s32 @!p0 s3, s7;
	s7 =	simm.s32 @!p0 $0x108  }
0x21: {  	s3 =	sadd.s32 s3, s9;
	s6 =	sadd.s32 @!p0 $0x88, s6;
	s7 =	simm.s32 @p2 $0x1082  }
0x22: {  	[simem:s7], [sflag:s8] =	dma.local @!p0 [hbm:s6], $0xF7A  }
0x23: {  	s9 =	sor.u32 $0xD0000000, s2;
	s6 =	simm.s32 $0x108;
	_ =	swait.ge @!p0 [sflag:s8], $0x0  }
0x24: {  	s3 =	sadd.s32 $0x88, s3;
	s6 =	simm.s32 @!p1 $0x1082;
	[sflag:s4] =	ssyncset.s32 $0xFFFFF086  }
0x25: {  	[simem:s6], [sflag:s4] =	dma.local [hbm:s3], $0xF7A  }
0x26: {  	[smem:$0x3F91] =	sst s1;
	(tag) =	ssettag s2;
	_ =	strace s9  }
0x27: {  	s1 =	sld [smem:$0x3FA1]  }
0x28: {  	s2 =	sld [smem:$0x3FA2]  }
0x29: {  	s4 =	sld [smem:$0x3FA4]  }
0x2a: {  	p0 =	seq.s32 s5, $0x0;
	s5 =	sld [smem:$0x3FA5]  }
0x2b: {  	s6 =	sld [smem:$0x3FA6]  }
0x2c: {  	s7 =	sld [smem:$0x3FA7]  }
0x2d: {  	s3 =	simm.s32 $0x108;
	s8 =	sld [smem:$0x3FA8]  }
0x2e: {  	s3 =	simm.s32 @!p0 $0x1082;
	s9 =	sld [smem:$0x3FA9]  }
0x2f: {  	lr =	sadd.s32 s0, s3;
	s0 =	sld [smem:$0x3FA0]  }
0x30: {  	s3 =	sld [smem:$0x3FA3]  }
0x31: {  	[smem:$0x3FAC] =	sst s10  }
0x32: {  	s10 =	sld [smem:$0x3FAA];
	_ =	sdelay $0x3  }
0x33: {  	p0 =	seq.s32 s10, $0x1;
	s10 =	sld [smem:$0x3FAC];
	_ =	sdelay $0x3  }
0x34: {  	[smem:$0x3FAC] =	sst s10  }
0x35: {  	s10 =	sld [smem:$0x3FAB];
	_ =	sdelay $0x3  }
0x36: {  	p1 =	seq.s32 s10, $0x1;
	s10 =	sld [smem:$0x3FAC];
	_ =	sdelay $0x3  }
0x37: {  	[smem:$0x3FAC] =	sst s10  }
0x38: {  	s10 =	sld [smem:$0x3FAD]  }
0x39: {  	_ = 	snop;
	(pc) =	sbr.ind lr, $3  }
0x3a: {  	_ = 	snop  }
0x3b: {  	_ = 	snop  }
0x3c: {  	p2 =	seq.s32 s10, $0x1;
	s10 =	sld [smem:$0x3FAC]  }
0x3d: {  	_ =	shalt  }
0x3e: {  	_ =	shalt  }
0x3f: {  	_ =	shalt  }
0x40: {  	_ =	shalt  }
0x41: {  	_ =	shalt  }
0x42: {  	_ =	shalt  }
0x43: {  	_ =	shalt  }
0x44: {  	_ =	shalt  }
0x45: {  	_ =	shalt  }
0x46: {  	_ =	shalt  }
0x47: {  	_ =	shalt  }
0x48: {  	_ =	shalt  }
0x49: {  	_ =	shalt  }
0x4a: {  	_ =	shalt  }
0x4b: {  	_ =	shalt  }
0x4c: {  	_ =	shalt  }
0x4d: {  	_ =	shalt  }
0x4e: {  	_ =	shalt  }
0x4f: {  	_ =	shalt  }
0x50: {  	_ =	shalt  }
0x51: {  	_ =	shalt  }
0x52: {  	_ =	shalt  }
0x53: {  	_ =	shalt  }
0x54: {  	_ =	shalt  }
0x55: {  	_ =	shalt  }
0x56: {  	_ =	shalt  }
0x57: {  	_ =	shalt  }
0x58: {  	_ =	shalt  }
0x59: {  	_ =	shalt  }
0x5a: {  	_ =	shalt  }
0x5b: {  	_ =	shalt  }
0x5c: {  	_ =	shalt  }
0x5d: {  	_ =	shalt  }
0x5e: {  	_ =	shalt  }
0x5f: {  	_ =	shalt  }
0x60: {  	_ =	shalt  }
0x61: {  	_ =	shalt  }
0x62: {  	_ =	shalt  }
0x63: {  	_ =	shalt  }
0x64: {  	_ =	shalt  }
0x65: {  	_ =	shalt  }
0x66: {  	_ =	shalt  }
0x67: {  	_ =	shalt  }
0x68: {  	_ =	shalt  }
0x69: {  	_ =	shalt  }
0x6a: {  	_ =	shalt  }
0x6b: {  	_ =	shalt  }
0x6c: {  	_ =	shalt  }
0x6d: {  	_ =	shalt  }
0x6e: {  	_ =	shalt  }
0x6f: {  	_ =	shalt  }
0x70: {  	_ =	shalt  }
0x71: {  	_ =	shalt  }
0x72: {  	_ =	shalt  }
0x73: {  	_ =	shalt  }
0x74: {  	_ =	shalt  }
0x75: {  	_ =	shalt  }
0x76: {  	_ =	shalt  }
0x77: {  	_ =	shalt  }
0x78: {  	_ =	shalt  }
0x79: {  	_ =	shalt  }
0x7a: {  	_ =	shalt  }
0x7b: {  	_ =	shalt  }
0x7c: {  	_ =	shalt  }
0x7d: {  	_ =	shalt  }
0x7e: {  	_ =	shalt  }
0x7f: {  	_ =	shalt  }
0x80: {  	_ =	shalt  }
0x81: {  	_ =	shalt  }
0x82: {  	_ =	shalt  }
0x83: {  	_ =	shalt  }
0x84: {  	_ =	shalt  }
0x85: {  	_ =	shalt  }
0x86: {  	_ =	shalt  }
0x87: {  	_ =	shalt  }
.Lfunc_end0:
.L_simem_size_0:
called_computation.3_lowered:
.L_overlay_start_0:
0x88: {  	s2 =	sld [smem:$0x3FD9]  }
0x89: {  	s3 =	sld [smem:$0x3FFE];
	_ =	sdelay $0x1  }
0x8a: {  	s1 =	srdreg.scid  }
0x8b: {  	s0 =	sand.u32 $0x1, s1  }
0x8c: {  	s17 =	sshll.u32 s0, $0xA;
	s2 =	sadd.s32 s3, s2  }
0x8d: {  	s2 =	sadd.s32 s2, s17  }
0x8e: {  	[smem:$0x3FB8] =	sst s2  }
0x8f: {  	_ = 	snop  }
0x90: {  	s2 =	sld [smem:$0x3FD0];
	(tm) =	ssettm $0x1  }
0x91: {  	s18 =	sld [smem:$0x3FFB];
	_ =	sdelay $0x3  }
0x92: {  	_ =	strace s18  }
0x93: {  	s3 =	sld [smem:$0x3FFC];
	_ =	sdelay $0x3  }
0x94: {  	_ =	strace s3  }
0x95: {  	s3 =	sld [smem:$0x3FFD];
	_ =	sdelay $0x3  }
0x96: {  	_ =	strace s3  }
0x97: {  	_ =	strace $0x8FFFFFFF  }
0x98: {  	s19 =	sld [smem:$0x3FDB];
	_ =	sdelay $0x1  }
0x99: {  	s4 =	simm.s32 $_scs_section_size  }
0x9a: {  	s5 =	simm.s32 $_size__tile_overlayer_lowered;
	s6 =	simm.s32 $_tile_overlayer_lowered  }
0x9b: {  	s22 =	simm.s32 $0x1BFF;
	s21 =	sshll.u32 s6, $0x1;
	s3 =	sadd.s32 s4, s19  }
0x9c: {  	s7 =	simm.s32 $0x0;
	s20 =	sshll.u32 s5, $0x1;
	s5 =	sadd.s32 s21, s3  }
0x9d: {  	[timem:s7], [sflag:s22] =	dma.local [hbm:s5], s20  }
0x9e: {  	_ =	swait.ge [sflag:s22], s20  }
0x9f: {  	s4 =	ssub.s32 $0x0, s20;
	[sflag:s22] =	ssyncset.done $0x0  }
0xa0: {  	[sflag:s22] =	ssyncadd.s32 s4;
	_ =	sdelay $0x1  }
0xa1: {  	s23 =	simm.s32 $0x1B8B  }
0xa2: {  	_ =	swait.ge [sflag:s23], $0x1  }
0xa3: {  	[sflag:s23] =	ssyncset.done $0x0  }
0xa4: {  	s25 =	simm.s32 $0x1B8E;
	s24 =	sld [smem:$0x3FFE];
	[sflag:s23] =	ssyncadd.s32 $0xFFFFFFFF  }
0xa5: {  	s26 =	simm.s32 $execute0_lowered;
	[smem:$0x3FD2] =	sst s25  }
0xa6: {  	s5 =	sshll.u32 s26, $0x1;
	_ =	strace $0x8000004F;
	[dreg:$0x1] =	wrdreg $0xFFFFFFFF  }
0xa7: {  	s28 =	simm.s32 $_size_execute0_lowered;
	s3 =	sadd.s32 s3, s5;
	[dreg:$0x0] =	wrdreg $0x0  }
0xa8: {  	s5 =	sshll.u32 s28, $0x1;
	[dreg:$0x2] =	wrdreg s3  }
0xa9: {  	[dreg:$0x3] =	wrdreg s5  }
0xaa: {  	[dreg:$0x4] =	wrdreg $0xC0  }
0xab: {  	_ =	task [dreg:s7], $0x5FFFF  }
0xac: {  	[dreg:$0x1] =	wrdreg $0xFFFFFFFF  }
0xad: {  	[dreg:$0x0] =	wrdreg $0x60  }
0xae: {  	[dreg:$0x2] =	wrdreg s2  }
0xaf: {  	[dreg:$0x3] =	wrdreg s24  }
0xb0: {  	[dreg:$0x4] =	wrdreg $0xA9000  }
0xb1: {  	[dreg:$0x5] =	wrdreg $0x9  }
0xb2: {  	_ =	task.clear_ibuf [dreg:s7], $0x6FFFF;
	_ =	strace $0x9000004F  }
0xb3: {  	s29 =	simm.s32 $0x9;
	_ =	strace $0x80000051  }
0xb4: {  	_ =	swait.ge [sflag:s29], $0x1  }
0xb5: {  	[sflag:s29] =	ssyncadd.s32 $0xFFFFFFFF  }
0xb6: {  	_ =	strace $0x90000051  }
0xb7: {  	_ =	sfence  }
0xb8: {  	s30 =	sld [smem:$0x0];
	_ =	sdelay $0x2  }
0xb9: {  	s31 =	sshll.u32 s1, $0xD;
	s1 =	sshrl.u32 s1, $0x2  }
0xba: {  	s3 =	sand.u32 $0x4000, s31;
	s1 =	sadd.s32 s1, s30  }
0xbb: {  	s0 =	sor.u32 s3, s0;
	s1 =	sshll.u32 s1, $0x11  }
0xbc: {  	s0 =	sor.u32 s1, s0  }
0xbd: {  	s0 =	sadd.s32 $0x8F2B, s0  }
0xbe: {  	[sflag:s0] =	ssyncadd.remote.s32 $0x1  }
0xbf: {  	_ =	sfence.sel $0xFFFF  }
0xc0: {  	[dreg:$0x0] =	wrdreg $0xFFFFFFFF;
	(pc) =	sbr.abs _section_cstart, $3  }
0xc1: {  	[dreg:$0x1] =	wrdreg $0xFFFFFFFF  }
0xc2: {  	_ =	task.clear_ibuf [dreg:s7], $0x2FFFF;
	_ =	strace $0x9FFFFFFF  }
0xc3: {  	(tm) =	ssettm $0x7FFFFFFF  }
tec
execute0_lowered:
.L_overlay_start_1:
0x0: {  	(tag) =	ssettag $0x1  }
0x1: {  	s1 =	rddreg [dreg:$0x0]  }
0x2: {  	s0 =	srdreg.scid;
	s8 =	rddreg [dreg:$0x1]  }
0x3: {  	s12 =	stileid.u32;
	s3 =	rddreg [dreg:$0x2]  }
0x4: {  	s5 =	simm.s32 $0x0;
	s15 =	simm.s32 $0x7;
	s16 =	simm.s32 $0x2800  }
0x5: {  	s17 =	simm.s32 $0x80;
	s18 =	simm.s32 $0x2900;
	s19 =	simm.s32 $0x2880  }
0x6: {  	s20 =	simm.s32 $0x6900;
	s21 =	simm.s32 $0x3;
	s22 =	simm.s32 $0x1  }
0x7: {  	s23 =	simm.s32 $0x4;
	s28 =	simm.s32 $0x0;
	s0 =	sand.u32 $0x1, s0  }
0x8: {  	[smem:$0x7FF] =	sst s5;
	s7 =	smul.u32 $0x13C00, s12;
	s6 =	sadd.s32 $0xF400, s8  }
0x9: {  	s11 =	smul.u32 $0x4F000, s12;
	s25 =	sadd.s32 $0x1A400, s8;
	s30 =	sshll.u32 s12, $0x6  }
0xa: {  	s2 =	sshll.u32 s0, $0x4;
	s24 =	smul.u32 $0x13C000, s0;
	_ =	strace $0x80000050  }
0xb: {  	s0 =	ssub.s32 $0x2, s0;
	[dreg:$0x4] =	wrdreg s25;
	s25 =	simm.s32 $0x5  }
0xc: {  	s2 =	sor.u32 s12, s2;
	s26 =	sshrl.u32 s0, $0x1;
	s29 =	sshrl.u32 s11, $0x2  }
0xd: {  	s4 =	smul.u32 $0x2800, s2;
	s2 =	sadd.s32 s7, s24;
	s0 =	ssub.s32 s0, s26  }
0xe: {  	s14 =	sadd.s32 s29, s3;
	s24 =	simm.s32 $0x2;
	s26 =	simm.s32 $0x6  }
0xf: {  	s2 =	sshrl.u32 s2, $0x3;
	s13 =	smax.u32 s0, $0x1;
	s9 =	sshrl.u32 s4, $0x3  }
0x10: {  	s14 =	sshrl.u32 s14, $0x3;
	s2 =	sadd.s32 s2, s8;
	s10 =	sadd.s32 s9, s8  }
0x11: {  	s8 =	sor.u32 $0x1C07, s30;
	s9 =	sadd.s32 s6, s9;
	s31 =	sadd.s32 $0x5400, s10  }
0x12: {  	s12 =	sadd.s32 $0x6BC00, s2;
	s11 =	sadd.s32 $0x10, s9;
	[dreg:$0x5] =	wrdreg s31  }
.LBB2_1:
0x13: {  	s0 =	rddreg [dreg:$0x4]  }
0x14: {  	[spmem:s14], [sflag:s8] =	dma.local [hbm:s0], $0x2780  }
0x15: {  	_ =	swait.ge [sflag:s15], $0x2780  }
0x16: {  	[sflag:s15] =	ssyncset.done $0x0  }
0x17: {  	s2 =	rddreg [dreg:$0x5];
	[sflag:s15] =	ssyncadd.s32 $0xFFFFD880  }
0x18: {  	[tilespmem:s5], [sflag:$0x7] =	stream.linear.gather [hbm4b:s2+s5], $0x2800, $0x38;
	[tilespmem:$0x1E500] =	vst v63  }
0x19: {  	_ =	swait.ge [sflag:s15], $0x2800  }
0x1a: {  	[sflag:s15] =	ssyncset.done $0x0  }
0x1b: {  	[sflag:s15] =	ssyncadd.s32 $0xFFFFD800  }
0x1c: {  	[bflag:$0x0] =	sbarrier.arrive $0xFFFF  }
0x1d: {  	[tilespmem:s16], [sflag:$0x1] =	stream.linear.gather [hbm4b:s9+s5], $0x80, $0x38;
	[tilespmem:$0x1E500] =	vst v63  }
0x1e: {  	_ = 	snop  }
0x1f: {  	[tilespmem:s18], [sflag:$0x3] =	stream.indirect.gather [hbm4b:s1+s17], $0x80, s5, s17, $0xb8;
	[tilespmem:$0x1E500] =	vst v63  }
0x20: {  	_ = 	snop  }
0x21: {  	[tilespmem:s19], [sflag:$0x2] =	stream.linear.gather [hbm4b:s11+s5], $0x80, $0x38;
	[tilespmem:$0x1E500] =	vst v63  }
0x22: {  	_ = 	snop  }
0x23: {  	[tilespmem:s20], [sflag:$0x4] =	stream.indirect.gather [hbm4b:s1+s17], $0x80, s17, s17, $0xb8;
	[tilespmem:$0x1E500] =	vst v63  }
0x24: {  	_ =	swait.ge [sflag:s21], $0x4000  }
0x25: {  	[sflag:s21] =	ssyncset.done $0x0  }
0x26: {  	[sflag:s21] =	ssyncadd.s32 $0xFFFFC000  }
0x27: {  	_ =	swait.ge [sflag:s22], $0x80  }
0x28: {  	[sflag:s22] =	ssyncset.done $0x0  }
0x29: {  	[sflag:s22] =	ssyncadd.s32 $0xFFFFFF80  }
0x2a: {  	[spmem:s3] =	stream.indirect.scatter.add.f32 [tilespmem:s18], [sflag:$0x5], $0x80, s16, s17, $0xb8;
	[tilespmem:$0x1E500] =	vst v63  }
0x2b: {  	_ =	swait.ge [sflag:s23], $0x4000  }
0x2c: {  	[sflag:s23] =	ssyncset.done $0x0  }
0x2d: {  	[sflag:s23] =	ssyncadd.s32 $0xFFFFC000  }
0x2e: {  	s7 =	simm.s32 $0x100;
	_ =	swait.ge [sflag:s24], $0x80  }
0x2f: {  	s2 =	sand.u32 $0x3C00, s7;
	[sflag:s24] =	ssyncset.done $0x0  }
0x30: {  	s0 =	sand.u32 $0x300, s7;
	s2 =	sadd.s32 s4, s2;
	[sflag:s24] =	ssyncadd.s32 $0xFFFFFF80  }
0x31: {  	[spmem:s3] =	stream.indirect.scatter.add.f32 [tilespmem:s20], [sflag:$0x6], $0x80, s19, s17, $0xb8;
	[tilespmem:$0x1E500] =	vst v63  }
0x32: {  	s0 =	sor.u32 s0, s2;
	_ =	swait.ge [sflag:s25], $0x4000  }
0x33: {  	s0 =	sshrl.u32 s0, $0x3;
	[sflag:s25] =	ssyncset.done $0x0  }
0x34: {  	s0 =	sadd.s32 s6, s0;
	[sflag:s25] =	ssyncadd.s32 $0xFFFFC000  }
0x35: {  	[tilespmem:s16], [sflag:$0x1] =	stream.linear.gather [hbm4b:s0+s5], $0x80, $0x38;
	[tilespmem:$0x1E500] =	vst v63  }
0x36: {  	s10 =	simm.s32 $0x100  }
0x37: {  	[tilespmem:s18], [sflag:$0x3] =	stream.indirect.gather [hbm4b:s1+s17], $0x80, s10, s17, $0xb8;
	[tilespmem:$0x1E500] =	vst v63  }
0x38: {  	_ =	swait.ge [sflag:s21], $0x4000  }
0x39: {  	[sflag:s21] =	ssyncset.done $0x0  }
0x3a: {  	[sflag:s21] =	ssyncadd.s32 $0xFFFFC000  }
0x3b: {  	_ =	swait.ge [sflag:s22], $0x80  }
0x3c: {  	s7 =	simm.s32 $0x180;
	[sflag:s22] =	ssyncset.done $0x0  }
0x3d: {  	s0 =	sand.u32 $0x380, s7;
	[sflag:s22] =	ssyncadd.s32 $0xFFFFFF80  }
0x3e: {  	[spmem:s3] =	stream.indirect.scatter.add.f32 [tilespmem:s18], [sflag:$0x5], $0x80, s16, s17, $0xb8;
	[tilespmem:$0x1E500] =	vst v63  }
0x3f: {  	s0 =	sor.u32 s2, s0;
	_ =	swait.ge [sflag:s26], $0x4000  }
0x40: {  	s0 =	sshrl.u32 s0, $0x3;
	[sflag:s26] =	ssyncset.done $0x0  }
0x41: {  	s0 =	sadd.s32 s6, s0;
	[sflag:s26] =	ssyncadd.s32 $0xFFFFC000  }
0x42: {  	[tilespmem:s19], [sflag:$0x2] =	stream.linear.gather [hbm4b:s0+s5], $0x80, $0x38;
	[tilespmem:$0x1E500] =	vst v63  }
0x43: {  	s10 =	simm.s32 $0x180  }
0x44: {  	[tilespmem:s20], [sflag:$0x4] =	stream.indirect.gather [hbm4b:s1+s17], $0x80, s10, s17, $0xb8;
	[tilespmem:$0x1E500] =	vst v63  }
0x45: {  	_ =	swait.ge [sflag:s23], $0x4000  }
0x46: {  	s30 =	simm.s32 $0x280;
	s31 =	simm.s32 $0x380;
	[sflag:s23] =	ssyncset.done $0x0  }
0x47: {  	s29 =	simm.s32 $0x200;
	s0 =	simm.s32 $0x200;
	[sflag:s23] =	ssyncadd.s32 $0xFFFFC000  }
.LBB2_2:
0x48: {  	s7 =	sand.u32 $0x3C00, s0  }
0x49: {  	s10 =	sand.u32 $0x380, s30;
	s30 =	smov.u32 s31;
	s2 =	sadd.s32 $0x100, s31  }
0x4a: {  	s0 =	sand.u32 $0x300, s0;
	s7 =	sadd.s32 s4, s7;
	_ =	swait.ge [sflag:s24], $0x80  }
0x4b: {  	s0 =	sor.u32 s0, s7;
	s7 =	sor.u32 s7, s10;
	[sflag:s24] =	ssyncset.done $0x0  }
0x4c: {  	s0 =	sshrl.u32 s0, $0x3;
	s7 =	sshrl.u32 s7, $0x3;
	[sflag:s24] =	ssyncadd.s32 $0xFFFFFF80  }
0x4d: {  	[spmem:s3] =	stream.indirect.scatter.add.f32 [tilespmem:s20], [sflag:$0x6], $0x80, s19, s17, $0xb8;
	[tilespmem:$0x1E500] =	vst v63  }
0x4e: {  	p0 =	sne.s32 s31, $0x2780;
	_ =	swait.ge [sflag:s25], $0x4000  }
0x4f: {  	[sflag:s25] =	ssyncset.done $0x0  }
0x50: {  	s0 =	sadd.s32 s6, s0;
	[sflag:s25] =	ssyncadd.s32 $0xFFFFC000  }
0x51: {  	[tilespmem:s16], [sflag:$0x1] =	stream.linear.gather [hbm4b:s0+s5], $0x80, $0x38;
	[tilespmem:$0x1E500] =	vst v63  }
0x52: {  	_ = 	snop  }
0x53: {  	[tilespmem:s18], [sflag:$0x3] =	stream.indirect.gather [hbm4b:s1+s17], $0x80, s29, s17, $0xb8;
	[tilespmem:$0x1E500] =	vst v63  }
0x54: {  	_ =	swait.ge [sflag:s21], $0x4000  }
0x55: {  	[sflag:s21] =	ssyncset.done $0x0  }
0x56: {  	[sflag:s21] =	ssyncadd.s32 $0xFFFFC000  }
0x57: {  	_ =	swait.ge [sflag:s22], $0x80  }
0x58: {  	[sflag:s22] =	ssyncset.done $0x0  }
0x59: {  	[sflag:s22] =	ssyncadd.s32 $0xFFFFFF80  }
0x5a: {  	[spmem:s3] =	stream.indirect.scatter.add.f32 [tilespmem:s18], [sflag:$0x5], $0x80, s16, s17, $0xb8;
	[tilespmem:$0x1E500] =	vst v63  }
0x5b: {  	_ =	swait.ge [sflag:s26], $0x4000  }
0x5c: {  	[sflag:s26] =	ssyncset.done $0x0  }
0x5d: {  	s0 =	sadd.s32 s6, s7;
	[sflag:s26] =	ssyncadd.s32 $0xFFFFC000  }
0x5e: {  	[tilespmem:s19], [sflag:$0x2] =	stream.linear.gather [hbm4b:s0+s5], $0x80, $0x38;
	[tilespmem:$0x1E500] =	vst v63  }
.Ltmp0:
0x5f: {  	s0 =	sadd.s32 $0x80, s29;
	(pc) =	sbr.rel @p0 .LBB2_2-.Ltmp0, $4  }
0x60: {  	[tilespmem:s20], [sflag:$0x4] =	stream.indirect.gather [hbm4b:s1+s17], $0x80, s0, s17, $0xb8;
	[tilespmem:$0x1E500] =	vst v63  }
0x61: {  	_ =	swait.ge [sflag:s23], $0x4000  }
0x62: {  	s31 =	smov.u32 s2;
	[sflag:s23] =	ssyncset.done $0x0  }
0x63: {  	s29 =	sadd.s32 $0x100, s29;
	s0 =	sadd.s32 $0xFFFFFF80, s30;
	[sflag:s23] =	ssyncadd.s32 $0xFFFFC000  }
0x64: {  	_ =	swait.ge [sflag:s24], $0x80  }
0x65: {  	s2 =	sand.u32 $0x3C00, s0;
	[sflag:s24] =	ssyncset.done $0x0  }
0x66: {  	s10 =	sand.u32 $0x300, s0;
	s2 =	sadd.s32 s4, s2;
	[sflag:s24] =	ssyncadd.s32 $0xFFFFFF80  }
0x67: {  	[spmem:s3] =	stream.indirect.scatter.add.f32 [tilespmem:s20], [sflag:$0x6], $0x80, s19, s17, $0xb8;
	[tilespmem:$0x1E500] =	vst v63  }
0x68: {  	s0 =	sor.u32 s10, s2;
	_ =	swait.ge [sflag:s25], $0x4000  }
0x69: {  	s0 =	sshrl.u32 s0, $0x3;
	[sflag:s25] =	ssyncset.done $0x0  }
0x6a: {  	s0 =	sadd.s32 s6, s0;
	[sflag:s25] =	ssyncadd.s32 $0xFFFFC000  }
0x6b: {  	[tilespmem:s16], [sflag:$0x1] =	stream.linear.gather [hbm4b:s0+s5], $0x80, $0x38;
	[tilespmem:$0x1E500] =	vst v63  }
0x6c: {  	_ = 	snop  }
0x6d: {  	[tilespmem:s18], [sflag:$0x3] =	stream.indirect.gather [hbm4b:s1+s17], $0x80, s29, s17, $0xb8;
	[tilespmem:$0x1E500] =	vst v63  }
0x6e: {  	_ =	swait.ge [sflag:s21], $0x4000  }
0x6f: {  	[sflag:s21] =	ssyncset.done $0x0  }
0x70: {  	[sflag:s21] =	ssyncadd.s32 $0xFFFFC000  }
0x71: {  	_ =	swait.ge [sflag:s22], $0x80  }
0x72: {  	[sflag:s22] =	ssyncset.done $0x0  }
0x73: {  	s30 =	sand.u32 $0x380, s30;
	[sflag:s22] =	ssyncadd.s32 $0xFFFFFF80  }
0x74: {  	[spmem:s3] =	stream.indirect.scatter.add.f32 [tilespmem:s18], [sflag:$0x5], $0x80, s16, s17, $0xb8;
	[tilespmem:$0x1E500] =	vst v63  }
0x75: {  	s0 =	sor.u32 s2, s30;
	_ =	swait.ge [sflag:s26], $0x4000  }
0x76: {  	s0 =	sshrl.u32 s0, $0x3;
	[sflag:s26] =	ssyncset.done $0x0  }
0x77: {  	s0 =	sadd.s32 s6, s0;
	[sflag:s26] =	ssyncadd.s32 $0xFFFFC000  }
0x78: {  	[tilespmem:s19], [sflag:$0x2] =	stream.linear.gather [hbm4b:s0+s5], $0x80, $0x38;
	[tilespmem:$0x1E500] =	vst v63  }
0x79: {  	s31 =	sadd.s32 $0x80, s29  }
0x7a: {  	[tilespmem:s20], [sflag:$0x4] =	stream.indirect.gather [hbm4b:s1+s17], $0x80, s31, s17, $0xb8;
	[tilespmem:$0x1E500] =	vst v63  }
0x7b: {  	_ =	swait.ge [sflag:s23], $0x4000  }
0x7c: {  	[sflag:s23] =	ssyncset.done $0x0  }
0x7d: {  	[sflag:s23] =	ssyncadd.s32 $0xFFFFC000  }
0x7e: {  	_ =	swait.ge [sflag:s24], $0x80  }
0x7f: {  	[sflag:s24] =	ssyncset.done $0x0  }
0x80: {  	[sflag:s24] =	ssyncadd.s32 $0xFFFFFF80  }
0x81: {  	[spmem:s3] =	stream.indirect.scatter.add.f32 [tilespmem:s20], [sflag:$0x6], $0x80, s19, s17, $0xb8;
	[tilespmem:$0x1E500] =	vst v63  }
0x82: {  	_ =	swait.ge [sflag:s25], $0x4000  }
0x83: {  	[sflag:s25] =	ssyncset.done $0x0  }
0x84: {  	[sflag:s25] =	ssyncadd.s32 $0xFFFFC000  }
0x85: {  	_ =	swait.ge [sflag:s26], $0x4000  }
0x86: {  	s28 =	sadd.s32 $0x1, s28;
	[sflag:s26] =	ssyncset.done $0x0  }
0x87: {  	p0 =	sne.s32 s28, s13;
	[sflag:s26] =	ssyncadd.s32 $0xFFFFC000  }
.Ltmp1:
0x88: {  	[bflag:$0x0] =	sbarrier.arrive $0xFFFF;
	(pc) =	sbr.rel @p0 .LBB2_1-.Ltmp1, $4  }
0x89: {  	[hbm:s12], [sflag:s8] =	dma.local [spmem:s14], $0x2780  }
0x8a: {  	_ =	swait.ge [sflag:s15], $0x2780  }
0x8b: {  	[sflag:s15] =	ssyncset.done $0x0  }
0x8c: {  	[sflag:s15] =	ssyncadd.s32 $0xFFFFD880  }
0x8d: {  	_ =	sfence.sel $0x180000  }
0x8e: {  	[bflag:$0x0] =	sbarrier.arrive $0xFFFF  }
0x8f: {  	_ =	strace $0x90000050  }
0x90: {  	s0 =	stileid.u32;
	[bflag:$0x2] =	sbarrier.arrive $0xFFFF  }
0x91: {  	p0 =	sne.s32 s0, $0x0;
	s0 =	rddreg [dreg:$0x3]  }
0x92: {  	s0 =	sadd.s32 @!p0 $0x100000, s0  }
0x93: {  	[sflag:s0] =	ssyncadd.tile.s32 @!p0 $0x1;
	_ =	shalt  }
.Lfunc_end2:
_tile_overlayer_lowered:
.L_overlay_start_2:
0x94: {  	(tag) =	ssettag $0x2  }
0x95: {  	s0 =	rddreg [dreg:$0x0];
	s2 =	stileid.u32  }
0x96: {  	s1 =	rddreg [dreg:$0x1];
	p0 =	sne.s32 s2, $0x0  }
0x97: {  	s3 =	rddreg [dreg:$0x2];
	[bflag:$0x3] =	sbarrier.arrive $0xFFFF;
	s2 =	simm.s32 @!p0 $0x1C07  }
0x98: {  	[timem:s3], [sflag:s2] =	dma.local @!p0 [hbm:s0], s1  }
0x99: {  	s0 =	simm.s32 @!p0 $0x7  }
0x9a: {  	_ =	swait.ge @!p0 [sflag:s0], s1  }
0x9b: {  	s1 =	ssub.s32 @!p0 $0x0, s1;
	[sflag:s0] =	ssyncset.done @!p0 $0x0  }
0x9c: {  	[sflag:s0] =	ssyncadd.s32 @!p0 s1  }
0x9d: {  	[bflag:$0x3] =	sbarrier.arrive $0xFFFF  }
0x9e: {  	_ =	shalt  }

// kernel: kernel.24.cloned.1.call-start
scs
__scs_entry_jumppad:
0x0: {  	(pc) =	sbr.rel $0x88, $3  }
0x1: {  	(tag) =	ssettag $0x0;
	lr =	simm.s32 $0x1  }
0x2: {  	[smem:$0x3F91] =	sst lr;
	_ =	strace $0xD0000000  }
0x3: {  	_ = 	snop  }
0x4: {  	_ = 	snop  }
0x5: {  	_ = 	snop  }
0x6: {  	_ = 	snop  }
0x7: {  	_ = 	snop  }
__scs_overlays_trampoline_lowered:
0x8: {  	[smem:$0x3FA0] =	sst s0  }
0x9: {  	[smem:$0x3FA1] =	sst s1  }
0xa: {  	[smem:$0x3FA2] =	sst s2  }
0xb: {  	[smem:$0x3FA3] =	sst s3  }
0xc: {  	[smem:$0x3FA4] =	sst s4  }
0xd: {  	[smem:$0x3FA5] =	sst s5  }
0xe: {  	[smem:$0x3FA6] =	sst s6  }
0xf: {  	[smem:$0x3FA7] =	sst s7  }
0x10: {  	[smem:$0x3FA8] =	sst s8  }
0x11: {  	[smem:$0x3FA9] =	sst s9;
	s0 =	simm.s32 @!p0 $0x0  }
0x12: {  	s1 =	sld [smem:$0x3F8F];
	s0 =	simm.s32 @p0 $0x1  }
0x13: {  	[smem:$0x3FAA] =	sst s0;
	s0 =	simm.s32 @!p1 $0x0  }
0x14: {  	s2 =	sld [smem:$0x3F8E];
	s0 =	simm.s32 @p1 $0x1  }
0x15: {  	[smem:$0x3FAB] =	sst s0;
	s0 =	simm.s32 @!p2 $0x0  }
0x16: {  	s3 =	sld [smem:$0x3FDB];
	s0 =	simm.s32 @p2 $0x1  }
0x17: {  	s4 =	simm.s32 $0x1BF5;
	[smem:$0x3FAD] =	sst s0  }
0x18: {  	s0 =	sld [smem:$0x3F90];
	_ =	swait.ge [sflag:s4], $0x0  }
0x19: {  	s7 =	sld [smem:$0x3F91]  }
0x1a: {  	s8 =	sadd.s32 $0xFFFFE003, lr  }
0x1b: {  	s9 =	sadd.s32 $0xFFFFFEF7, lr;
	s5 =	simm.s32 $0xFFFFFFFF;
	p2 =	slt.u32 s8, $0xFFFFF086  }
0x1c: {  	p1 =	slt.u32 s9, $0xF7A;
	s5 =	simm.s32 @!p2 $0x0  }
0x1d: {  	s5 =	simm.s32 @p1 $0x1;
	p0 =	seq.s32 s7, s2  }
0x1e: {  	s7 =	smul.u32 @!p0 $0xF7A, s2;
	p2 =	seq.s32 @!p0 s5, $0x0  }
0x1f: {  	s9 =	smul.u32 $0xF7A, s1;
	s8 =	simm.s32 @!p0 $0x1BF5;
	p2 =	por !p2, p0  }
0x20: {  	[sflag:s8] =	ssyncset.s32 @!p0 $0xFFFFF086;
	s6 =	sadd.s32 @!p0 s3, s7;
	s7 =	simm.s32 @!p0 $0x108  }
0x21: {  	s3 =	sadd.s32 s3, s9;
	s6 =	sadd.s32 @!p0 $0x88, s6;
	s7 =	simm.s32 @p2 $0x1082  }
0x22: {  	[simem:s7], [sflag:s8] =	dma.local @!p0 [hbm:s6], $0xF7A  }
0x23: {  	s9 =	sor.u32 $0xD0000000, s2;
	s6 =	simm.s32 $0x108;
	_ =	swait.ge @!p0 [sflag:s8], $0x0  }
0x24: {  	s3 =	sadd.s32 $0x88, s3;
	s6 =	simm.s32 @!p1 $0x1082;
	[sflag:s4] =	ssyncset.s32 $0xFFFFF086  }
0x25: {  	[simem:s6], [sflag:s4] =	dma.local [hbm:s3], $0xF7A  }
0x26: {  	[smem:$0x3F91] =	sst s1;
	(tag) =	ssettag s2;
	_ =	strace s9  }
0x27: {  	s1 =	sld [smem:$0x3FA1]  }
0x28: {  	s2 =	sld [smem:$0x3FA2]  }
0x29: {  	s4 =	sld [smem:$0x3FA4]  }
0x2a: {  	p0 =	seq.s32 s5, $0x0;
	s5 =	sld [smem:$0x3FA5]  }
0x2b: {  	s6 =	sld [smem:$0x3FA6]  }
0x2c: {  	s7 =	sld [smem:$0x3FA7]  }
0x2d: {  	s3 =	simm.s32 $0x108;
	s8 =	sld [smem:$0x3FA8]  }
0x2e: {  	s3 =	simm.s32 @!p0 $0x1082;
	s9 =	sld [smem:$0x3FA9]  }
0x2f: {  	lr =	sadd.s32 s0, s3;
	s0 =	sld [smem:$0x3FA0]  }
0x30: {  	s3 =	sld [smem:$0x3FA3]  }
0x31: {  	[smem:$0x3FAC] =	sst s10  }
0x32: {  	s10 =	sld [smem:$0x3FAA];
	_ =	sdelay $0x3  }
0x33: {  	p0 =	seq.s32 s10, $0x1;
	s10 =	sld [smem:$0x3FAC];
	_ =	sdelay $0x3  }
0x34: {  	[smem:$0x3FAC] =	sst s10  }
0x35: {  	s10 =	sld [smem:$0x3FAB];
	_ =	sdelay $0x3  }
0x36: {  	p1 =	seq.s32 s10, $0x1;
	s10 =	sld [smem:$0x3FAC];
	_ =	sdelay $0x3  }
0x37: {  	[smem:$0x3FAC] =	sst s10  }
0x38: {  	s10 =	sld [smem:$0x3FAD]  }
0x39: {  	_ = 	snop;
	(pc) =	sbr.ind lr, $3  }
0x3a: {  	_ = 	snop  }
0x3b: {  	_ = 	snop  }
0x3c: {  	p2 =	seq.s32 s10, $0x1;
	s10 =	sld [smem:$0x3FAC]  }
0x3d: {  	_ =	shalt  }
0x3e: {  	_ =	shalt  }
0x3f: {  	_ =	shalt  }
0x40: {  	_ =	shalt  }
0x41: {  	_ =	shalt  }
0x42: {  	_ =	shalt  }
0x43: {  	_ =	shalt  }
0x44: {  	_ =	shalt  }
0x45: {  	_ =	shalt  }
0x46: {  	_ =	shalt  }
0x47: {  	_ =	shalt  }
0x48: {  	_ =	shalt  }
0x49: {  	_ =	shalt  }
0x4a: {  	_ =	shalt  }
0x4b: {  	_ =	shalt  }
0x4c: {  	_ =	shalt  }
0x4d: {  	_ =	shalt  }
0x4e: {  	_ =	shalt  }
0x4f: {  	_ =	shalt  }
0x50: {  	_ =	shalt  }
0x51: {  	_ =	shalt  }
0x52: {  	_ =	shalt  }
0x53: {  	_ =	shalt  }
0x54: {  	_ =	shalt  }
0x55: {  	_ =	shalt  }
0x56: {  	_ =	shalt  }
0x57: {  	_ =	shalt  }
0x58: {  	_ =	shalt  }
0x59: {  	_ =	shalt  }
0x5a: {  	_ =	shalt  }
0x5b: {  	_ =	shalt  }
0x5c: {  	_ =	shalt  }
0x5d: {  	_ =	shalt  }
0x5e: {  	_ =	shalt  }
0x5f: {  	_ =	shalt  }
0x60: {  	_ =	shalt  }
0x61: {  	_ =	shalt  }
0x62: {  	_ =	shalt  }
0x63: {  	_ =	shalt  }
0x64: {  	_ =	shalt  }
0x65: {  	_ =	shalt  }
0x66: {  	_ =	shalt  }
0x67: {  	_ =	shalt  }
0x68: {  	_ =	shalt  }
0x69: {  	_ =	shalt  }
0x6a: {  	_ =	shalt  }
0x6b: {  	_ =	shalt  }
0x6c: {  	_ =	shalt  }
0x6d: {  	_ =	shalt  }
0x6e: {  	_ =	shalt  }
0x6f: {  	_ =	shalt  }
0x70: {  	_ =	shalt  }
0x71: {  	_ =	shalt  }
0x72: {  	_ =	shalt  }
0x73: {  	_ =	shalt  }
0x74: {  	_ =	shalt  }
0x75: {  	_ =	shalt  }
0x76: {  	_ =	shalt  }
0x77: {  	_ =	shalt  }
0x78: {  	_ =	shalt  }
0x79: {  	_ =	shalt  }
0x7a: {  	_ =	shalt  }
0x7b: {  	_ =	shalt  }
0x7c: {  	_ =	shalt  }
0x7d: {  	_ =	shalt  }
0x7e: {  	_ =	shalt  }
0x7f: {  	_ =	shalt  }
0x80: {  	_ =	shalt  }
0x81: {  	_ =	shalt  }
0x82: {  	_ =	shalt  }
0x83: {  	_ =	shalt  }
0x84: {  	_ =	shalt  }
0x85: {  	_ =	shalt  }
0x86: {  	_ =	shalt  }
0x87: {  	_ =	shalt  }
.Lfunc_end0:
.L_simem_size_0:
called_computation.4_lowered:
.L_overlay_start_0:
0x88: {  	s2 =	sld [smem:$0x3FD9]  }
0x89: {  	s3 =	sld [smem:$0x3FFE];
	_ =	sdelay $0x1  }
0x8a: {  	s1 =	srdreg.scid  }
0x8b: {  	s0 =	sand.u32 $0x1, s1  }
0x8c: {  	s17 =	sshll.u32 s0, $0xA;
	s2 =	sadd.s32 s3, s2  }
0x8d: {  	s2 =	sadd.s32 s2, s17  }
0x8e: {  	[smem:$0x3FB8] =	sst s2  }
0x8f: {  	_ = 	snop  }
0x90: {  	s2 =	sld [smem:$0x3FD0];
	(tm) =	ssettm $0x1  }
0x91: {  	s18 =	sld [smem:$0x3FFB];
	_ =	sdelay $0x3  }
0x92: {  	_ =	strace s18  }
0x93: {  	s3 =	sld [smem:$0x3FFC];
	_ =	sdelay $0x3  }
0x94: {  	_ =	strace s3  }
0x95: {  	s3 =	sld [smem:$0x3FFD];
	_ =	sdelay $0x3  }
0x96: {  	_ =	strace s3  }
0x97: {  	_ =	strace $0x8FFFFFFF  }
0x98: {  	s19 =	sld [smem:$0x3FDB];
	_ =	sdelay $0x1  }
0x99: {  	s4 =	simm.s32 $_scs_section_size  }
0x9a: {  	s5 =	simm.s32 $_size__tile_overlayer_lowered;
	s6 =	simm.s32 $_tile_overlayer_lowered  }
0x9b: {  	s22 =	simm.s32 $0x1BFF;
	s21 =	sshll.u32 s6, $0x1;
	s3 =	sadd.s32 s4, s19  }
0x9c: {  	s7 =	simm.s32 $0x0;
	s20 =	sshll.u32 s5, $0x1;
	s5 =	sadd.s32 s21, s3  }
0x9d: {  	[timem:s7], [sflag:s22] =	dma.local [hbm:s5], s20  }
0x9e: {  	_ =	swait.ge [sflag:s22], s20  }
0x9f: {  	s4 =	ssub.s32 $0x0, s20;
	[sflag:s22] =	ssyncset.done $0x0  }
0xa0: {  	[sflag:s22] =	ssyncadd.s32 s4;
	_ =	sdelay $0x1  }
0xa1: {  	s23 =	simm.s32 $0x1B8B  }
0xa2: {  	_ =	swait.ge [sflag:s23], $0x1  }
0xa3: {  	[sflag:s23] =	ssyncset.done $0x0  }
0xa4: {  	s25 =	simm.s32 $0x1B8E;
	s24 =	sld [smem:$0x3FFE];
	[sflag:s23] =	ssyncadd.s32 $0xFFFFFFFF  }
0xa5: {  	s26 =	simm.s32 $execute0_lowered;
	[smem:$0x3FD2] =	sst s25  }
0xa6: {  	s5 =	sshll.u32 s26, $0x1;
	_ =	strace $0x80000052;
	[dreg:$0x1] =	wrdreg $0xFFFFFFFF  }
0xa7: {  	s28 =	simm.s32 $_size_execute0_lowered;
	s3 =	sadd.s32 s3, s5;
	[dreg:$0x0] =	wrdreg $0x0  }
0xa8: {  	s5 =	sshll.u32 s28, $0x1;
	[dreg:$0x2] =	wrdreg s3  }
0xa9: {  	[dreg:$0x3] =	wrdreg s5  }
0xaa: {  	[dreg:$0x4] =	wrdreg $0xC0  }
0xab: {  	_ =	task [dreg:s7], $0x5FFFF  }
0xac: {  	[dreg:$0x1] =	wrdreg $0xFFFFFFFF  }
0xad: {  	[dreg:$0x0] =	wrdreg $0x60  }
0xae: {  	[dreg:$0x2] =	wrdreg s2  }
0xaf: {  	[dreg:$0x3] =	wrdreg s24  }
0xb0: {  	[dreg:$0x4] =	wrdreg $0xA9000  }
0xb1: {  	[dreg:$0x5] =	wrdreg $0x9  }
0xb2: {  	_ =	task.clear_ibuf [dreg:s7], $0x6FFFF;
	_ =	strace $0x90000052  }
0xb3: {  	s29 =	simm.s32 $0x9;
	_ =	strace $0x80000054  }
0xb4: {  	_ =	swait.ge [sflag:s29], $0x1  }
0xb5: {  	[sflag:s29] =	ssyncadd.s32 $0xFFFFFFFF  }
0xb6: {  	_ =	strace $0x90000054  }
0xb7: {  	_ =	sfence  }
0xb8: {  	s30 =	sld [smem:$0x0];
	_ =	sdelay $0x2  }
0xb9: {  	s31 =	sshll.u32 s1, $0xD;
	s1 =	sshrl.u32 s1, $0x2  }
0xba: {  	s3 =	sand.u32 $0x4000, s31;
	s1 =	sadd.s32 s1, s30  }
0xbb: {  	s0 =	sor.u32 s3, s0;
	s1 =	sshll.u32 s1, $0x11  }
0xbc: {  	s0 =	sor.u32 s1, s0  }
0xbd: {  	s0 =	sadd.s32 $0x8F2B, s0  }
0xbe: {  	[sflag:s0] =	ssyncadd.remote.s32 $0x1  }
0xbf: {  	_ =	sfence.sel $0xFFFF  }
0xc0: {  	[dreg:$0x0] =	wrdreg $0xFFFFFFFF;
	(pc) =	sbr.abs _section_cstart, $3  }
0xc1: {  	[dreg:$0x1] =	wrdreg $0xFFFFFFFF  }
0xc2: {  	_ =	task.clear_ibuf [dreg:s7], $0x2FFFF;
	_ =	strace $0x9FFFFFFF  }
0xc3: {  	(tm) =	ssettm $0x7FFFFFFF  }
tec
execute0_lowered:
.L_overlay_start_1:
0x0: {  	(tag) =	ssettag $0x1  }
0x1: {  	s1 =	rddreg [dreg:$0x0]  }
0x2: {  	s0 =	srdreg.scid;
	s8 =	rddreg [dreg:$0x1]  }
0x3: {  	s12 =	stileid.u32;
	s3 =	rddreg [dreg:$0x2]  }
0x4: {  	s5 =	simm.s32 $0x0;
	s15 =	simm.s32 $0x7;
	s16 =	simm.s32 $0x2800  }
0x5: {  	s17 =	simm.s32 $0x80;
	s18 =	simm.s32 $0x2900;
	s19 =	simm.s32 $0x2880  }
0x6: {  	s20 =	simm.s32 $0x6900;
	s21 =	simm.s32 $0x3;
	s22 =	simm.s32 $0x1  }
0x7: {  	s23 =	simm.s32 $0x4;
	s28 =	simm.s32 $0x0;
	s0 =	sand.u32 $0x1, s0  }
0x8: {  	[smem:$0x7FF] =	sst s5;
	s7 =	smul.u32 $0x13C00, s12;
	s6 =	sadd.s32 $0xF400, s8  }
0x9: {  	s11 =	smul.u32 $0x4F000, s12;
	s25 =	sadd.s32 $0x1A400, s8;
	s30 =	sshll.u32 s12, $0x6  }
0xa: {  	s2 =	sshll.u32 s0, $0x4;
	s24 =	smul.u32 $0x13C000, s0;
	_ =	strace $0x80000053  }
0xb: {  	s0 =	ssub.s32 $0x2, s0;
	[dreg:$0x4] =	wrdreg s25;
	s25 =	simm.s32 $0x5  }
0xc: {  	s2 =	sor.u32 s12, s2;
	s26 =	sshrl.u32 s0, $0x1;
	s29 =	sshrl.u32 s11, $0x2  }
0xd: {  	s4 =	smul.u32 $0x2800, s2;
	s2 =	sadd.s32 s7, s24;
	s0 =	ssub.s32 s0, s26  }
0xe: {  	s14 =	sadd.s32 s29, s3;
	s24 =	simm.s32 $0x2;
	s26 =	simm.s32 $0x6  }
0xf: {  	s2 =	sshrl.u32 s2, $0x3;
	s13 =	smax.u32 s0, $0x1;
	s9 =	sshrl.u32 s4, $0x3  }
0x10: {  	s14 =	sshrl.u32 s14, $0x3;
	s2 =	sadd.s32 s2, s8;
	s10 =	sadd.s32 s9, s8  }
0x11: {  	s8 =	sor.u32 $0x1C07, s30;
	s9 =	sadd.s32 s6, s9;
	s31 =	sadd.s32 $0x5400, s10  }
0x12: {  	s12 =	sadd.s32 $0x6BC00, s2;
	s11 =	sadd.s32 $0x10, s9;
	[dreg:$0x5] =	wrdreg s31  }
.LBB2_1:
0x13: {  	s0 =	rddreg [dreg:$0x4]  }
0x14: {  	[spmem:s14], [sflag:s8] =	dma.local [hbm:s0], $0x2780  }
0x15: {  	_ =	swait.ge [sflag:s15], $0x2780  }
0x16: {  	[sflag:s15] =	ssyncset.done $0x0  }
0x17: {  	s2 =	rddreg [dreg:$0x5];
	[sflag:s15] =	ssyncadd.s32 $0xFFFFD880  }
0x18: {  	[tilespmem:s5], [sflag:$0x7] =	stream.linear.gather [hbm4b:s2+s5], $0x2800, $0x38;
	[tilespmem:$0x1E500] =	vst v63  }
0x19: {  	_ =	swait.ge [sflag:s15], $0x2800  }
0x1a: {  	[sflag:s15] =	ssyncset.done $0x0  }
0x1b: {  	[sflag:s15] =	ssyncadd.s32 $0xFFFFD800  }
0x1c: {  	[bflag:$0x0] =	sbarrier.arrive $0xFFFF  }
0x1d: {  	[tilespmem:s16], [sflag:$0x1] =	stream.linear.gather [hbm4b:s9+s5], $0x80, $0x38;
	[tilespmem:$0x1E500] =	vst v63  }
0x1e: {  	_ = 	snop  }
0x1f: {  	[tilespmem:s18], [sflag:$0x3] =	stream.indirect.gather [hbm4b:s1+s17], $0x80, s5, s17, $0xb8;
	[tilespmem:$0x1E500] =	vst v63  }
0x20: {  	_ = 	snop  }
0x21: {  	[tilespmem:s19], [sflag:$0x2] =	stream.linear.gather [hbm4b:s11+s5], $0x80, $0x38;
	[tilespmem:$0x1E500] =	vst v63  }
0x22: {  	_ = 	snop  }
0x23: {  	[tilespmem:s20], [sflag:$0x4] =	stream.indirect.gather [hbm4b:s1+s17], $0x80, s17, s17, $0xb8;
	[tilespmem:$0x1E500] =	vst v63  }
0x24: {  	_ =	swait.ge [sflag:s21], $0x4000  }
0x25: {  	[sflag:s21] =	ssyncset.done $0x0  }
0x26: {  	[sflag:s21] =	ssyncadd.s32 $0xFFFFC000  }
0x27: {  	_ =	swait.ge [sflag:s22], $0x80  }
0x28: {  	[sflag:s22] =	ssyncset.done $0x0  }
0x29: {  	[sflag:s22] =	ssyncadd.s32 $0xFFFFFF80  }
0x2a: {  	[spmem:s3] =	stream.indirect.scatter.add.f32 [tilespmem:s18], [sflag:$0x5], $0x80, s16, s17, $0xb8;
	[tilespmem:$0x1E500] =	vst v63  }
0x2b: {  	_ =	swait.ge [sflag:s23], $0x4000  }
0x2c: {  	[sflag:s23] =	ssyncset.done $0x0  }
0x2d: {  	[sflag:s23] =	ssyncadd.s32 $0xFFFFC000  }
0x2e: {  	s7 =	simm.s32 $0x100;
	_ =	swait.ge [sflag:s24], $0x80  }
0x2f: {  	s2 =	sand.u32 $0x3C00, s7;
	[sflag:s24] =	ssyncset.done $0x0  }
0x30: {  	s0 =	sand.u32 $0x300, s7;
	s2 =	sadd.s32 s4, s2;
	[sflag:s24] =	ssyncadd.s32 $0xFFFFFF80  }
0x31: {  	[spmem:s3] =	stream.indirect.scatter.add.f32 [tilespmem:s20], [sflag:$0x6], $0x80, s19, s17, $0xb8;
	[tilespmem:$0x1E500] =	vst v63  }
0x32: {  	s0 =	sor.u32 s0, s2;
	_ =	swait.ge [sflag:s25], $0x4000  }
0x33: {  	s0 =	sshrl.u32 s0, $0x3;
	[sflag:s25] =	ssyncset.done $0x0  }
0x34: {  	s0 =	sadd.s32 s6, s0;
	[sflag:s25] =	ssyncadd.s32 $0xFFFFC000  }
0x35: {  	[tilespmem:s16], [sflag:$0x1] =	stream.linear.gather [hbm4b:s0+s5], $0x80, $0x38;
	[tilespmem:$0x1E500] =	vst v63  }
0x36: {  	s10 =	simm.s32 $0x100  }
0x37: {  	[tilespmem:s18], [sflag:$0x3] =	stream.indirect.gather [hbm4b:s1+s17], $0x80, s10, s17, $0xb8;
	[tilespmem:$0x1E500] =	vst v63  }
0x38: {  	_ =	swait.ge [sflag:s21], $0x4000  }
0x39: {  	[sflag:s21] =	ssyncset.done $0x0  }
0x3a: {  	[sflag:s21] =	ssyncadd.s32 $0xFFFFC000  }
0x3b: {  	_ =	swait.ge [sflag:s22], $0x80  }
0x3c: {  	s7 =	simm.s32 $0x180;
	[sflag:s22] =	ssyncset.done $0x0  }
0x3d: {  	s0 =	sand.u32 $0x380, s7;
	[sflag:s22] =	ssyncadd.s32 $0xFFFFFF80  }
0x3e: {  	[spmem:s3] =	stream.indirect.scatter.add.f32 [tilespmem:s18], [sflag:$0x5], $0x80, s16, s17, $0xb8;
	[tilespmem:$0x1E500] =	vst v63  }
0x3f: {  	s0 =	sor.u32 s2, s0;
	_ =	swait.ge [sflag:s26], $0x4000  }
0x40: {  	s0 =	sshrl.u32 s0, $0x3;
	[sflag:s26] =	ssyncset.done $0x0  }
0x41: {  	s0 =	sadd.s32 s6, s0;
	[sflag:s26] =	ssyncadd.s32 $0xFFFFC000  }
0x42: {  	[tilespmem:s19], [sflag:$0x2] =	stream.linear.gather [hbm4b:s0+s5], $0x80, $0x38;
	[tilespmem:$0x1E500] =	vst v63  }
0x43: {  	s10 =	simm.s32 $0x180  }
0x44: {  	[tilespmem:s20], [sflag:$0x4] =	stream.indirect.gather [hbm4b:s1+s17], $0x80, s10, s17, $0xb8;
	[tilespmem:$0x1E500] =	vst v63  }
0x45: {  	_ =	swait.ge [sflag:s23], $0x4000  }
0x46: {  	s30 =	simm.s32 $0x280;
	s31 =	simm.s32 $0x380;
	[sflag:s23] =	ssyncset.done $0x0  }
0x47: {  	s29 =	simm.s32 $0x200;
	s0 =	simm.s32 $0x200;
	[sflag:s23] =	ssyncadd.s32 $0xFFFFC000  }
.LBB2_2:
0x48: {  	s7 =	sand.u32 $0x3C00, s0  }
0x49: {  	s10 =	sand.u32 $0x380, s30;
	s30 =	smov.u32 s31;
	s2 =	sadd.s32 $0x100, s31  }
0x4a: {  	s0 =	sand.u32 $0x300, s0;
	s7 =	sadd.s32 s4, s7;
	_ =	swait.ge [sflag:s24], $0x80  }
0x4b: {  	s0 =	sor.u32 s0, s7;
	s7 =	sor.u32 s7, s10;
	[sflag:s24] =	ssyncset.done $0x0  }
0x4c: {  	s0 =	sshrl.u32 s0, $0x3;
	s7 =	sshrl.u32 s7, $0x3;
	[sflag:s24] =	ssyncadd.s32 $0xFFFFFF80  }
0x4d: {  	[spmem:s3] =	stream.indirect.scatter.add.f32 [tilespmem:s20], [sflag:$0x6], $0x80, s19, s17, $0xb8;
	[tilespmem:$0x1E500] =	vst v63  }
0x4e: {  	p0 =	sne.s32 s31, $0x2780;
	_ =	swait.ge [sflag:s25], $0x4000  }
0x4f: {  	[sflag:s25] =	ssyncset.done $0x0  }
0x50: {  	s0 =	sadd.s32 s6, s0;
	[sflag:s25] =	ssyncadd.s32 $0xFFFFC000  }
0x51: {  	[tilespmem:s16], [sflag:$0x1] =	stream.linear.gather [hbm4b:s0+s5], $0x80, $0x38;
	[tilespmem:$0x1E500] =	vst v63  }
0x52: {  	_ = 	snop  }
0x53: {  	[tilespmem:s18], [sflag:$0x3] =	stream.indirect.gather [hbm4b:s1+s17], $0x80, s29, s17, $0xb8;
	[tilespmem:$0x1E500] =	vst v63  }
0x54: {  	_ =	swait.ge [sflag:s21], $0x4000  }
0x55: {  	[sflag:s21] =	ssyncset.done $0x0  }
0x56: {  	[sflag:s21] =	ssyncadd.s32 $0xFFFFC000  }
0x57: {  	_ =	swait.ge [sflag:s22], $0x80  }
0x58: {  	[sflag:s22] =	ssyncset.done $0x0  }
0x59: {  	[sflag:s22] =	ssyncadd.s32 $0xFFFFFF80  }
0x5a: {  	[spmem:s3] =	stream.indirect.scatter.add.f32 [tilespmem:s18], [sflag:$0x5], $0x80, s16, s17, $0xb8;
	[tilespmem:$0x1E500] =	vst v63  }
0x5b: {  	_ =	swait.ge [sflag:s26], $0x4000  }
0x5c: {  	[sflag:s26] =	ssyncset.done $0x0  }
0x5d: {  	s0 =	sadd.s32 s6, s7;
	[sflag:s26] =	ssyncadd.s32 $0xFFFFC000  }
0x5e: {  	[tilespmem:s19], [sflag:$0x2] =	stream.linear.gather [hbm4b:s0+s5], $0x80, $0x38;
	[tilespmem:$0x1E500] =	vst v63  }
.Ltmp0:
0x5f: {  	s0 =	sadd.s32 $0x80, s29;
	(pc) =	sbr.rel @p0 .LBB2_2-.Ltmp0, $4  }
0x60: {  	[tilespmem:s20], [sflag:$0x4] =	stream.indirect.gather [hbm4b:s1+s17], $0x80, s0, s17, $0xb8;
	[tilespmem:$0x1E500] =	vst v63  }
0x61: {  	_ =	swait.ge [sflag:s23], $0x4000  }
0x62: {  	s31 =	smov.u32 s2;
	[sflag:s23] =	ssyncset.done $0x0  }
0x63: {  	s29 =	sadd.s32 $0x100, s29;
	s0 =	sadd.s32 $0xFFFFFF80, s30;
	[sflag:s23] =	ssyncadd.s32 $0xFFFFC000  }
0x64: {  	_ =	swait.ge [sflag:s24], $0x80  }
0x65: {  	s2 =	sand.u32 $0x3C00, s0;
	[sflag:s24] =	ssyncset.done $0x0  }
0x66: {  	s10 =	sand.u32 $0x300, s0;
	s2 =	sadd.s32 s4, s2;
	[sflag:s24] =	ssyncadd.s32 $0xFFFFFF80  }
0x67: {  	[spmem:s3] =	stream.indirect.scatter.add.f32 [tilespmem:s20], [sflag:$0x6], $0x80, s19, s17, $0xb8;
	[tilespmem:$0x1E500] =	vst v63  }
0x68: {  	s0 =	sor.u32 s10, s2;
	_ =	swait.ge [sflag:s25], $0x4000  }
0x69: {  	s0 =	sshrl.u32 s0, $0x3;
	[sflag:s25] =	ssyncset.done $0x0  }
0x6a: {  	s0 =	sadd.s32 s6, s0;
	[sflag:s25] =	ssyncadd.s32 $0xFFFFC000  }
0x6b: {  	[tilespmem:s16], [sflag:$0x1] =	stream.linear.gather [hbm4b:s0+s5], $0x80, $0x38;
	[tilespmem:$0x1E500] =	vst v63  }
0x6c: {  	_ = 	snop  }
0x6d: {  	[tilespmem:s18], [sflag:$0x3] =	stream.indirect.gather [hbm4b:s1+s17], $0x80, s29, s17, $0xb8;
	[tilespmem:$0x1E500] =	vst v63  }
0x6e: {  	_ =	swait.ge [sflag:s21], $0x4000  }
0x6f: {  	[sflag:s21] =	ssyncset.done $0x0  }
0x70: {  	[sflag:s21] =	ssyncadd.s32 $0xFFFFC000  }
0x71: {  	_ =	swait.ge [sflag:s22], $0x80  }
0x72: {  	[sflag:s22] =	ssyncset.done $0x0  }
0x73: {  	s30 =	sand.u32 $0x380, s30;
	[sflag:s22] =	ssyncadd.s32 $0xFFFFFF80  }
0x74: {  	[spmem:s3] =	stream.indirect.scatter.add.f32 [tilespmem:s18], [sflag:$0x5], $0x80, s16, s17, $0xb8;
	[tilespmem:$0x1E500] =	vst v63  }
0x75: {  	s0 =	sor.u32 s2, s30;
	_ =	swait.ge [sflag:s26], $0x4000  }
0x76: {  	s0 =	sshrl.u32 s0, $0x3;
	[sflag:s26] =	ssyncset.done $0x0  }
0x77: {  	s0 =	sadd.s32 s6, s0;
	[sflag:s26] =	ssyncadd.s32 $0xFFFFC000  }
0x78: {  	[tilespmem:s19], [sflag:$0x2] =	stream.linear.gather [hbm4b:s0+s5], $0x80, $0x38;
	[tilespmem:$0x1E500] =	vst v63  }
0x79: {  	s31 =	sadd.s32 $0x80, s29  }
0x7a: {  	[tilespmem:s20], [sflag:$0x4] =	stream.indirect.gather [hbm4b:s1+s17], $0x80, s31, s17, $0xb8;
	[tilespmem:$0x1E500] =	vst v63  }
0x7b: {  	_ =	swait.ge [sflag:s23], $0x4000  }
0x7c: {  	[sflag:s23] =	ssyncset.done $0x0  }
0x7d: {  	[sflag:s23] =	ssyncadd.s32 $0xFFFFC000  }
0x7e: {  	_ =	swait.ge [sflag:s24], $0x80  }
0x7f: {  	[sflag:s24] =	ssyncset.done $0x0  }
0x80: {  	[sflag:s24] =	ssyncadd.s32 $0xFFFFFF80  }
0x81: {  	[spmem:s3] =	stream.indirect.scatter.add.f32 [tilespmem:s20], [sflag:$0x6], $0x80, s19, s17, $0xb8;
	[tilespmem:$0x1E500] =	vst v63  }
0x82: {  	_ =	swait.ge [sflag:s25], $0x4000  }
0x83: {  	[sflag:s25] =	ssyncset.done $0x0  }
0x84: {  	[sflag:s25] =	ssyncadd.s32 $0xFFFFC000  }
0x85: {  	_ =	swait.ge [sflag:s26], $0x4000  }
0x86: {  	s28 =	sadd.s32 $0x1, s28;
	[sflag:s26] =	ssyncset.done $0x0  }
0x87: {  	p0 =	sne.s32 s28, s13;
	[sflag:s26] =	ssyncadd.s32 $0xFFFFC000  }
.Ltmp1:
0x88: {  	[bflag:$0x0] =	sbarrier.arrive $0xFFFF;
	(pc) =	sbr.rel @p0 .LBB2_1-.Ltmp1, $4  }
0x89: {  	[hbm:s12], [sflag:s8] =	dma.local [spmem:s14], $0x2780  }
0x8a: {  	_ =	swait.ge [sflag:s15], $0x2780  }
0x8b: {  	[sflag:s15] =	ssyncset.done $0x0  }
0x8c: {  	[sflag:s15] =	ssyncadd.s32 $0xFFFFD880  }
0x8d: {  	_ =	sfence.sel $0x180000  }
0x8e: {  	[bflag:$0x0] =	sbarrier.arrive $0xFFFF  }
0x8f: {  	_ =	strace $0x90000053  }
0x90: {  	s0 =	stileid.u32;
	[bflag:$0x2] =	sbarrier.arrive $0xFFFF  }
0x91: {  	p0 =	sne.s32 s0, $0x0;
	s0 =	rddreg [dreg:$0x3]  }
0x92: {  	s0 =	sadd.s32 @!p0 $0x100000, s0  }
0x93: {  	[sflag:s0] =	ssyncadd.tile.s32 @!p0 $0x1;
	_ =	shalt  }
.Lfunc_end2:
_tile_overlayer_lowered:
.L_overlay_start_2:
0x94: {  	(tag) =	ssettag $0x2  }
0x95: {  	s0 =	rddreg [dreg:$0x0];
	s2 =	stileid.u32  }
0x96: {  	s1 =	rddreg [dreg:$0x1];
	p0 =	sne.s32 s2, $0x0  }
0x97: {  	s3 =	rddreg [dreg:$0x2];
	[bflag:$0x3] =	sbarrier.arrive $0xFFFF;
	s2 =	simm.s32 @!p0 $0x1C07  }
0x98: {  	[timem:s3], [sflag:s2] =	dma.local @!p0 [hbm:s0], s1  }
0x99: {  	s0 =	simm.s32 @!p0 $0x7  }
0x9a: {  	_ =	swait.ge @!p0 [sflag:s0], s1  }
0x9b: {  	s1 =	ssub.s32 @!p0 $0x0, s1;
	[sflag:s0] =	ssyncset.done @!p0 $0x0  }
0x9c: {  	[sflag:s0] =	ssyncadd.s32 @!p0 s1  }
0x9d: {  	[bflag:$0x3] =	sbarrier.arrive $0xFFFF  }
0x9e: {  	_ =	shalt  }

</sc_bundles>
